<compile_context>
chip_gen: v7x
topology: tpu7x:2x2x1
jax: 0.10.2.dev20260603
libtpu: 0.0.44.dev20260713+nightly
codegen_flags: <defaults>
</compile_context>

<pallas_src>
import functools

import jax
import jax.numpy as jnp
from jax import lax
from jax.experimental import pallas as pl
from jax.experimental.pallas import tpu as pltpu
from jax.experimental.pallas import tpu_sc as plsc

NUM_CORES = 2
NUM_SUBCORES = 16
LANES = 16
COL_TILE = 128


def _chunk_bases(e):
  full = e // LANES
  bases = [c * LANES for c in range(full)]
  if e % LANES:
    bases.append(e - LANES)
  return bases


@jax.jit
def kernel(user, games, user_table, game_table, wav_w, wav_b):
  s_len = games.shape[0]
  e = game_table.shape[1]
  rows_per_sub = -(-s_len // (NUM_SUBCORES * LANES)) * LANES
  slots = rows_per_sub * NUM_SUBCORES
  bases = _chunk_bases(e)
  n_chunks = len(bases)
  e_pad = n_chunks * LANES

  w_eff = wav_w[0, :, 0].astype(jnp.float32) / jnp.float32(e)
  w_pad = jnp.zeros((slots,), jnp.float32).at[:s_len].set(w_eff)
  w_bcast = jnp.broadcast_to(w_pad[:, None], (slots, LANES))
  idx_pad = jnp.zeros((slots,), jnp.int32).at[:s_len].set(games.astype(jnp.int32))
  user_idx = jnp.full((LANES,), user, dtype=jnp.int32)
  bias16 = jnp.broadcast_to(wav_b.astype(jnp.float32), (LANES,))

  mesh = plsc.VectorSubcoreMesh(
      core_axis_name="c", subcore_axis_name="s",
      num_cores=NUM_CORES, num_subcores=NUM_SUBCORES)

  @functools.partial(
      pl.kernel,
      out_type=jax.ShapeDtypeStruct((1, 3 * e), jnp.float32),
      mesh=mesh,
      compiler_params=pltpu.CompilerParams(use_tc_tiling_on_sc=True,
                                           needs_layout_passes=False),
      scratch_types=[
          pltpu.VMEM((rows_per_sub,), jnp.int32),
          pltpu.VMEM((rows_per_sub, LANES), jnp.float32),
          pltpu.VMEM((e, COL_TILE), jnp.float32),
          pltpu.VMEM((e, COL_TILE), jnp.float32),
          pltpu.VMEM((e_pad,), jnp.float32),
          pltpu.VMEM((NUM_SUBCORES, e_pad), jnp.float32),
          pltpu.VMEM((LANES,), jnp.int32),
          pltpu.VMEM((LANES,), jnp.float32),
          pltpu.VMEM((3 * e,), jnp.float32),
          pltpu.VMEM_SHARED((NUM_SUBCORES, e_pad), jnp.float32),
          pltpu.SemaphoreType.DMA,
          pltpu.SemaphoreType.DMA,
      ],
  )
  def sc_kernel(ut_hbm, gt_hbm, idx_hbm, wbc_hbm, uarr_hbm, bias_hbm, out_hbm,
                idx_v, w_v, blk0, blk1, partial_v, allp_v, uidx_v,
                bias_v, out_v, shared, sem0, sem1):
    sid = lax.axis_index("s")
    base = sid * rows_per_sub
    iota = lax.iota(jnp.int32, LANES)
    blks = (blk0, blk1)
    sems = (sem0, sem1)

    pltpu.sync_copy(idx_hbm.at[pl.ds(base, rows_per_sub)], idx_v)
    pltpu.sync_copy(wbc_hbm.at[pl.ds(base, rows_per_sub)], w_v)
    idx_vec = idx_v[:]

    def start_fetch(s):
      i = idx_vec[s]
      tile_base = (i // COL_TILE) * COL_TILE
      b = s % 2
      return (pltpu.async_copy(gt_hbm.at[:, pl.ds(tile_base, COL_TILE)],
                               blks[b], sems[b]),
              i - tile_base)

    acc = [jnp.zeros((LANES,), jnp.float32) for _ in range(n_chunks)]
    pending = start_fetch(0)
    for s in range(rows_per_sub):
      dma, c0 = pending
      dma.wait()
      if s + 1 < rows_per_sub:
        nxt = start_fetch(s + 1)
      wv = w_v[s, :]
      cols = jnp.broadcast_to(c0, (LANES,))
      blk = blks[s % 2]
      for c in range(n_chunks):
        v = plsc.load_gather(blk, [iota + bases[c], cols])
        acc[c] = acc[c] + wv * v
      if s + 1 < rows_per_sub:
        pending = nxt
    for c in range(n_chunks):
      partial_v[pl.ds(c * LANES, LANES)] = acc[c]

    pltpu.sync_copy(partial_v, shared.at[sid])
    plsc.subcore_barrier()

    @pl.when(sid == 0)
    def _():
      pltpu.sync_copy(uarr_hbm, uidx_v)
      uidx = uidx_v[:]
      u = uidx[0]
      utile = (u // COL_TILE) * COL_TILE
      udma = pltpu.async_copy(ut_hbm.at[:, pl.ds(utile, COL_TILE)], blk0, sem0)
      pltpu.sync_copy(bias_hbm, bias_v)
      pltpu.sync_copy(shared, allp_v)
      udma.wait()
      ucol = jnp.broadcast_to(u - utile, (LANES,))
      bias = bias_v[:]
      for c in range(n_chunks):
        wav = bias
        for t in range(NUM_SUBCORES):
          wav = wav + allp_v[t, pl.ds(c * LANES, LANES)]
        ue = plsc.load_gather(blk0, [iota + bases[c], ucol])
        o = bases[c]
        out_v[pl.ds(o, LANES)] = ue
        out_v[pl.ds(o + e, LANES)] = ue * wav
        out_v[pl.ds(o + 2 * e, LANES)] = wav
      pltpu.sync_copy(out_v, out_hbm.at[0])

  return sc_kernel(user_table.T, game_table.T, idx_pad, w_bcast,
                   user_idx, bias16)

# --- scband reference (transcript-rebuilt; emitter-appended) ---
"""Pipeline reference for scband-state-representation-32323923869833 (READ-ONLY COPY).

The authoritative reference and input builder live on the scoring server;
editing this copy changes nothing except your own understanding.
"""

import jax, jax.numpy as jnp
import numpy as np

USERS_NUM = 1000000
ITEMS_NUM = 1000000
STATE_SIZE = 200
EMBED_DIM = 100


def setup_inputs(seed: int = 0) -> dict:
    key = jax.random.key(seed)
    k1, k2, k3, k4, k5 = jax.random.split(key, 5)
    # user is a 0-d index (DRR-style per-state representation)
    user = jax.random.randint(k1, (), 0, USERS_NUM)
    games = jax.random.randint(k2, (STATE_SIZE,), 0, ITEMS_NUM)
    # parameters, initialized as in StateRepresentation.initialize()
    user_table = 0.01 * jax.random.normal(k3, (USERS_NUM, EMBED_DIM), dtype=jnp.float32)
    game_table = 0.01 * jax.random.normal(k4, (ITEMS_NUM, EMBED_DIM), dtype=jnp.float32)
    # xavier_uniform for Conv1d weight of shape (out_ch=1, in_ch=STATE_SIZE, k=1)
    bound = float(np.sqrt(6.0 / (STATE_SIZE * 1 + 1 * 1)))
    wav_w = jax.random.uniform(k5, (1, STATE_SIZE, 1), minval=-bound, maxval=bound, dtype=jnp.float32)
    wav_b = jnp.zeros((1,), dtype=jnp.float32)
    return {"user": user, "games": games, "user_table": user_table,
            "game_table": game_table, "wav_w": wav_w, "wav_b": wav_b}


def reference(user, games, user_table, game_table, wav_w, wav_b):
    # user_embedding(user).unsqueeze(0): 0-d idx -> [E] -> [1, E]
    ue = jnp.take(user_table, user, axis=0)[None, :]
    # game_embedding(games).unsqueeze(0): [S] idx -> [S, E] -> [1, S, E]
    ge = jnp.take(game_table, games, axis=0)[None, :, :]
    ge = ge / EMBED_DIM
    # Conv1d(state_size, 1, kernel=1): [1, S, E] -> [1, 1, E]
    wav = jnp.einsum('ncl,oc->nol', ge, wav_w[:, :, 0]) + wav_b[None, :, None]
    wav = wav[:, 0, :]  # squeeze(1) -> [1, E]
    user_wav = ue * wav  # [1, E]
    concat = jnp.concatenate([ue, user_wav, wav], axis=1)  # [1, 3E]
    return concat.reshape(concat.shape[0], -1)

if __name__ == "__main__":
    import jax
    _d = setup_inputs()
    print(jax.jit(kernel)(*tuple(_d.values())))

</pallas_src>

<mosaic_0001>
#map = affine_map<(d0, d1) -> (0, 0)>
#map1 = affine_map<(d0, d1) -> (0)>
module attributes {stable_mosaic.version = 14 : i64} {
  func.func @sc_kernel(%arg0: i32, %arg1: i32, %arg2: memref<100x1000000xf32, #tpu.memory_space<hbm>>, %arg3: memref<100x1000000xf32, #tpu.memory_space<hbm>>, %arg4: memref<256xi32, #tpu.memory_space<hbm>>, %arg5: memref<256x16xf32, #tpu.memory_space<hbm>>, %arg6: memref<16xi32, #tpu.memory_space<hbm>>, %arg7: memref<16xf32, #tpu.memory_space<hbm>>, %arg8: memref<1x300xf32, #tpu.memory_space<hbm>>, %arg9: memref<16xi32, #tpu.memory_space<vmem>>, %arg10: memref<16x16xf32, #tpu.memory_space<vmem>>, %arg11: memref<100x128xf32, #tpu.memory_space<vmem>>, %arg12: memref<100x128xf32, #tpu.memory_space<vmem>>, %arg13: memref<112xf32, #tpu.memory_space<vmem>>, %arg14: memref<16x112xf32, #tpu.memory_space<vmem>>, %arg15: memref<16xi32, #tpu.memory_space<vmem>>, %arg16: memref<16xf32, #tpu.memory_space<vmem>>, %arg17: memref<300xf32, #tpu.memory_space<vmem>>, %arg18: memref<16x112xf32, #tpu.memory_space<vmem_shared>>, %arg19: memref<!tpu.dma_semaphore, #tpu.memory_space<semaphore_mem>>, %arg20: memref<!tpu.dma_semaphore, #tpu.memory_space<semaphore_mem>>) attributes {dimension_semantics = [#tpu.dimension_semantics<core_parallel>, #tpu.dimension_semantics<subcore_parallel>], iteration_bounds = array<i64: 2, 16>, scalar_prefetch = 0 : i64, scratch_operands = 12 : i64, tpu.core_type = #tpu.core_type<sc_vector_subcore>, window_params = [{transform_indices = #map}, {transform_indices = #map}, {transform_indices = #map1}, {transform_indices = #map}, {transform_indices = #map1}, {transform_indices = #map1}, {transform_indices = #map}]} {
    %mul3A = arith.constant 16 : i32
    %mul3A_0 = arith.muli %arg1, %mul3A : i32
    %iota3A = tpu.iota {dimensions = array<i32: 0>} : vector<16xi32>
    "tpu.region"() ({
      %run_scoped3A = tpu.sem_alloc : memref<!tpu.dma_semaphore, #tpu.memory_space<semaphore_mem>>
      %dma_start3A_1360 = tpu.memref_slice %arg4[%mul3A_0] : memref<256xi32, #tpu.memory_space<hbm>> -> memref<16xi32, #tpu.memory_space<hbm>>
      %dma_start3A_1361 = tpu.memref_slice %arg4[%mul3A_0] : memref<256xi32, #tpu.memory_space<hbm>> -> memref<16xi32, #tpu.memory_space<hbm>>
      tpu.enqueue_dma source(%dma_start3A_1361 : memref<16xi32, #tpu.memory_space<hbm>>) target(%arg9 : memref<16xi32, #tpu.memory_space<vmem>>) target_semaphore(%run_scoped3A : memref<!tpu.dma_semaphore, #tpu.memory_space<semaphore_mem>>)
      %dma_wait3A_1362 = tpu.memref_slice %arg4[%mul3A_0] : memref<256xi32, #tpu.memory_space<hbm>> -> memref<16xi32, #tpu.memory_space<hbm>>
      %dma_wait3A_1363 = tpu.memref_slice %arg4[%mul3A_0] : memref<256xi32, #tpu.memory_space<hbm>> -> memref<16xi32, #tpu.memory_space<hbm>>
      tpu.wait_dma2 semaphore(%run_scoped3A : memref<!tpu.dma_semaphore, #tpu.memory_space<semaphore_mem>>) src(%dma_wait3A_1363 : memref<16xi32, #tpu.memory_space<hbm>>) dst(%arg9 : memref<16xi32, #tpu.memory_space<vmem>>)
      tpu.yield
    }) : () -> ()
    "tpu.region"() ({
      %run_scoped3A = tpu.sem_alloc : memref<!tpu.dma_semaphore, #tpu.memory_space<semaphore_mem>>
      %dma_start3A_1360 = arith.constant 0 : i32
      %dma_start3A_1361 = tpu.memref_slice %arg5[%mul3A_0, %dma_start3A_1360] : memref<256x16xf32, #tpu.memory_space<hbm>> -> memref<16x16xf32, #tpu.memory_space<hbm>>
      %dma_start3A_1362 = arith.constant 0 : i32
      %dma_start3A_1363 = tpu.memref_slice %arg5[%mul3A_0, %dma_start3A_1362] : memref<256x16xf32, #tpu.memory_space<hbm>> -> memref<16x16xf32, #tpu.memory_space<hbm>>
      tpu.enqueue_dma source(%dma_start3A_1363 : memref<16x16xf32, #tpu.memory_space<hbm>>) target(%arg10 : memref<16x16xf32, #tpu.memory_space<vmem>>) target_semaphore(%run_scoped3A : memref<!tpu.dma_semaphore, #tpu.memory_space<semaphore_mem>>)
      %dma_wait3A_1364 = arith.constant 0 : i32
      %dma_wait3A_1365 = tpu.memref_slice %arg5[%mul3A_0, %dma_wait3A_1364] : memref<256x16xf32, #tpu.memory_space<hbm>> -> memref<16x16xf32, #tpu.memory_space<hbm>>
      %dma_wait3A_1366 = arith.constant 0 : i32
      %dma_wait3A_1367 = tpu.memref_slice %arg5[%mul3A_0, %dma_wait3A_1366] : memref<256x16xf32, #tpu.memory_space<hbm>> -> memref<16x16xf32, #tpu.memory_space<hbm>>
      tpu.wait_dma2 semaphore(%run_scoped3A : memref<!tpu.dma_semaphore, #tpu.memory_space<semaphore_mem>>) src(%dma_wait3A_1367 : memref<16x16xf32, #tpu.memory_space<hbm>>) dst(%arg10 : memref<16x16xf32, #tpu.memory_space<vmem>>)
      tpu.yield
    }) : () -> ()
    %get3A = arith.constant 0 : index
    %get3A_1 = tpu.vector_load %arg9[%get3A] {strides = array<i32>} : memref<16xi32, #tpu.memory_space<vmem>>, vector<16xi32>,
    %broadcast_in_dim3A = arith.constant 0.000000e+00 : f32
    %broadcast_in_dim3A_2 = vector.broadcast %broadcast_in_dim3A : f32 to vector<16xf32>
    %broadcast_in_dim3A_3 = arith.constant 0.000000e+00 : f32
    %broadcast_in_dim3A_4 = vector.broadcast %broadcast_in_dim3A_3 : f32 to vector<16xf32>
    %broadcast_in_dim3A_5 = arith.constant 0.000000e+00 : f32
    %broadcast_in_dim3A_6 = vector.broadcast %broadcast_in_dim3A_5 : f32 to vector<16xf32>
    %broadcast_in_dim3A_7 = arith.constant 0.000000e+00 : f32
    %broadcast_in_dim3A_8 = vector.broadcast %broadcast_in_dim3A_7 : f32 to vector<16xf32>
    %broadcast_in_dim3A_9 = arith.constant 0.000000e+00 : f32
    %broadcast_in_dim3A_10 = vector.broadcast %broadcast_in_dim3A_9 : f32 to vector<16xf32>
    %broadcast_in_dim3A_11 = arith.constant 0.000000e+00 : f32
    %broadcast_in_dim3A_12 = vector.broadcast %broadcast_in_dim3A_11 : f32 to vector<16xf32>
    %broadcast_in_dim3A_13 = arith.constant 0.000000e+00 : f32
    %broadcast_in_dim3A_14 = vector.broadcast %broadcast_in_dim3A_13 : f32 to vector<16xf32>
    %slice3A = vector.extract_strided_slice %get3A_1 {offsets = [0], sizes = [1], strides = [1]} : vector<16xi32> to vector<1xi32>
    %squeeze3A = vector.extract %slice3A[0] : i32 from vector<1xi32>
    %jit3A = arith.constant 128 : i32
    %div3A = arith.divsi %squeeze3A, %jit3A : i32
    %sign3A = arith.constant 0 : i32
    %sign3A_15 = arith.cmpi sgt, %squeeze3A, %sign3A : i32
    %sign3A_16 = arith.extui %sign3A_15 : i1 to i32
    %sign3A_17 = arith.constant 0 : i32
    %sign3A_18 = arith.cmpi slt, %squeeze3A, %sign3A_17 : i32
    %sign3A_19 = arith.extui %sign3A_18 : i1 to i32
    %sign3A_20 = arith.subi %sign3A_16, %sign3A_19 : i32
    %sign3A_21 = arith.constant 0 : i32
    %sign3A_22 = arith.cmpi sgt, %jit3A, %sign3A_21 : i32
    %sign3A_23 = arith.extui %sign3A_22 : i1 to i32
    %sign3A_24 = arith.constant 0 : i32
    %sign3A_25 = arith.cmpi slt, %jit3A, %sign3A_24 : i32
    %sign3A_26 = arith.extui %sign3A_25 : i1 to i32
    %sign3A_27 = arith.subi %sign3A_23, %sign3A_26 : i32
    %ne3A = arith.cmpi ne, %sign3A_20, %sign3A_27 : i32
    %rem3A = arith.remsi %squeeze3A, %jit3A : i32
    %ne3A_28 = arith.constant 0 : i32
    %ne3A_29 = arith.cmpi ne, %rem3A, %ne3A_28 : i32
    %and3A = arith.andi %ne3A, %ne3A_29 : i1
    %sub3A = arith.constant 1 : i32
    %sub3A_30 = arith.subi %div3A, %sub3A : i32
    %select_n3A = arith.select %and3A, %sub3A_30, %div3A : i32
    %mul3A_31 = arith.constant 128 : i32
    %mul3A_32 = arith.muli %select_n3A, %mul3A_31 : i32
    %dma_start3A = arith.constant 0 : i32
    %dma_start3A_33 = tpu.memref_slice %arg3[%dma_start3A, %mul3A_32] : memref<100x1000000xf32, #tpu.memory_space<hbm>> -> memref<100x128xf32, #tpu.memory_space<hbm>>
    %dma_start3A_34 = arith.constant 0 : i32
    %dma_start3A_35 = tpu.memref_slice %arg3[%dma_start3A_34, %mul3A_32] : memref<100x1000000xf32, #tpu.memory_space<hbm>> -> memref<100x128xf32, #tpu.memory_space<hbm>>
    tpu.enqueue_dma source(%dma_start3A_35 : memref<100x128xf32, #tpu.memory_space<hbm>>) target(%arg11 : memref<100x128xf32, #tpu.memory_space<vmem>>) target_semaphore(%arg19 : memref<!tpu.dma_semaphore, #tpu.memory_space<semaphore_mem>>)
    %sub3A_36 = arith.subi %squeeze3A, %mul3A_32 : i32
    %dma_wait3A = arith.constant 0 : i32
    %dma_wait3A_37 = tpu.memref_slice %arg3[%dma_wait3A, %mul3A_32] : memref<100x1000000xf32, #tpu.memory_space<hbm>> -> memref<100x128xf32, #tpu.memory_space<hbm>>
    %dma_wait3A_38 = arith.constant 0 : i32
    %dma_wait3A_39 = tpu.memref_slice %arg3[%dma_wait3A_38, %mul3A_32] : memref<100x1000000xf32, #tpu.memory_space<hbm>> -> memref<100x128xf32, #tpu.memory_space<hbm>>
    tpu.wait_dma2 semaphore(%arg19 : memref<!tpu.dma_semaphore, #tpu.memory_space<semaphore_mem>>) src(%dma_wait3A_39 : memref<100x128xf32, #tpu.memory_space<hbm>>) dst(%arg11 : memref<100x128xf32, #tpu.memory_space<vmem>>)
    %slice3A_40 = vector.extract_strided_slice %get3A_1 {offsets = [1], sizes = [1], strides = [1]} : vector<16xi32> to vector<1xi32>
    %squeeze3A_41 = vector.extract %slice3A_40[0] : i32 from vector<1xi32>
    %jit3A_42 = arith.constant 128 : i32
    %div3A_43 = arith.divsi %squeeze3A_41, %jit3A_42 : i32
    %sign3A_44 = arith.constant 0 : i32
    %sign3A_45 = arith.cmpi sgt, %squeeze3A_41, %sign3A_44 : i32
    %sign3A_46 = arith.extui %sign3A_45 : i1 to i32
    %sign3A_47 = arith.constant 0 : i32
    %sign3A_48 = arith.cmpi slt, %squeeze3A_41, %sign3A_47 : i32
    %sign3A_49 = arith.extui %sign3A_48 : i1 to i32
    %sign3A_50 = arith.subi %sign3A_46, %sign3A_49 : i32
    %sign3A_51 = arith.constant 0 : i32
    %sign3A_52 = arith.cmpi sgt, %jit3A_42, %sign3A_51 : i32
    %sign3A_53 = arith.extui %sign3A_52 : i1 to i32
    %sign3A_54 = arith.constant 0 : i32
    %sign3A_55 = arith.cmpi slt, %jit3A_42, %sign3A_54 : i32
    %sign3A_56 = arith.extui %sign3A_55 : i1 to i32
    %sign3A_57 = arith.subi %sign3A_53, %sign3A_56 : i32
    %ne3A_58 = arith.cmpi ne, %sign3A_50, %sign3A_57 : i32
    %rem3A_59 = arith.remsi %squeeze3A_41, %jit3A_42 : i32
    %ne3A_60 = arith.constant 0 : i32
    %ne3A_61 = arith.cmpi ne, %rem3A_59, %ne3A_60 : i32
    %and3A_62 = arith.andi %ne3A_58, %ne3A_61 : i1
    %sub3A_63 = arith.constant 1 : i32
    %sub3A_64 = arith.subi %div3A_43, %sub3A_63 : i32
    %select_n3A_65 = arith.select %and3A_62, %sub3A_64, %div3A_43 : i32
    %mul3A_66 = arith.constant 128 : i32
    %mul3A_67 = arith.muli %select_n3A_65, %mul3A_66 : i32
    %dma_start3A_68 = arith.constant 0 : i32
    %dma_start3A_69 = tpu.memref_slice %arg3[%dma_start3A_68, %mul3A_67] : memref<100x1000000xf32, #tpu.memory_space<hbm>> -> memref<100x128xf32, #tpu.memory_space<hbm>>
    %dma_start3A_70 = arith.constant 0 : i32
    %dma_start3A_71 = tpu.memref_slice %arg3[%dma_start3A_70, %mul3A_67] : memref<100x1000000xf32, #tpu.memory_space<hbm>> -> memref<100x128xf32, #tpu.memory_space<hbm>>
    tpu.enqueue_dma source(%dma_start3A_71 : memref<100x128xf32, #tpu.memory_space<hbm>>) target(%arg12 : memref<100x128xf32, #tpu.memory_space<vmem>>) target_semaphore(%arg20 : memref<!tpu.dma_semaphore, #tpu.memory_space<semaphore_mem>>)
    %sub3A_72 = arith.subi %squeeze3A_41, %mul3A_67 : i32
    %get3A_73 = arith.constant 0 : i32
    %get3A_74 = arith.index_cast %get3A_73 : i32 to index
    %get3A_75 = arith.constant 0 : index
    %get3A_76 = tpu.vector_load %arg10[%get3A_74, %get3A_75] {strides = array<i32>} : memref<16x16xf32, #tpu.memory_space<vmem>>, vector<16xf32>,
    %broadcast_in_dim3A_77 = vector.broadcast %sub3A_36 : i32 to vector<16xi32>
    %add3A = arith.constant 0 : i32
    %add3A_78 = vector.broadcast %add3A : i32 to vector<16xi32>
    %add3A_79 = arith.addi %iota3A, %add3A_78 : vector<16xi32>
    %gather3A = tpu.vector_load_idx %arg11[%add3A_79, %broadcast_in_dim3A_77] : memref<100x128xf32, #tpu.memory_space<vmem>>[vector<16xi32>, vector<16xi32>], vector<16xf32>,
    %mul3A_80 = arith.mulf %get3A_76, %gather3A : vector<16xf32>
    %add3A_81 = arith.addf %broadcast_in_dim3A_2, %mul3A_80 : vector<16xf32>
    %add3A_82 = arith.constant 16 : i32
    %add3A_83 = vector.broadcast %add3A_82 : i32 to vector<16xi32>
    %add3A_84 = arith.addi %iota3A, %add3A_83 : vector<16xi32>
    %gather3A_85 = tpu.vector_load_idx %arg11[%add3A_84, %broadcast_in_dim3A_77] : memref<100x128xf32, #tpu.memory_space<vmem>>[vector<16xi32>, vector<16xi32>], vector<16xf32>,
    %mul3A_86 = arith.mulf %get3A_76, %gather3A_85 : vector<16xf32>
    %add3A_87 = arith.addf %broadcast_in_dim3A_4, %mul3A_86 : vector<16xf32>
    %add3A_88 = arith.constant 32 : i32
    %add3A_89 = vector.broadcast %add3A_88 : i32 to vector<16xi32>
    %add3A_90 = arith.addi %iota3A, %add3A_89 : vector<16xi32>
    %gather3A_91 = tpu.vector_load_idx %arg11[%add3A_90, %broadcast_in_dim3A_77] : memref<100x128xf32, #tpu.memory_space<vmem>>[vector<16xi32>, vector<16xi32>], vector<16xf32>,
    %mul3A_92 = arith.mulf %get3A_76, %gather3A_91 : vector<16xf32>
    %add3A_93 = arith.addf %broadcast_in_dim3A_6, %mul3A_92 : vector<16xf32>
    %add3A_94 = arith.constant 48 : i32
    %add3A_95 = vector.broadcast %add3A_94 : i32 to vector<16xi32>
    %add3A_96 = arith.addi %iota3A, %add3A_95 : vector<16xi32>
    %gather3A_97 = tpu.vector_load_idx %arg11[%add3A_96, %broadcast_in_dim3A_77] : memref<100x128xf32, #tpu.memory_space<vmem>>[vector<16xi32>, vector<16xi32>], vector<16xf32>,
    %mul3A_98 = arith.mulf %get3A_76, %gather3A_97 : vector<16xf32>
    %add3A_99 = arith.addf %broadcast_in_dim3A_8, %mul3A_98 : vector<16xf32>
    %add3A_100 = arith.constant 64 : i32
    %add3A_101 = vector.broadcast %add3A_100 : i32 to vector<16xi32>
    %add3A_102 = arith.addi %iota3A, %add3A_101 : vector<16xi32>
    %gather3A_103 = tpu.vector_load_idx %arg11[%add3A_102, %broadcast_in_dim3A_77] : memref<100x128xf32, #tpu.memory_space<vmem>>[vector<16xi32>, vector<16xi32>], vector<16xf32>,
    %mul3A_104 = arith.mulf %get3A_76, %gather3A_103 : vector<16xf32>
    %add3A_105 = arith.addf %broadcast_in_dim3A_10, %mul3A_104 : vector<16xf32>
    %add3A_106 = arith.constant 80 : i32
    %add3A_107 = vector.broadcast %add3A_106 : i32 to vector<16xi32>
    %add3A_108 = arith.addi %iota3A, %add3A_107 : vector<16xi32>
    %gather3A_109 = tpu.vector_load_idx %arg11[%add3A_108, %broadcast_in_dim3A_77] : memref<100x128xf32, #tpu.memory_space<vmem>>[vector<16xi32>, vector<16xi32>], vector<16xf32>,
    %mul3A_110 = arith.mulf %get3A_76, %gather3A_109 : vector<16xf32>
    %add3A_111 = arith.addf %broadcast_in_dim3A_12, %mul3A_110 : vector<16xf32>
    %add3A_112 = arith.constant 84 : i32
    %add3A_113 = vector.broadcast %add3A_112 : i32 to vector<16xi32>
    %add3A_114 = arith.addi %iota3A, %add3A_113 : vector<16xi32>
    %gather3A_115 = tpu.vector_load_idx %arg11[%add3A_114, %broadcast_in_dim3A_77] : memref<100x128xf32, #tpu.memory_space<vmem>>[vector<16xi32>, vector<16xi32>], vector<16xf32>,
    %mul3A_116 = arith.mulf %get3A_76, %gather3A_115 : vector<16xf32>
    %add3A_117 = arith.addf %broadcast_in_dim3A_14, %mul3A_116 : vector<16xf32>
    %dma_wait3A_118 = arith.constant 0 : i32
    %dma_wait3A_119 = tpu.memref_slice %arg3[%dma_wait3A_118, %mul3A_67] : memref<100x1000000xf32, #tpu.memory_space<hbm>> -> memref<100x128xf32, #tpu.memory_space<hbm>>
    %dma_wait3A_120 = arith.constant 0 : i32
    %dma_wait3A_121 = tpu.memref_slice %arg3[%dma_wait3A_120, %mul3A_67] : memref<100x1000000xf32, #tpu.memory_space<hbm>> -> memref<100x128xf32, #tpu.memory_space<hbm>>
    tpu.wait_dma2 semaphore(%arg20 : memref<!tpu.dma_semaphore, #tpu.memory_space<semaphore_mem>>) src(%dma_wait3A_121 : memref<100x128xf32, #tpu.memory_space<hbm>>) dst(%arg12 : memref<100x128xf32, #tpu.memory_space<vmem>>)
    %slice3A_122 = vector.extract_strided_slice %get3A_1 {offsets = [2], sizes = [1], strides = [1]} : vector<16xi32> to vector<1xi32>
    %squeeze3A_123 = vector.extract %slice3A_122[0] : i32 from vector<1xi32>
    %jit3A_124 = arith.constant 128 : i32
    %div3A_125 = arith.divsi %squeeze3A_123, %jit3A_124 : i32
    %sign3A_126 = arith.constant 0 : i32
    %sign3A_127 = arith.cmpi sgt, %squeeze3A_123, %sign3A_126 : i32
    %sign3A_128 = arith.extui %sign3A_127 : i1 to i32
    %sign3A_129 = arith.constant 0 : i32
    %sign3A_130 = arith.cmpi slt, %squeeze3A_123, %sign3A_129 : i32
    %sign3A_131 = arith.extui %sign3A_130 : i1 to i32
    %sign3A_132 = arith.subi %sign3A_128, %sign3A_131 : i32
    %sign3A_133 = arith.constant 0 : i32
    %sign3A_134 = arith.cmpi sgt, %jit3A_124, %sign3A_133 : i32
    %sign3A_135 = arith.extui %sign3A_134 : i1 to i32
    %sign3A_136 = arith.constant 0 : i32
    %sign3A_137 = arith.cmpi slt, %jit3A_124, %sign3A_136 : i32
    %sign3A_138 = arith.extui %sign3A_137 : i1 to i32
    %sign3A_139 = arith.subi %sign3A_135, %sign3A_138 : i32
    %ne3A_140 = arith.cmpi ne, %sign3A_132, %sign3A_139 : i32
    %rem3A_141 = arith.remsi %squeeze3A_123, %jit3A_124 : i32
    %ne3A_142 = arith.constant 0 : i32
    %ne3A_143 = arith.cmpi ne, %rem3A_141, %ne3A_142 : i32
    %and3A_144 = arith.andi %ne3A_140, %ne3A_143 : i1
    %sub3A_145 = arith.constant 1 : i32
    %sub3A_146 = arith.subi %div3A_125, %sub3A_145 : i32
    %select_n3A_147 = arith.select %and3A_144, %sub3A_146, %div3A_125 : i32
    %mul3A_148 = arith.constant 128 : i32
    %mul3A_149 = arith.muli %select_n3A_147, %mul3A_148 : i32
    %dma_start3A_150 = arith.constant 0 : i32
    %dma_start3A_151 = tpu.memref_slice %arg3[%dma_start3A_150, %mul3A_149] : memref<100x1000000xf32, #tpu.memory_space<hbm>> -> memref<100x128xf32, #tpu.memory_space<hbm>>
    %dma_start3A_152 = arith.constant 0 : i32
    %dma_start3A_153 = tpu.memref_slice %arg3[%dma_start3A_152, %mul3A_149] : memref<100x1000000xf32, #tpu.memory_space<hbm>> -> memref<100x128xf32, #tpu.memory_space<hbm>>
    tpu.enqueue_dma source(%dma_start3A_153 : memref<100x128xf32, #tpu.memory_space<hbm>>) target(%arg11 : memref<100x128xf32, #tpu.memory_space<vmem>>) target_semaphore(%arg19 : memref<!tpu.dma_semaphore, #tpu.memory_space<semaphore_mem>>)
    %sub3A_154 = arith.subi %squeeze3A_123, %mul3A_149 : i32
    %get3A_155 = arith.constant 1 : i32
    %get3A_156 = arith.index_cast %get3A_155 : i32 to index
    %get3A_157 = arith.constant 0 : index
    %get3A_158 = tpu.vector_load %arg10[%get3A_156, %get3A_157] {strides = array<i32>} : memref<16x16xf32, #tpu.memory_space<vmem>>, vector<16xf32>,
    %broadcast_in_dim3A_159 = vector.broadcast %sub3A_72 : i32 to vector<16xi32>
    %add3A_160 = arith.constant 0 : i32
    %add3A_161 = vector.broadcast %add3A_160 : i32 to vector<16xi32>
    %add3A_162 = arith.addi %iota3A, %add3A_161 : vector<16xi32>
    %gather3A_163 = tpu.vector_load_idx %arg12[%add3A_162, %broadcast_in_dim3A_159] : memref<100x128xf32, #tpu.memory_space<vmem>>[vector<16xi32>, vector<16xi32>], vector<16xf32>,
    %mul3A_164 = arith.mulf %get3A_158, %gather3A_163 : vector<16xf32>
    %add3A_165 = arith.addf %add3A_81, %mul3A_164 : vector<16xf32>
    %add3A_166 = arith.constant 16 : i32
    %add3A_167 = vector.broadcast %add3A_166 : i32 to vector<16xi32>
    %add3A_168 = arith.addi %iota3A, %add3A_167 : vector<16xi32>
    %gather3A_169 = tpu.vector_load_idx %arg12[%add3A_168, %broadcast_in_dim3A_159] : memref<100x128xf32, #tpu.memory_space<vmem>>[vector<16xi32>, vector<16xi32>], vector<16xf32>,
    %mul3A_170 = arith.mulf %get3A_158, %gather3A_169 : vector<16xf32>
    %add3A_171 = arith.addf %add3A_87, %mul3A_170 : vector<16xf32>
    %add3A_172 = arith.constant 32 : i32
    %add3A_173 = vector.broadcast %add3A_172 : i32 to vector<16xi32>
    %add3A_174 = arith.addi %iota3A, %add3A_173 : vector<16xi32>
    %gather3A_175 = tpu.vector_load_idx %arg12[%add3A_174, %broadcast_in_dim3A_159] : memref<100x128xf32, #tpu.memory_space<vmem>>[vector<16xi32>, vector<16xi32>], vector<16xf32>,
    %mul3A_176 = arith.mulf %get3A_158, %gather3A_175 : vector<16xf32>
    %add3A_177 = arith.addf %add3A_93, %mul3A_176 : vector<16xf32>
    %add3A_178 = arith.constant 48 : i32
    %add3A_179 = vector.broadcast %add3A_178 : i32 to vector<16xi32>
    %add3A_180 = arith.addi %iota3A, %add3A_179 : vector<16xi32>
    %gather3A_181 = tpu.vector_load_idx %arg12[%add3A_180, %broadcast_in_dim3A_159] : memref<100x128xf32, #tpu.memory_space<vmem>>[vector<16xi32>, vector<16xi32>], vector<16xf32>,
    %mul3A_182 = arith.mulf %get3A_158, %gather3A_181 : vector<16xf32>
    %add3A_183 = arith.addf %add3A_99, %mul3A_182 : vector<16xf32>
    %add3A_184 = arith.constant 64 : i32
    %add3A_185 = vector.broadcast %add3A_184 : i32 to vector<16xi32>
    %add3A_186 = arith.addi %iota3A, %add3A_185 : vector<16xi32>
    %gather3A_187 = tpu.vector_load_idx %arg12[%add3A_186, %broadcast_in_dim3A_159] : memref<100x128xf32, #tpu.memory_space<vmem>>[vector<16xi32>, vector<16xi32>], vector<16xf32>,
    %mul3A_188 = arith.mulf %get3A_158, %gather3A_187 : vector<16xf32>
    %add3A_189 = arith.addf %add3A_105, %mul3A_188 : vector<16xf32>
    %add3A_190 = arith.constant 80 : i32
    %add3A_191 = vector.broadcast %add3A_190 : i32 to vector<16xi32>
    %add3A_192 = arith.addi %iota3A, %add3A_191 : vector<16xi32>
    %gather3A_193 = tpu.vector_load_idx %arg12[%add3A_192, %broadcast_in_dim3A_159] : memref<100x128xf32, #tpu.memory_space<vmem>>[vector<16xi32>, vector<16xi32>], vector<16xf32>,
    %mul3A_194 = arith.mulf %get3A_158, %gather3A_193 : vector<16xf32>
    %add3A_195 = arith.addf %add3A_111, %mul3A_194 : vector<16xf32>
    %add3A_196 = arith.constant 84 : i32
    %add3A_197 = vector.broadcast %add3A_196 : i32 to vector<16xi32>
    %add3A_198 = arith.addi %iota3A, %add3A_197 : vector<16xi32>
    %gather3A_199 = tpu.vector_load_idx %arg12[%add3A_198, %broadcast_in_dim3A_159] : memref<100x128xf32, #tpu.memory_space<vmem>>[vector<16xi32>, vector<16xi32>], vector<16xf32>,
    %mul3A_200 = arith.mulf %get3A_158, %gather3A_199 : vector<16xf32>
    %add3A_201 = arith.addf %add3A_117, %mul3A_200 : vector<16xf32>
    %dma_wait3A_202 = arith.constant 0 : i32
    %dma_wait3A_203 = tpu.memref_slice %arg3[%dma_wait3A_202, %mul3A_149] : memref<100x1000000xf32, #tpu.memory_space<hbm>> -> memref<100x128xf32, #tpu.memory_space<hbm>>
    %dma_wait3A_204 = arith.constant 0 : i32
    %dma_wait3A_205 = tpu.memref_slice %arg3[%dma_wait3A_204, %mul3A_149] : memref<100x1000000xf32, #tpu.memory_space<hbm>> -> memref<100x128xf32, #tpu.memory_space<hbm>>
    tpu.wait_dma2 semaphore(%arg19 : memref<!tpu.dma_semaphore, #tpu.memory_space<semaphore_mem>>) src(%dma_wait3A_205 : memref<100x128xf32, #tpu.memory_space<hbm>>) dst(%arg11 : memref<100x128xf32, #tpu.memory_space<vmem>>)
    %slice3A_206 = vector.extract_strided_slice %get3A_1 {offsets = [3], sizes = [1], strides = [1]} : vector<16xi32> to vector<1xi32>
    %squeeze3A_207 = vector.extract %slice3A_206[0] : i32 from vector<1xi32>
    %jit3A_208 = arith.constant 128 : i32
    %div3A_209 = arith.divsi %squeeze3A_207, %jit3A_208 : i32
    %sign3A_210 = arith.constant 0 : i32
    %sign3A_211 = arith.cmpi sgt, %squeeze3A_207, %sign3A_210 : i32
    %sign3A_212 = arith.extui %sign3A_211 : i1 to i32
    %sign3A_213 = arith.constant 0 : i32
    %sign3A_214 = arith.cmpi slt, %squeeze3A_207, %sign3A_213 : i32
    %sign3A_215 = arith.extui %sign3A_214 : i1 to i32
    %sign3A_216 = arith.subi %sign3A_212, %sign3A_215 : i32
    %sign3A_217 = arith.constant 0 : i32
    %sign3A_218 = arith.cmpi sgt, %jit3A_208, %sign3A_217 : i32
    %sign3A_219 = arith.extui %sign3A_218 : i1 to i32
    %sign3A_220 = arith.constant 0 : i32
    %sign3A_221 = arith.cmpi slt, %jit3A_208, %sign3A_220 : i32
    %sign3A_222 = arith.extui %sign3A_221 : i1 to i32
    %sign3A_223 = arith.subi %sign3A_219, %sign3A_222 : i32
    %ne3A_224 = arith.cmpi ne, %sign3A_216, %sign3A_223 : i32
    %rem3A_225 = arith.remsi %squeeze3A_207, %jit3A_208 : i32
    %ne3A_226 = arith.constant 0 : i32
    %ne3A_227 = arith.cmpi ne, %rem3A_225, %ne3A_226 : i32
    %and3A_228 = arith.andi %ne3A_224, %ne3A_227 : i1
    %sub3A_229 = arith.constant 1 : i32
    %sub3A_230 = arith.subi %div3A_209, %sub3A_229 : i32
    %select_n3A_231 = arith.select %and3A_228, %sub3A_230, %div3A_209 : i32
    %mul3A_232 = arith.constant 128 : i32
    %mul3A_233 = arith.muli %select_n3A_231, %mul3A_232 : i32
    %dma_start3A_234 = arith.constant 0 : i32
    %dma_start3A_235 = tpu.memref_slice %arg3[%dma_start3A_234, %mul3A_233] : memref<100x1000000xf32, #tpu.memory_space<hbm>> -> memref<100x128xf32, #tpu.memory_space<hbm>>
    %dma_start3A_236 = arith.constant 0 : i32
    %dma_start3A_237 = tpu.memref_slice %arg3[%dma_start3A_236, %mul3A_233] : memref<100x1000000xf32, #tpu.memory_space<hbm>> -> memref<100x128xf32, #tpu.memory_space<hbm>>
    tpu.enqueue_dma source(%dma_start3A_237 : memref<100x128xf32, #tpu.memory_space<hbm>>) target(%arg12 : memref<100x128xf32, #tpu.memory_space<vmem>>) target_semaphore(%arg20 : memref<!tpu.dma_semaphore, #tpu.memory_space<semaphore_mem>>)
    %sub3A_238 = arith.subi %squeeze3A_207, %mul3A_233 : i32
    %get3A_239 = arith.constant 2 : i32
    %get3A_240 = arith.index_cast %get3A_239 : i32 to index
    %get3A_241 = arith.constant 0 : index
    %get3A_242 = tpu.vector_load %arg10[%get3A_240, %get3A_241] {strides = array<i32>} : memref<16x16xf32, #tpu.memory_space<vmem>>, vector<16xf32>,
    %broadcast_in_dim3A_243 = vector.broadcast %sub3A_154 : i32 to vector<16xi32>
    %add3A_244 = arith.constant 0 : i32
    %add3A_245 = vector.broadcast %add3A_244 : i32 to vector<16xi32>
    %add3A_246 = arith.addi %iota3A, %add3A_245 : vector<16xi32>
    %gather3A_247 = tpu.vector_load_idx %arg11[%add3A_246, %broadcast_in_dim3A_243] : memref<100x128xf32, #tpu.memory_space<vmem>>[vector<16xi32>, vector<16xi32>], vector<16xf32>,
    %mul3A_248 = arith.mulf %get3A_242, %gather3A_247 : vector<16xf32>
    %add3A_249 = arith.addf %add3A_165, %mul3A_248 : vector<16xf32>
    %add3A_250 = arith.constant 16 : i32
    %add3A_251 = vector.broadcast %add3A_250 : i32 to vector<16xi32>
    %add3A_252 = arith.addi %iota3A, %add3A_251 : vector<16xi32>
    %gather3A_253 = tpu.vector_load_idx %arg11[%add3A_252, %broadcast_in_dim3A_243] : memref<100x128xf32, #tpu.memory_space<vmem>>[vector<16xi32>, vector<16xi32>], vector<16xf32>,
    %mul3A_254 = arith.mulf %get3A_242, %gather3A_253 : vector<16xf32>
    %add3A_255 = arith.addf %add3A_171, %mul3A_254 : vector<16xf32>
    %add3A_256 = arith.constant 32 : i32
    %add3A_257 = vector.broadcast %add3A_256 : i32 to vector<16xi32>
    %add3A_258 = arith.addi %iota3A, %add3A_257 : vector<16xi32>
    %gather3A_259 = tpu.vector_load_idx %arg11[%add3A_258, %broadcast_in_dim3A_243] : memref<100x128xf32, #tpu.memory_space<vmem>>[vector<16xi32>, vector<16xi32>], vector<16xf32>,
    %mul3A_260 = arith.mulf %get3A_242, %gather3A_259 : vector<16xf32>
    %add3A_261 = arith.addf %add3A_177, %mul3A_260 : vector<16xf32>
    %add3A_262 = arith.constant 48 : i32
    %add3A_263 = vector.broadcast %add3A_262 : i32 to vector<16xi32>
    %add3A_264 = arith.addi %iota3A, %add3A_263 : vector<16xi32>
    %gather3A_265 = tpu.vector_load_idx %arg11[%add3A_264, %broadcast_in_dim3A_243] : memref<100x128xf32, #tpu.memory_space<vmem>>[vector<16xi32>, vector<16xi32>], vector<16xf32>,
    %mul3A_266 = arith.mulf %get3A_242, %gather3A_265 : vector<16xf32>
    %add3A_267 = arith.addf %add3A_183, %mul3A_266 : vector<16xf32>
    %add3A_268 = arith.constant 64 : i32
    %add3A_269 = vector.broadcast %add3A_268 : i32 to vector<16xi32>
    %add3A_270 = arith.addi %iota3A, %add3A_269 : vector<16xi32>
    %gather3A_271 = tpu.vector_load_idx %arg11[%add3A_270, %broadcast_in_dim3A_243] : memref<100x128xf32, #tpu.memory_space<vmem>>[vector<16xi32>, vector<16xi32>], vector<16xf32>,
    %mul3A_272 = arith.mulf %get3A_242, %gather3A_271 : vector<16xf32>
    %add3A_273 = arith.addf %add3A_189, %mul3A_272 : vector<16xf32>
    %add3A_274 = arith.constant 80 : i32
    %add3A_275 = vector.broadcast %add3A_274 : i32 to vector<16xi32>
    %add3A_276 = arith.addi %iota3A, %add3A_275 : vector<16xi32>
    %gather3A_277 = tpu.vector_load_idx %arg11[%add3A_276, %broadcast_in_dim3A_243] : memref<100x128xf32, #tpu.memory_space<vmem>>[vector<16xi32>, vector<16xi32>], vector<16xf32>,
    %mul3A_278 = arith.mulf %get3A_242, %gather3A_277 : vector<16xf32>
    %add3A_279 = arith.addf %add3A_195, %mul3A_278 : vector<16xf32>
    %add3A_280 = arith.constant 84 : i32
    %add3A_281 = vector.broadcast %add3A_280 : i32 to vector<16xi32>
    %add3A_282 = arith.addi %iota3A, %add3A_281 : vector<16xi32>
    %gather3A_283 = tpu.vector_load_idx %arg11[%add3A_282, %broadcast_in_dim3A_243] : memref<100x128xf32, #tpu.memory_space<vmem>>[vector<16xi32>, vector<16xi32>], vector<16xf32>,
    %mul3A_284 = arith.mulf %get3A_242, %gather3A_283 : vector<16xf32>
    %add3A_285 = arith.addf %add3A_201, %mul3A_284 : vector<16xf32>
    %dma_wait3A_286 = arith.constant 0 : i32
    %dma_wait3A_287 = tpu.memref_slice %arg3[%dma_wait3A_286, %mul3A_233] : memref<100x1000000xf32, #tpu.memory_space<hbm>> -> memref<100x128xf32, #tpu.memory_space<hbm>>
    %dma_wait3A_288 = arith.constant 0 : i32
    %dma_wait3A_289 = tpu.memref_slice %arg3[%dma_wait3A_288, %mul3A_233] : memref<100x1000000xf32, #tpu.memory_space<hbm>> -> memref<100x128xf32, #tpu.memory_space<hbm>>
    tpu.wait_dma2 semaphore(%arg20 : memref<!tpu.dma_semaphore, #tpu.memory_space<semaphore_mem>>) src(%dma_wait3A_289 : memref<100x128xf32, #tpu.memory_space<hbm>>) dst(%arg12 : memref<100x128xf32, #tpu.memory_space<vmem>>)
    %slice3A_290 = vector.extract_strided_slice %get3A_1 {offsets = [4], sizes = [1], strides = [1]} : vector<16xi32> to vector<1xi32>
    %squeeze3A_291 = vector.extract %slice3A_290[0] : i32 from vector<1xi32>
    %jit3A_292 = arith.constant 128 : i32
    %div3A_293 = arith.divsi %squeeze3A_291, %jit3A_292 : i32
    %sign3A_294 = arith.constant 0 : i32
    %sign3A_295 = arith.cmpi sgt, %squeeze3A_291, %sign3A_294 : i32
    %sign3A_296 = arith.extui %sign3A_295 : i1 to i32
    %sign3A_297 = arith.constant 0 : i32
    %sign3A_298 = arith.cmpi slt, %squeeze3A_291, %sign3A_297 : i32
    %sign3A_299 = arith.extui %sign3A_298 : i1 to i32
    %sign3A_300 = arith.subi %sign3A_296, %sign3A_299 : i32
    %sign3A_301 = arith.constant 0 : i32
    %sign3A_302 = arith.cmpi sgt, %jit3A_292, %sign3A_301 : i32
    %sign3A_303 = arith.extui %sign3A_302 : i1 to i32
    %sign3A_304 = arith.constant 0 : i32
    %sign3A_305 = arith.cmpi slt, %jit3A_292, %sign3A_304 : i32
    %sign3A_306 = arith.extui %sign3A_305 : i1 to i32
    %sign3A_307 = arith.subi %sign3A_303, %sign3A_306 : i32
    %ne3A_308 = arith.cmpi ne, %sign3A_300, %sign3A_307 : i32
    %rem3A_309 = arith.remsi %squeeze3A_291, %jit3A_292 : i32
    %ne3A_310 = arith.constant 0 : i32
    %ne3A_311 = arith.cmpi ne, %rem3A_309, %ne3A_310 : i32
    %and3A_312 = arith.andi %ne3A_308, %ne3A_311 : i1
    %sub3A_313 = arith.constant 1 : i32
    %sub3A_314 = arith.subi %div3A_293, %sub3A_313 : i32
    %select_n3A_315 = arith.select %and3A_312, %sub3A_314, %div3A_293 : i32
    %mul3A_316 = arith.constant 128 : i32
    %mul3A_317 = arith.muli %select_n3A_315, %mul3A_316 : i32
    %dma_start3A_318 = arith.constant 0 : i32
    %dma_start3A_319 = tpu.memref_slice %arg3[%dma_start3A_318, %mul3A_317] : memref<100x1000000xf32, #tpu.memory_space<hbm>> -> memref<100x128xf32, #tpu.memory_space<hbm>>
    %dma_start3A_320 = arith.constant 0 : i32
    %dma_start3A_321 = tpu.memref_slice %arg3[%dma_start3A_320, %mul3A_317] : memref<100x1000000xf32, #tpu.memory_space<hbm>> -> memref<100x128xf32, #tpu.memory_space<hbm>>
    tpu.enqueue_dma source(%dma_start3A_321 : memref<100x128xf32, #tpu.memory_space<hbm>>) target(%arg11 : memref<100x128xf32, #tpu.memory_space<vmem>>) target_semaphore(%arg19 : memref<!tpu.dma_semaphore, #tpu.memory_space<semaphore_mem>>)
    %sub3A_322 = arith.subi %squeeze3A_291, %mul3A_317 : i32
    %get3A_323 = arith.constant 3 : i32
    %get3A_324 = arith.index_cast %get3A_323 : i32 to index
    %get3A_325 = arith.constant 0 : index
    %get3A_326 = tpu.vector_load %arg10[%get3A_324, %get3A_325] {strides = array<i32>} : memref<16x16xf32, #tpu.memory_space<vmem>>, vector<16xf32>,
    %broadcast_in_dim3A_327 = vector.broadcast %sub3A_238 : i32 to vector<16xi32>
    %add3A_328 = arith.constant 0 : i32
    %add3A_329 = vector.broadcast %add3A_328 : i32 to vector<16xi32>
    %add3A_330 = arith.addi %iota3A, %add3A_329 : vector<16xi32>
    %gather3A_331 = tpu.vector_load_idx %arg12[%add3A_330, %broadcast_in_dim3A_327] : memref<100x128xf32, #tpu.memory_space<vmem>>[vector<16xi32>, vector<16xi32>], vector<16xf32>,
    %mul3A_332 = arith.mulf %get3A_326, %gather3A_331 : vector<16xf32>
    %add3A_333 = arith.addf %add3A_249, %mul3A_332 : vector<16xf32>
    %add3A_334 = arith.constant 16 : i32
    %add3A_335 = vector.broadcast %add3A_334 : i32 to vector<16xi32>
    %add3A_336 = arith.addi %iota3A, %add3A_335 : vector<16xi32>
    %gather3A_337 = tpu.vector_load_idx %arg12[%add3A_336, %broadcast_in_dim3A_327] : memref<100x128xf32, #tpu.memory_space<vmem>>[vector<16xi32>, vector<16xi32>], vector<16xf32>,
    %mul3A_338 = arith.mulf %get3A_326, %gather3A_337 : vector<16xf32>
    %add3A_339 = arith.addf %add3A_255, %mul3A_338 : vector<16xf32>
    %add3A_340 = arith.constant 32 : i32
    %add3A_341 = vector.broadcast %add3A_340 : i32 to vector<16xi32>
    %add3A_342 = arith.addi %iota3A, %add3A_341 : vector<16xi32>
    %gather3A_343 = tpu.vector_load_idx %arg12[%add3A_342, %broadcast_in_dim3A_327] : memref<100x128xf32, #tpu.memory_space<vmem>>[vector<16xi32>, vector<16xi32>], vector<16xf32>,
    %mul3A_344 = arith.mulf %get3A_326, %gather3A_343 : vector<16xf32>
    %add3A_345 = arith.addf %add3A_261, %mul3A_344 : vector<16xf32>
    %add3A_346 = arith.constant 48 : i32
    %add3A_347 = vector.broadcast %add3A_346 : i32 to vector<16xi32>
    %add3A_348 = arith.addi %iota3A, %add3A_347 : vector<16xi32>
    %gather3A_349 = tpu.vector_load_idx %arg12[%add3A_348, %broadcast_in_dim3A_327] : memref<100x128xf32, #tpu.memory_space<vmem>>[vector<16xi32>, vector<16xi32>], vector<16xf32>,
    %mul3A_350 = arith.mulf %get3A_326, %gather3A_349 : vector<16xf32>
    %add3A_351 = arith.addf %add3A_267, %mul3A_350 : vector<16xf32>
    %add3A_352 = arith.constant 64 : i32
    %add3A_353 = vector.broadcast %add3A_352 : i32 to vector<16xi32>
    %add3A_354 = arith.addi %iota3A, %add3A_353 : vector<16xi32>
    %gather3A_355 = tpu.vector_load_idx %arg12[%add3A_354, %broadcast_in_dim3A_327] : memref<100x128xf32, #tpu.memory_space<vmem>>[vector<16xi32>, vector<16xi32>], vector<16xf32>,
    %mul3A_356 = arith.mulf %get3A_326, %gather3A_355 : vector<16xf32>
    %add3A_357 = arith.addf %add3A_273, %mul3A_356 : vector<16xf32>
    %add3A_358 = arith.constant 80 : i32
    %add3A_359 = vector.broadcast %add3A_358 : i32 to vector<16xi32>
    %add3A_360 = arith.addi %iota3A, %add3A_359 : vector<16xi32>
    %gather3A_361 = tpu.vector_load_idx %arg12[%add3A_360, %broadcast_in_dim3A_327] : memref<100x128xf32, #tpu.memory_space<vmem>>[vector<16xi32>, vector<16xi32>], vector<16xf32>,
    %mul3A_362 = arith.mulf %get3A_326, %gather3A_361 : vector<16xf32>
    %add3A_363 = arith.addf %add3A_279, %mul3A_362 : vector<16xf32>
    %add3A_364 = arith.constant 84 : i32
    %add3A_365 = vector.broadcast %add3A_364 : i32 to vector<16xi32>
    %add3A_366 = arith.addi %iota3A, %add3A_365 : vector<16xi32>
    %gather3A_367 = tpu.vector_load_idx %arg12[%add3A_366, %broadcast_in_dim3A_327] : memref<100x128xf32, #tpu.memory_space<vmem>>[vector<16xi32>, vector<16xi32>], vector<16xf32>,
    %mul3A_368 = arith.mulf %get3A_326, %gather3A_367 : vector<16xf32>
    %add3A_369 = arith.addf %add3A_285, %mul3A_368 : vector<16xf32>
    %dma_wait3A_370 = arith.constant 0 : i32
    %dma_wait3A_371 = tpu.memref_slice %arg3[%dma_wait3A_370, %mul3A_317] : memref<100x1000000xf32, #tpu.memory_space<hbm>> -> memref<100x128xf32, #tpu.memory_space<hbm>>
    %dma_wait3A_372 = arith.constant 0 : i32
    %dma_wait3A_373 = tpu.memref_slice %arg3[%dma_wait3A_372, %mul3A_317] : memref<100x1000000xf32, #tpu.memory_space<hbm>> -> memref<100x128xf32, #tpu.memory_space<hbm>>
    tpu.wait_dma2 semaphore(%arg19 : memref<!tpu.dma_semaphore, #tpu.memory_space<semaphore_mem>>) src(%dma_wait3A_373 : memref<100x128xf32, #tpu.memory_space<hbm>>) dst(%arg11 : memref<100x128xf32, #tpu.memory_space<vmem>>)
    %slice3A_374 = vector.extract_strided_slice %get3A_1 {offsets = [5], sizes = [1], strides = [1]} : vector<16xi32> to vector<1xi32>
    %squeeze3A_375 = vector.extract %slice3A_374[0] : i32 from vector<1xi32>
    %jit3A_376 = arith.constant 128 : i32
    %div3A_377 = arith.divsi %squeeze3A_375, %jit3A_376 : i32
    %sign3A_378 = arith.constant 0 : i32
    %sign3A_379 = arith.cmpi sgt, %squeeze3A_375, %sign3A_378 : i32
    %sign3A_380 = arith.extui %sign3A_379 : i1 to i32
    %sign3A_381 = arith.constant 0 : i32
    %sign3A_382 = arith.cmpi slt, %squeeze3A_375, %sign3A_381 : i32
    %sign3A_383 = arith.extui %sign3A_382 : i1 to i32
    %sign3A_384 = arith.subi %sign3A_380, %sign3A_383 : i32
    %sign3A_385 = arith.constant 0 : i32
    %sign3A_386 = arith.cmpi sgt, %jit3A_376, %sign3A_385 : i32
    %sign3A_387 = arith.extui %sign3A_386 : i1 to i32
    %sign3A_388 = arith.constant 0 : i32
    %sign3A_389 = arith.cmpi slt, %jit3A_376, %sign3A_388 : i32
    %sign3A_390 = arith.extui %sign3A_389 : i1 to i32
    %sign3A_391 = arith.subi %sign3A_387, %sign3A_390 : i32
    %ne3A_392 = arith.cmpi ne, %sign3A_384, %sign3A_391 : i32
    %rem3A_393 = arith.remsi %squeeze3A_375, %jit3A_376 : i32
    %ne3A_394 = arith.constant 0 : i32
    %ne3A_395 = arith.cmpi ne, %rem3A_393, %ne3A_394 : i32
    %and3A_396 = arith.andi %ne3A_392, %ne3A_395 : i1
    %sub3A_397 = arith.constant 1 : i32
    %sub3A_398 = arith.subi %div3A_377, %sub3A_397 : i32
    %select_n3A_399 = arith.select %and3A_396, %sub3A_398, %div3A_377 : i32
    %mul3A_400 = arith.constant 128 : i32
    %mul3A_401 = arith.muli %select_n3A_399, %mul3A_400 : i32
    %dma_start3A_402 = arith.constant 0 : i32
    %dma_start3A_403 = tpu.memref_slice %arg3[%dma_start3A_402, %mul3A_401] : memref<100x1000000xf32, #tpu.memory_space<hbm>> -> memref<100x128xf32, #tpu.memory_space<hbm>>
    %dma_start3A_404 = arith.constant 0 : i32
    %dma_start3A_405 = tpu.memref_slice %arg3[%dma_start3A_404, %mul3A_401] : memref<100x1000000xf32, #tpu.memory_space<hbm>> -> memref<100x128xf32, #tpu.memory_space<hbm>>
    tpu.enqueue_dma source(%dma_start3A_405 : memref<100x128xf32, #tpu.memory_space<hbm>>) target(%arg12 : memref<100x128xf32, #tpu.memory_space<vmem>>) target_semaphore(%arg20 : memref<!tpu.dma_semaphore, #tpu.memory_space<semaphore_mem>>)
    %sub3A_406 = arith.subi %squeeze3A_375, %mul3A_401 : i32
    %get3A_407 = arith.constant 4 : i32
    %get3A_408 = arith.index_cast %get3A_407 : i32 to index
    %get3A_409 = arith.constant 0 : index
    %get3A_410 = tpu.vector_load %arg10[%get3A_408, %get3A_409] {strides = array<i32>} : memref<16x16xf32, #tpu.memory_space<vmem>>, vector<16xf32>,
    %broadcast_in_dim3A_411 = vector.broadcast %sub3A_322 : i32 to vector<16xi32>
    %add3A_412 = arith.constant 0 : i32
    %add3A_413 = vector.broadcast %add3A_412 : i32 to vector<16xi32>
    %add3A_414 = arith.addi %iota3A, %add3A_413 : vector<16xi32>
    %gather3A_415 = tpu.vector_load_idx %arg11[%add3A_414, %broadcast_in_dim3A_411] : memref<100x128xf32, #tpu.memory_space<vmem>>[vector<16xi32>, vector<16xi32>], vector<16xf32>,
    %mul3A_416 = arith.mulf %get3A_410, %gather3A_415 : vector<16xf32>
    %add3A_417 = arith.addf %add3A_333, %mul3A_416 : vector<16xf32>
    %add3A_418 = arith.constant 16 : i32
    %add3A_419 = vector.broadcast %add3A_418 : i32 to vector<16xi32>
    %add3A_420 = arith.addi %iota3A, %add3A_419 : vector<16xi32>
    %gather3A_421 = tpu.vector_load_idx %arg11[%add3A_420, %broadcast_in_dim3A_411] : memref<100x128xf32, #tpu.memory_space<vmem>>[vector<16xi32>, vector<16xi32>], vector<16xf32>,
    %mul3A_422 = arith.mulf %get3A_410, %gather3A_421 : vector<16xf32>
    %add3A_423 = arith.addf %add3A_339, %mul3A_422 : vector<16xf32>
    %add3A_424 = arith.constant 32 : i32
    %add3A_425 = vector.broadcast %add3A_424 : i32 to vector<16xi32>
    %add3A_426 = arith.addi %iota3A, %add3A_425 : vector<16xi32>
    %gather3A_427 = tpu.vector_load_idx %arg11[%add3A_426, %broadcast_in_dim3A_411] : memref<100x128xf32, #tpu.memory_space<vmem>>[vector<16xi32>, vector<16xi32>], vector<16xf32>,
    %mul3A_428 = arith.mulf %get3A_410, %gather3A_427 : vector<16xf32>
    %add3A_429 = arith.addf %add3A_345, %mul3A_428 : vector<16xf32>
    %add3A_430 = arith.constant 48 : i32
    %add3A_431 = vector.broadcast %add3A_430 : i32 to vector<16xi32>
    %add3A_432 = arith.addi %iota3A, %add3A_431 : vector<16xi32>
    %gather3A_433 = tpu.vector_load_idx %arg11[%add3A_432, %broadcast_in_dim3A_411] : memref<100x128xf32, #tpu.memory_space<vmem>>[vector<16xi32>, vector<16xi32>], vector<16xf32>,
    %mul3A_434 = arith.mulf %get3A_410, %gather3A_433 : vector<16xf32>
    %add3A_435 = arith.addf %add3A_351, %mul3A_434 : vector<16xf32>
    %add3A_436 = arith.constant 64 : i32
    %add3A_437 = vector.broadcast %add3A_436 : i32 to vector<16xi32>
    %add3A_438 = arith.addi %iota3A, %add3A_437 : vector<16xi32>
    %gather3A_439 = tpu.vector_load_idx %arg11[%add3A_438, %broadcast_in_dim3A_411] : memref<100x128xf32, #tpu.memory_space<vmem>>[vector<16xi32>, vector<16xi32>], vector<16xf32>,
    %mul3A_440 = arith.mulf %get3A_410, %gather3A_439 : vector<16xf32>
    %add3A_441 = arith.addf %add3A_357, %mul3A_440 : vector<16xf32>
    %add3A_442 = arith.constant 80 : i32
    %add3A_443 = vector.broadcast %add3A_442 : i32 to vector<16xi32>
    %add3A_444 = arith.addi %iota3A, %add3A_443 : vector<16xi32>
    %gather3A_445 = tpu.vector_load_idx %arg11[%add3A_444, %broadcast_in_dim3A_411] : memref<100x128xf32, #tpu.memory_space<vmem>>[vector<16xi32>, vector<16xi32>], vector<16xf32>,
    %mul3A_446 = arith.mulf %get3A_410, %gather3A_445 : vector<16xf32>
    %add3A_447 = arith.addf %add3A_363, %mul3A_446 : vector<16xf32>
    %add3A_448 = arith.constant 84 : i32
    %add3A_449 = vector.broadcast %add3A_448 : i32 to vector<16xi32>
    %add3A_450 = arith.addi %iota3A, %add3A_449 : vector<16xi32>
    %gather3A_451 = tpu.vector_load_idx %arg11[%add3A_450, %broadcast_in_dim3A_411] : memref<100x128xf32, #tpu.memory_space<vmem>>[vector<16xi32>, vector<16xi32>], vector<16xf32>,
    %mul3A_452 = arith.mulf %get3A_410, %gather3A_451 : vector<16xf32>
    %add3A_453 = arith.addf %add3A_369, %mul3A_452 : vector<16xf32>
    %dma_wait3A_454 = arith.constant 0 : i32
    %dma_wait3A_455 = tpu.memref_slice %arg3[%dma_wait3A_454, %mul3A_401] : memref<100x1000000xf32, #tpu.memory_space<hbm>> -> memref<100x128xf32, #tpu.memory_space<hbm>>
    %dma_wait3A_456 = arith.constant 0 : i32
    %dma_wait3A_457 = tpu.memref_slice %arg3[%dma_wait3A_456, %mul3A_401] : memref<100x1000000xf32, #tpu.memory_space<hbm>> -> memref<100x128xf32, #tpu.memory_space<hbm>>
    tpu.wait_dma2 semaphore(%arg20 : memref<!tpu.dma_semaphore, #tpu.memory_space<semaphore_mem>>) src(%dma_wait3A_457 : memref<100x128xf32, #tpu.memory_space<hbm>>) dst(%arg12 : memref<100x128xf32, #tpu.memory_space<vmem>>)
    %slice3A_458 = vector.extract_strided_slice %get3A_1 {offsets = [6], sizes = [1], strides = [1]} : vector<16xi32> to vector<1xi32>
    %squeeze3A_459 = vector.extract %slice3A_458[0] : i32 from vector<1xi32>
    %jit3A_460 = arith.constant 128 : i32
    %div3A_461 = arith.divsi %squeeze3A_459, %jit3A_460 : i32
    %sign3A_462 = arith.constant 0 : i32
    %sign3A_463 = arith.cmpi sgt, %squeeze3A_459, %sign3A_462 : i32
    %sign3A_464 = arith.extui %sign3A_463 : i1 to i32
    %sign3A_465 = arith.constant 0 : i32
    %sign3A_466 = arith.cmpi slt, %squeeze3A_459, %sign3A_465 : i32
    %sign3A_467 = arith.extui %sign3A_466 : i1 to i32
    %sign3A_468 = arith.subi %sign3A_464, %sign3A_467 : i32
    %sign3A_469 = arith.constant 0 : i32
    %sign3A_470 = arith.cmpi sgt, %jit3A_460, %sign3A_469 : i32
    %sign3A_471 = arith.extui %sign3A_470 : i1 to i32
    %sign3A_472 = arith.constant 0 : i32
    %sign3A_473 = arith.cmpi slt, %jit3A_460, %sign3A_472 : i32
    %sign3A_474 = arith.extui %sign3A_473 : i1 to i32
    %sign3A_475 = arith.subi %sign3A_471, %sign3A_474 : i32
    %ne3A_476 = arith.cmpi ne, %sign3A_468, %sign3A_475 : i32
    %rem3A_477 = arith.remsi %squeeze3A_459, %jit3A_460 : i32
    %ne3A_478 = arith.constant 0 : i32
    %ne3A_479 = arith.cmpi ne, %rem3A_477, %ne3A_478 : i32
    %and3A_480 = arith.andi %ne3A_476, %ne3A_479 : i1
    %sub3A_481 = arith.constant 1 : i32
    %sub3A_482 = arith.subi %div3A_461, %sub3A_481 : i32
    %select_n3A_483 = arith.select %and3A_480, %sub3A_482, %div3A_461 : i32
    %mul3A_484 = arith.constant 128 : i32
    %mul3A_485 = arith.muli %select_n3A_483, %mul3A_484 : i32
    %dma_start3A_486 = arith.constant 0 : i32
    %dma_start3A_487 = tpu.memref_slice %arg3[%dma_start3A_486, %mul3A_485] : memref<100x1000000xf32, #tpu.memory_space<hbm>> -> memref<100x128xf32, #tpu.memory_space<hbm>>
    %dma_start3A_488 = arith.constant 0 : i32
    %dma_start3A_489 = tpu.memref_slice %arg3[%dma_start3A_488, %mul3A_485] : memref<100x1000000xf32, #tpu.memory_space<hbm>> -> memref<100x128xf32, #tpu.memory_space<hbm>>
    tpu.enqueue_dma source(%dma_start3A_489 : memref<100x128xf32, #tpu.memory_space<hbm>>) target(%arg11 : memref<100x128xf32, #tpu.memory_space<vmem>>) target_semaphore(%arg19 : memref<!tpu.dma_semaphore, #tpu.memory_space<semaphore_mem>>)
    %sub3A_490 = arith.subi %squeeze3A_459, %mul3A_485 : i32
    %get3A_491 = arith.constant 5 : i32
    %get3A_492 = arith.index_cast %get3A_491 : i32 to index
    %get3A_493 = arith.constant 0 : index
    %get3A_494 = tpu.vector_load %arg10[%get3A_492, %get3A_493] {strides = array<i32>} : memref<16x16xf32, #tpu.memory_space<vmem>>, vector<16xf32>,
    %broadcast_in_dim3A_495 = vector.broadcast %sub3A_406 : i32 to vector<16xi32>
    %add3A_496 = arith.constant 0 : i32
    %add3A_497 = vector.broadcast %add3A_496 : i32 to vector<16xi32>
    %add3A_498 = arith.addi %iota3A, %add3A_497 : vector<16xi32>
    %gather3A_499 = tpu.vector_load_idx %arg12[%add3A_498, %broadcast_in_dim3A_495] : memref<100x128xf32, #tpu.memory_space<vmem>>[vector<16xi32>, vector<16xi32>], vector<16xf32>,
    %mul3A_500 = arith.mulf %get3A_494, %gather3A_499 : vector<16xf32>
    %add3A_501 = arith.addf %add3A_417, %mul3A_500 : vector<16xf32>
    %add3A_502 = arith.constant 16 : i32
    %add3A_503 = vector.broadcast %add3A_502 : i32 to vector<16xi32>
    %add3A_504 = arith.addi %iota3A, %add3A_503 : vector<16xi32>
    %gather3A_505 = tpu.vector_load_idx %arg12[%add3A_504, %broadcast_in_dim3A_495] : memref<100x128xf32, #tpu.memory_space<vmem>>[vector<16xi32>, vector<16xi32>], vector<16xf32>,
    %mul3A_506 = arith.mulf %get3A_494, %gather3A_505 : vector<16xf32>
    %add3A_507 = arith.addf %add3A_423, %mul3A_506 : vector<16xf32>
    %add3A_508 = arith.constant 32 : i32
    %add3A_509 = vector.broadcast %add3A_508 : i32 to vector<16xi32>
    %add3A_510 = arith.addi %iota3A, %add3A_509 : vector<16xi32>
    %gather3A_511 = tpu.vector_load_idx %arg12[%add3A_510, %broadcast_in_dim3A_495] : memref<100x128xf32, #tpu.memory_space<vmem>>[vector<16xi32>, vector<16xi32>], vector<16xf32>,
    %mul3A_512 = arith.mulf %get3A_494, %gather3A_511 : vector<16xf32>
    %add3A_513 = arith.addf %add3A_429, %mul3A_512 : vector<16xf32>
    %add3A_514 = arith.constant 48 : i32
    %add3A_515 = vector.broadcast %add3A_514 : i32 to vector<16xi32>
    %add3A_516 = arith.addi %iota3A, %add3A_515 : vector<16xi32>
    %gather3A_517 = tpu.vector_load_idx %arg12[%add3A_516, %broadcast_in_dim3A_495] : memref<100x128xf32, #tpu.memory_space<vmem>>[vector<16xi32>, vector<16xi32>], vector<16xf32>,
    %mul3A_518 = arith.mulf %get3A_494, %gather3A_517 : vector<16xf32>
    %add3A_519 = arith.addf %add3A_435, %mul3A_518 : vector<16xf32>
    %add3A_520 = arith.constant 64 : i32
    %add3A_521 = vector.broadcast %add3A_520 : i32 to vector<16xi32>
    %add3A_522 = arith.addi %iota3A, %add3A_521 : vector<16xi32>
    %gather3A_523 = tpu.vector_load_idx %arg12[%add3A_522, %broadcast_in_dim3A_495] : memref<100x128xf32, #tpu.memory_space<vmem>>[vector<16xi32>, vector<16xi32>], vector<16xf32>,
    %mul3A_524 = arith.mulf %get3A_494, %gather3A_523 : vector<16xf32>
    %add3A_525 = arith.addf %add3A_441, %mul3A_524 : vector<16xf32>
    %add3A_526 = arith.constant 80 : i32
    %add3A_527 = vector.broadcast %add3A_526 : i32 to vector<16xi32>
    %add3A_528 = arith.addi %iota3A, %add3A_527 : vector<16xi32>
    %gather3A_529 = tpu.vector_load_idx %arg12[%add3A_528, %broadcast_in_dim3A_495] : memref<100x128xf32, #tpu.memory_space<vmem>>[vector<16xi32>, vector<16xi32>], vector<16xf32>,
    %mul3A_530 = arith.mulf %get3A_494, %gather3A_529 : vector<16xf32>
    %add3A_531 = arith.addf %add3A_447, %mul3A_530 : vector<16xf32>
    %add3A_532 = arith.constant 84 : i32
    %add3A_533 = vector.broadcast %add3A_532 : i32 to vector<16xi32>
    %add3A_534 = arith.addi %iota3A, %add3A_533 : vector<16xi32>
    %gather3A_535 = tpu.vector_load_idx %arg12[%add3A_534, %broadcast_in_dim3A_495] : memref<100x128xf32, #tpu.memory_space<vmem>>[vector<16xi32>, vector<16xi32>], vector<16xf32>,
    %mul3A_536 = arith.mulf %get3A_494, %gather3A_535 : vector<16xf32>
    %add3A_537 = arith.addf %add3A_453, %mul3A_536 : vector<16xf32>
    %dma_wait3A_538 = arith.constant 0 : i32
    %dma_wait3A_539 = tpu.memref_slice %arg3[%dma_wait3A_538, %mul3A_485] : memref<100x1000000xf32, #tpu.memory_space<hbm>> -> memref<100x128xf32, #tpu.memory_space<hbm>>
    %dma_wait3A_540 = arith.constant 0 : i32
    %dma_wait3A_541 = tpu.memref_slice %arg3[%dma_wait3A_540, %mul3A_485] : memref<100x1000000xf32, #tpu.memory_space<hbm>> -> memref<100x128xf32, #tpu.memory_space<hbm>>
    tpu.wait_dma2 semaphore(%arg19 : memref<!tpu.dma_semaphore, #tpu.memory_space<semaphore_mem>>) src(%dma_wait3A_541 : memref<100x128xf32, #tpu.memory_space<hbm>>) dst(%arg11 : memref<100x128xf32, #tpu.memory_space<vmem>>)
    %slice3A_542 = vector.extract_strided_slice %get3A_1 {offsets = [7], sizes = [1], strides = [1]} : vector<16xi32> to vector<1xi32>
    %squeeze3A_543 = vector.extract %slice3A_542[0] : i32 from vector<1xi32>
    %jit3A_544 = arith.constant 128 : i32
    %div3A_545 = arith.divsi %squeeze3A_543, %jit3A_544 : i32
    %sign3A_546 = arith.constant 0 : i32
    %sign3A_547 = arith.cmpi sgt, %squeeze3A_543, %sign3A_546 : i32
    %sign3A_548 = arith.extui %sign3A_547 : i1 to i32
    %sign3A_549 = arith.constant 0 : i32
    %sign3A_550 = arith.cmpi slt, %squeeze3A_543, %sign3A_549 : i32
    %sign3A_551 = arith.extui %sign3A_550 : i1 to i32
    %sign3A_552 = arith.subi %sign3A_548, %sign3A_551 : i32
    %sign3A_553 = arith.constant 0 : i32
    %sign3A_554 = arith.cmpi sgt, %jit3A_544, %sign3A_553 : i32
    %sign3A_555 = arith.extui %sign3A_554 : i1 to i32
    %sign3A_556 = arith.constant 0 : i32
    %sign3A_557 = arith.cmpi slt, %jit3A_544, %sign3A_556 : i32
    %sign3A_558 = arith.extui %sign3A_557 : i1 to i32
    %sign3A_559 = arith.subi %sign3A_555, %sign3A_558 : i32
    %ne3A_560 = arith.cmpi ne, %sign3A_552, %sign3A_559 : i32
    %rem3A_561 = arith.remsi %squeeze3A_543, %jit3A_544 : i32
    %ne3A_562 = arith.constant 0 : i32
    %ne3A_563 = arith.cmpi ne, %rem3A_561, %ne3A_562 : i32
    %and3A_564 = arith.andi %ne3A_560, %ne3A_563 : i1
    %sub3A_565 = arith.constant 1 : i32
    %sub3A_566 = arith.subi %div3A_545, %sub3A_565 : i32
    %select_n3A_567 = arith.select %and3A_564, %sub3A_566, %div3A_545 : i32
    %mul3A_568 = arith.constant 128 : i32
    %mul3A_569 = arith.muli %select_n3A_567, %mul3A_568 : i32
    %dma_start3A_570 = arith.constant 0 : i32
    %dma_start3A_571 = tpu.memref_slice %arg3[%dma_start3A_570, %mul3A_569] : memref<100x1000000xf32, #tpu.memory_space<hbm>> -> memref<100x128xf32, #tpu.memory_space<hbm>>
    %dma_start3A_572 = arith.constant 0 : i32
    %dma_start3A_573 = tpu.memref_slice %arg3[%dma_start3A_572, %mul3A_569] : memref<100x1000000xf32, #tpu.memory_space<hbm>> -> memref<100x128xf32, #tpu.memory_space<hbm>>
    tpu.enqueue_dma source(%dma_start3A_573 : memref<100x128xf32, #tpu.memory_space<hbm>>) target(%arg12 : memref<100x128xf32, #tpu.memory_space<vmem>>) target_semaphore(%arg20 : memref<!tpu.dma_semaphore, #tpu.memory_space<semaphore_mem>>)
    %sub3A_574 = arith.subi %squeeze3A_543, %mul3A_569 : i32
    %get3A_575 = arith.constant 6 : i32
    %get3A_576 = arith.index_cast %get3A_575 : i32 to index
    %get3A_577 = arith.constant 0 : index
    %get3A_578 = tpu.vector_load %arg10[%get3A_576, %get3A_577] {strides = array<i32>} : memref<16x16xf32, #tpu.memory_space<vmem>>, vector<16xf32>,
    %broadcast_in_dim3A_579 = vector.broadcast %sub3A_490 : i32 to vector<16xi32>
    %add3A_580 = arith.constant 0 : i32
    %add3A_581 = vector.broadcast %add3A_580 : i32 to vector<16xi32>
    %add3A_582 = arith.addi %iota3A, %add3A_581 : vector<16xi32>
    %gather3A_583 = tpu.vector_load_idx %arg11[%add3A_582, %broadcast_in_dim3A_579] : memref<100x128xf32, #tpu.memory_space<vmem>>[vector<16xi32>, vector<16xi32>], vector<16xf32>,
    %mul3A_584 = arith.mulf %get3A_578, %gather3A_583 : vector<16xf32>
    %add3A_585 = arith.addf %add3A_501, %mul3A_584 : vector<16xf32>
    %add3A_586 = arith.constant 16 : i32
    %add3A_587 = vector.broadcast %add3A_586 : i32 to vector<16xi32>
    %add3A_588 = arith.addi %iota3A, %add3A_587 : vector<16xi32>
    %gather3A_589 = tpu.vector_load_idx %arg11[%add3A_588, %broadcast_in_dim3A_579] : memref<100x128xf32, #tpu.memory_space<vmem>>[vector<16xi32>, vector<16xi32>], vector<16xf32>,
    %mul3A_590 = arith.mulf %get3A_578, %gather3A_589 : vector<16xf32>
    %add3A_591 = arith.addf %add3A_507, %mul3A_590 : vector<16xf32>
    %add3A_592 = arith.constant 32 : i32
    %add3A_593 = vector.broadcast %add3A_592 : i32 to vector<16xi32>
    %add3A_594 = arith.addi %iota3A, %add3A_593 : vector<16xi32>
    %gather3A_595 = tpu.vector_load_idx %arg11[%add3A_594, %broadcast_in_dim3A_579] : memref<100x128xf32, #tpu.memory_space<vmem>>[vector<16xi32>, vector<16xi32>], vector<16xf32>,
    %mul3A_596 = arith.mulf %get3A_578, %gather3A_595 : vector<16xf32>
    %add3A_597 = arith.addf %add3A_513, %mul3A_596 : vector<16xf32>
    %add3A_598 = arith.constant 48 : i32
    %add3A_599 = vector.broadcast %add3A_598 : i32 to vector<16xi32>
    %add3A_600 = arith.addi %iota3A, %add3A_599 : vector<16xi32>
    %gather3A_601 = tpu.vector_load_idx %arg11[%add3A_600, %broadcast_in_dim3A_579] : memref<100x128xf32, #tpu.memory_space<vmem>>[vector<16xi32>, vector<16xi32>], vector<16xf32>,
    %mul3A_602 = arith.mulf %get3A_578, %gather3A_601 : vector<16xf32>
    %add3A_603 = arith.addf %add3A_519, %mul3A_602 : vector<16xf32>
    %add3A_604 = arith.constant 64 : i32
    %add3A_605 = vector.broadcast %add3A_604 : i32 to vector<16xi32>
    %add3A_606 = arith.addi %iota3A, %add3A_605 : vector<16xi32>
    %gather3A_607 = tpu.vector_load_idx %arg11[%add3A_606, %broadcast_in_dim3A_579] : memref<100x128xf32, #tpu.memory_space<vmem>>[vector<16xi32>, vector<16xi32>], vector<16xf32>,
    %mul3A_608 = arith.mulf %get3A_578, %gather3A_607 : vector<16xf32>
    %add3A_609 = arith.addf %add3A_525, %mul3A_608 : vector<16xf32>
    %add3A_610 = arith.constant 80 : i32
    %add3A_611 = vector.broadcast %add3A_610 : i32 to vector<16xi32>
    %add3A_612 = arith.addi %iota3A, %add3A_611 : vector<16xi32>
    %gather3A_613 = tpu.vector_load_idx %arg11[%add3A_612, %broadcast_in_dim3A_579] : memref<100x128xf32, #tpu.memory_space<vmem>>[vector<16xi32>, vector<16xi32>], vector<16xf32>,
    %mul3A_614 = arith.mulf %get3A_578, %gather3A_613 : vector<16xf32>
    %add3A_615 = arith.addf %add3A_531, %mul3A_614 : vector<16xf32>
    %add3A_616 = arith.constant 84 : i32
    %add3A_617 = vector.broadcast %add3A_616 : i32 to vector<16xi32>
    %add3A_618 = arith.addi %iota3A, %add3A_617 : vector<16xi32>
    %gather3A_619 = tpu.vector_load_idx %arg11[%add3A_618, %broadcast_in_dim3A_579] : memref<100x128xf32, #tpu.memory_space<vmem>>[vector<16xi32>, vector<16xi32>], vector<16xf32>,
    %mul3A_620 = arith.mulf %get3A_578, %gather3A_619 : vector<16xf32>
    %add3A_621 = arith.addf %add3A_537, %mul3A_620 : vector<16xf32>
    %dma_wait3A_622 = arith.constant 0 : i32
    %dma_wait3A_623 = tpu.memref_slice %arg3[%dma_wait3A_622, %mul3A_569] : memref<100x1000000xf32, #tpu.memory_space<hbm>> -> memref<100x128xf32, #tpu.memory_space<hbm>>
    %dma_wait3A_624 = arith.constant 0 : i32
    %dma_wait3A_625 = tpu.memref_slice %arg3[%dma_wait3A_624, %mul3A_569] : memref<100x1000000xf32, #tpu.memory_space<hbm>> -> memref<100x128xf32, #tpu.memory_space<hbm>>
    tpu.wait_dma2 semaphore(%arg20 : memref<!tpu.dma_semaphore, #tpu.memory_space<semaphore_mem>>) src(%dma_wait3A_625 : memref<100x128xf32, #tpu.memory_space<hbm>>) dst(%arg12 : memref<100x128xf32, #tpu.memory_space<vmem>>)
    %slice3A_626 = vector.extract_strided_slice %get3A_1 {offsets = [8], sizes = [1], strides = [1]} : vector<16xi32> to vector<1xi32>
    %squeeze3A_627 = vector.extract %slice3A_626[0] : i32 from vector<1xi32>
    %jit3A_628 = arith.constant 128 : i32
    %div3A_629 = arith.divsi %squeeze3A_627, %jit3A_628 : i32
    %sign3A_630 = arith.constant 0 : i32
    %sign3A_631 = arith.cmpi sgt, %squeeze3A_627, %sign3A_630 : i32
    %sign3A_632 = arith.extui %sign3A_631 : i1 to i32
    %sign3A_633 = arith.constant 0 : i32
    %sign3A_634 = arith.cmpi slt, %squeeze3A_627, %sign3A_633 : i32
    %sign3A_635 = arith.extui %sign3A_634 : i1 to i32
    %sign3A_636 = arith.subi %sign3A_632, %sign3A_635 : i32
    %sign3A_637 = arith.constant 0 : i32
    %sign3A_638 = arith.cmpi sgt, %jit3A_628, %sign3A_637 : i32
    %sign3A_639 = arith.extui %sign3A_638 : i1 to i32
    %sign3A_640 = arith.constant 0 : i32
    %sign3A_641 = arith.cmpi slt, %jit3A_628, %sign3A_640 : i32
    %sign3A_642 = arith.extui %sign3A_641 : i1 to i32
    %sign3A_643 = arith.subi %sign3A_639, %sign3A_642 : i32
    %ne3A_644 = arith.cmpi ne, %sign3A_636, %sign3A_643 : i32
    %rem3A_645 = arith.remsi %squeeze3A_627, %jit3A_628 : i32
    %ne3A_646 = arith.constant 0 : i32
    %ne3A_647 = arith.cmpi ne, %rem3A_645, %ne3A_646 : i32
    %and3A_648 = arith.andi %ne3A_644, %ne3A_647 : i1
    %sub3A_649 = arith.constant 1 : i32
    %sub3A_650 = arith.subi %div3A_629, %sub3A_649 : i32
    %select_n3A_651 = arith.select %and3A_648, %sub3A_650, %div3A_629 : i32
    %mul3A_652 = arith.constant 128 : i32
    %mul3A_653 = arith.muli %select_n3A_651, %mul3A_652 : i32
    %dma_start3A_654 = arith.constant 0 : i32
    %dma_start3A_655 = tpu.memref_slice %arg3[%dma_start3A_654, %mul3A_653] : memref<100x1000000xf32, #tpu.memory_space<hbm>> -> memref<100x128xf32, #tpu.memory_space<hbm>>
    %dma_start3A_656 = arith.constant 0 : i32
    %dma_start3A_657 = tpu.memref_slice %arg3[%dma_start3A_656, %mul3A_653] : memref<100x1000000xf32, #tpu.memory_space<hbm>> -> memref<100x128xf32, #tpu.memory_space<hbm>>
    tpu.enqueue_dma source(%dma_start3A_657 : memref<100x128xf32, #tpu.memory_space<hbm>>) target(%arg11 : memref<100x128xf32, #tpu.memory_space<vmem>>) target_semaphore(%arg19 : memref<!tpu.dma_semaphore, #tpu.memory_space<semaphore_mem>>)
    %sub3A_658 = arith.subi %squeeze3A_627, %mul3A_653 : i32
    %get3A_659 = arith.constant 7 : i32
    %get3A_660 = arith.index_cast %get3A_659 : i32 to index
    %get3A_661 = arith.constant 0 : index
    %get3A_662 = tpu.vector_load %arg10[%get3A_660, %get3A_661] {strides = array<i32>} : memref<16x16xf32, #tpu.memory_space<vmem>>, vector<16xf32>,
    %broadcast_in_dim3A_663 = vector.broadcast %sub3A_574 : i32 to vector<16xi32>
    %add3A_664 = arith.constant 0 : i32
    %add3A_665 = vector.broadcast %add3A_664 : i32 to vector<16xi32>
    %add3A_666 = arith.addi %iota3A, %add3A_665 : vector<16xi32>
    %gather3A_667 = tpu.vector_load_idx %arg12[%add3A_666, %broadcast_in_dim3A_663] : memref<100x128xf32, #tpu.memory_space<vmem>>[vector<16xi32>, vector<16xi32>], vector<16xf32>,
    %mul3A_668 = arith.mulf %get3A_662, %gather3A_667 : vector<16xf32>
    %add3A_669 = arith.addf %add3A_585, %mul3A_668 : vector<16xf32>
    %add3A_670 = arith.constant 16 : i32
    %add3A_671 = vector.broadcast %add3A_670 : i32 to vector<16xi32>
    %add3A_672 = arith.addi %iota3A, %add3A_671 : vector<16xi32>
    %gather3A_673 = tpu.vector_load_idx %arg12[%add3A_672, %broadcast_in_dim3A_663] : memref<100x128xf32, #tpu.memory_space<vmem>>[vector<16xi32>, vector<16xi32>], vector<16xf32>,
    %mul3A_674 = arith.mulf %get3A_662, %gather3A_673 : vector<16xf32>
    %add3A_675 = arith.addf %add3A_591, %mul3A_674 : vector<16xf32>
    %add3A_676 = arith.constant 32 : i32
    %add3A_677 = vector.broadcast %add3A_676 : i32 to vector<16xi32>
    %add3A_678 = arith.addi %iota3A, %add3A_677 : vector<16xi32>
    %gather3A_679 = tpu.vector_load_idx %arg12[%add3A_678, %broadcast_in_dim3A_663] : memref<100x128xf32, #tpu.memory_space<vmem>>[vector<16xi32>, vector<16xi32>], vector<16xf32>,
    %mul3A_680 = arith.mulf %get3A_662, %gather3A_679 : vector<16xf32>
    %add3A_681 = arith.addf %add3A_597, %mul3A_680 : vector<16xf32>
    %add3A_682 = arith.constant 48 : i32
    %add3A_683 = vector.broadcast %add3A_682 : i32 to vector<16xi32>
    %add3A_684 = arith.addi %iota3A, %add3A_683 : vector<16xi32>
    %gather3A_685 = tpu.vector_load_idx %arg12[%add3A_684, %broadcast_in_dim3A_663] : memref<100x128xf32, #tpu.memory_space<vmem>>[vector<16xi32>, vector<16xi32>], vector<16xf32>,
    %mul3A_686 = arith.mulf %get3A_662, %gather3A_685 : vector<16xf32>
    %add3A_687 = arith.addf %add3A_603, %mul3A_686 : vector<16xf32>
    %add3A_688 = arith.constant 64 : i32
    %add3A_689 = vector.broadcast %add3A_688 : i32 to vector<16xi32>
    %add3A_690 = arith.addi %iota3A, %add3A_689 : vector<16xi32>
    %gather3A_691 = tpu.vector_load_idx %arg12[%add3A_690, %broadcast_in_dim3A_663] : memref<100x128xf32, #tpu.memory_space<vmem>>[vector<16xi32>, vector<16xi32>], vector<16xf32>,
    %mul3A_692 = arith.mulf %get3A_662, %gather3A_691 : vector<16xf32>
    %add3A_693 = arith.addf %add3A_609, %mul3A_692 : vector<16xf32>
    %add3A_694 = arith.constant 80 : i32
    %add3A_695 = vector.broadcast %add3A_694 : i32 to vector<16xi32>
    %add3A_696 = arith.addi %iota3A, %add3A_695 : vector<16xi32>
    %gather3A_697 = tpu.vector_load_idx %arg12[%add3A_696, %broadcast_in_dim3A_663] : memref<100x128xf32, #tpu.memory_space<vmem>>[vector<16xi32>, vector<16xi32>], vector<16xf32>,
    %mul3A_698 = arith.mulf %get3A_662, %gather3A_697 : vector<16xf32>
    %add3A_699 = arith.addf %add3A_615, %mul3A_698 : vector<16xf32>
    %add3A_700 = arith.constant 84 : i32
    %add3A_701 = vector.broadcast %add3A_700 : i32 to vector<16xi32>
    %add3A_702 = arith.addi %iota3A, %add3A_701 : vector<16xi32>
    %gather3A_703 = tpu.vector_load_idx %arg12[%add3A_702, %broadcast_in_dim3A_663] : memref<100x128xf32, #tpu.memory_space<vmem>>[vector<16xi32>, vector<16xi32>], vector<16xf32>,
    %mul3A_704 = arith.mulf %get3A_662, %gather3A_703 : vector<16xf32>
    %add3A_705 = arith.addf %add3A_621, %mul3A_704 : vector<16xf32>
    %dma_wait3A_706 = arith.constant 0 : i32
    %dma_wait3A_707 = tpu.memref_slice %arg3[%dma_wait3A_706, %mul3A_653] : memref<100x1000000xf32, #tpu.memory_space<hbm>> -> memref<100x128xf32, #tpu.memory_space<hbm>>
    %dma_wait3A_708 = arith.constant 0 : i32
    %dma_wait3A_709 = tpu.memref_slice %arg3[%dma_wait3A_708, %mul3A_653] : memref<100x1000000xf32, #tpu.memory_space<hbm>> -> memref<100x128xf32, #tpu.memory_space<hbm>>
    tpu.wait_dma2 semaphore(%arg19 : memref<!tpu.dma_semaphore, #tpu.memory_space<semaphore_mem>>) src(%dma_wait3A_709 : memref<100x128xf32, #tpu.memory_space<hbm>>) dst(%arg11 : memref<100x128xf32, #tpu.memory_space<vmem>>)
    %slice3A_710 = vector.extract_strided_slice %get3A_1 {offsets = [9], sizes = [1], strides = [1]} : vector<16xi32> to vector<1xi32>
    %squeeze3A_711 = vector.extract %slice3A_710[0] : i32 from vector<1xi32>
    %jit3A_712 = arith.constant 128 : i32
    %div3A_713 = arith.divsi %squeeze3A_711, %jit3A_712 : i32
    %sign3A_714 = arith.constant 0 : i32
    %sign3A_715 = arith.cmpi sgt, %squeeze3A_711, %sign3A_714 : i32
    %sign3A_716 = arith.extui %sign3A_715 : i1 to i32
    %sign3A_717 = arith.constant 0 : i32
    %sign3A_718 = arith.cmpi slt, %squeeze3A_711, %sign3A_717 : i32
    %sign3A_719 = arith.extui %sign3A_718 : i1 to i32
    %sign3A_720 = arith.subi %sign3A_716, %sign3A_719 : i32
    %sign3A_721 = arith.constant 0 : i32
    %sign3A_722 = arith.cmpi sgt, %jit3A_712, %sign3A_721 : i32
    %sign3A_723 = arith.extui %sign3A_722 : i1 to i32
    %sign3A_724 = arith.constant 0 : i32
    %sign3A_725 = arith.cmpi slt, %jit3A_712, %sign3A_724 : i32
    %sign3A_726 = arith.extui %sign3A_725 : i1 to i32
    %sign3A_727 = arith.subi %sign3A_723, %sign3A_726 : i32
    %ne3A_728 = arith.cmpi ne, %sign3A_720, %sign3A_727 : i32
    %rem3A_729 = arith.remsi %squeeze3A_711, %jit3A_712 : i32
    %ne3A_730 = arith.constant 0 : i32
    %ne3A_731 = arith.cmpi ne, %rem3A_729, %ne3A_730 : i32
    %and3A_732 = arith.andi %ne3A_728, %ne3A_731 : i1
    %sub3A_733 = arith.constant 1 : i32
    %sub3A_734 = arith.subi %div3A_713, %sub3A_733 : i32
    %select_n3A_735 = arith.select %and3A_732, %sub3A_734, %div3A_713 : i32
    %mul3A_736 = arith.constant 128 : i32
    %mul3A_737 = arith.muli %select_n3A_735, %mul3A_736 : i32
    %dma_start3A_738 = arith.constant 0 : i32
    %dma_start3A_739 = tpu.memref_slice %arg3[%dma_start3A_738, %mul3A_737] : memref<100x1000000xf32, #tpu.memory_space<hbm>> -> memref<100x128xf32, #tpu.memory_space<hbm>>
    %dma_start3A_740 = arith.constant 0 : i32
    %dma_start3A_741 = tpu.memref_slice %arg3[%dma_start3A_740, %mul3A_737] : memref<100x1000000xf32, #tpu.memory_space<hbm>> -> memref<100x128xf32, #tpu.memory_space<hbm>>
    tpu.enqueue_dma source(%dma_start3A_741 : memref<100x128xf32, #tpu.memory_space<hbm>>) target(%arg12 : memref<100x128xf32, #tpu.memory_space<vmem>>) target_semaphore(%arg20 : memref<!tpu.dma_semaphore, #tpu.memory_space<semaphore_mem>>)
    %sub3A_742 = arith.subi %squeeze3A_711, %mul3A_737 : i32
    %get3A_743 = arith.constant 8 : i32
    %get3A_744 = arith.index_cast %get3A_743 : i32 to index
    %get3A_745 = arith.constant 0 : index
    %get3A_746 = tpu.vector_load %arg10[%get3A_744, %get3A_745] {strides = array<i32>} : memref<16x16xf32, #tpu.memory_space<vmem>>, vector<16xf32>,
    %broadcast_in_dim3A_747 = vector.broadcast %sub3A_658 : i32 to vector<16xi32>
    %add3A_748 = arith.constant 0 : i32
    %add3A_749 = vector.broadcast %add3A_748 : i32 to vector<16xi32>
    %add3A_750 = arith.addi %iota3A, %add3A_749 : vector<16xi32>
    %gather3A_751 = tpu.vector_load_idx %arg11[%add3A_750, %broadcast_in_dim3A_747] : memref<100x128xf32, #tpu.memory_space<vmem>>[vector<16xi32>, vector<16xi32>], vector<16xf32>,
    %mul3A_752 = arith.mulf %get3A_746, %gather3A_751 : vector<16xf32>
    %add3A_753 = arith.addf %add3A_669, %mul3A_752 : vector<16xf32>
    %add3A_754 = arith.constant 16 : i32
    %add3A_755 = vector.broadcast %add3A_754 : i32 to vector<16xi32>
    %add3A_756 = arith.addi %iota3A, %add3A_755 : vector<16xi32>
    %gather3A_757 = tpu.vector_load_idx %arg11[%add3A_756, %broadcast_in_dim3A_747] : memref<100x128xf32, #tpu.memory_space<vmem>>[vector<16xi32>, vector<16xi32>], vector<16xf32>,
    %mul3A_758 = arith.mulf %get3A_746, %gather3A_757 : vector<16xf32>
    %add3A_759 = arith.addf %add3A_675, %mul3A_758 : vector<16xf32>
    %add3A_760 = arith.constant 32 : i32
    %add3A_761 = vector.broadcast %add3A_760 : i32 to vector<16xi32>
    %add3A_762 = arith.addi %iota3A, %add3A_761 : vector<16xi32>
    %gather3A_763 = tpu.vector_load_idx %arg11[%add3A_762, %broadcast_in_dim3A_747] : memref<100x128xf32, #tpu.memory_space<vmem>>[vector<16xi32>, vector<16xi32>], vector<16xf32>,
    %mul3A_764 = arith.mulf %get3A_746, %gather3A_763 : vector<16xf32>
    %add3A_765 = arith.addf %add3A_681, %mul3A_764 : vector<16xf32>
    %add3A_766 = arith.constant 48 : i32
    %add3A_767 = vector.broadcast %add3A_766 : i32 to vector<16xi32>
    %add3A_768 = arith.addi %iota3A, %add3A_767 : vector<16xi32>
    %gather3A_769 = tpu.vector_load_idx %arg11[%add3A_768, %broadcast_in_dim3A_747] : memref<100x128xf32, #tpu.memory_space<vmem>>[vector<16xi32>, vector<16xi32>], vector<16xf32>,
    %mul3A_770 = arith.mulf %get3A_746, %gather3A_769 : vector<16xf32>
    %add3A_771 = arith.addf %add3A_687, %mul3A_770 : vector<16xf32>
    %add3A_772 = arith.constant 64 : i32
    %add3A_773 = vector.broadcast %add3A_772 : i32 to vector<16xi32>
    %add3A_774 = arith.addi %iota3A, %add3A_773 : vector<16xi32>
    %gather3A_775 = tpu.vector_load_idx %arg11[%add3A_774, %broadcast_in_dim3A_747] : memref<100x128xf32, #tpu.memory_space<vmem>>[vector<16xi32>, vector<16xi32>], vector<16xf32>,
    %mul3A_776 = arith.mulf %get3A_746, %gather3A_775 : vector<16xf32>
    %add3A_777 = arith.addf %add3A_693, %mul3A_776 : vector<16xf32>
    %add3A_778 = arith.constant 80 : i32
    %add3A_779 = vector.broadcast %add3A_778 : i32 to vector<16xi32>
    %add3A_780 = arith.addi %iota3A, %add3A_779 : vector<16xi32>
    %gather3A_781 = tpu.vector_load_idx %arg11[%add3A_780, %broadcast_in_dim3A_747] : memref<100x128xf32, #tpu.memory_space<vmem>>[vector<16xi32>, vector<16xi32>], vector<16xf32>,
    %mul3A_782 = arith.mulf %get3A_746, %gather3A_781 : vector<16xf32>
    %add3A_783 = arith.addf %add3A_699, %mul3A_782 : vector<16xf32>
    %add3A_784 = arith.constant 84 : i32
    %add3A_785 = vector.broadcast %add3A_784 : i32 to vector<16xi32>
    %add3A_786 = arith.addi %iota3A, %add3A_785 : vector<16xi32>
    %gather3A_787 = tpu.vector_load_idx %arg11[%add3A_786, %broadcast_in_dim3A_747] : memref<100x128xf32, #tpu.memory_space<vmem>>[vector<16xi32>, vector<16xi32>], vector<16xf32>,
    %mul3A_788 = arith.mulf %get3A_746, %gather3A_787 : vector<16xf32>
    %add3A_789 = arith.addf %add3A_705, %mul3A_788 : vector<16xf32>
    %dma_wait3A_790 = arith.constant 0 : i32
    %dma_wait3A_791 = tpu.memref_slice %arg3[%dma_wait3A_790, %mul3A_737] : memref<100x1000000xf32, #tpu.memory_space<hbm>> -> memref<100x128xf32, #tpu.memory_space<hbm>>
    %dma_wait3A_792 = arith.constant 0 : i32
    %dma_wait3A_793 = tpu.memref_slice %arg3[%dma_wait3A_792, %mul3A_737] : memref<100x1000000xf32, #tpu.memory_space<hbm>> -> memref<100x128xf32, #tpu.memory_space<hbm>>
    tpu.wait_dma2 semaphore(%arg20 : memref<!tpu.dma_semaphore, #tpu.memory_space<semaphore_mem>>) src(%dma_wait3A_793 : memref<100x128xf32, #tpu.memory_space<hbm>>) dst(%arg12 : memref<100x128xf32, #tpu.memory_space<vmem>>)
    %slice3A_794 = vector.extract_strided_slice %get3A_1 {offsets = [10], sizes = [1], strides = [1]} : vector<16xi32> to vector<1xi32>
    %squeeze3A_795 = vector.extract %slice3A_794[0] : i32 from vector<1xi32>
    %jit3A_796 = arith.constant 128 : i32
    %div3A_797 = arith.divsi %squeeze3A_795, %jit3A_796 : i32
    %sign3A_798 = arith.constant 0 : i32
    %sign3A_799 = arith.cmpi sgt, %squeeze3A_795, %sign3A_798 : i32
    %sign3A_800 = arith.extui %sign3A_799 : i1 to i32
    %sign3A_801 = arith.constant 0 : i32
    %sign3A_802 = arith.cmpi slt, %squeeze3A_795, %sign3A_801 : i32
    %sign3A_803 = arith.extui %sign3A_802 : i1 to i32
    %sign3A_804 = arith.subi %sign3A_800, %sign3A_803 : i32
    %sign3A_805 = arith.constant 0 : i32
    %sign3A_806 = arith.cmpi sgt, %jit3A_796, %sign3A_805 : i32
    %sign3A_807 = arith.extui %sign3A_806 : i1 to i32
    %sign3A_808 = arith.constant 0 : i32
    %sign3A_809 = arith.cmpi slt, %jit3A_796, %sign3A_808 : i32
    %sign3A_810 = arith.extui %sign3A_809 : i1 to i32
    %sign3A_811 = arith.subi %sign3A_807, %sign3A_810 : i32
    %ne3A_812 = arith.cmpi ne, %sign3A_804, %sign3A_811 : i32
    %rem3A_813 = arith.remsi %squeeze3A_795, %jit3A_796 : i32
    %ne3A_814 = arith.constant 0 : i32
    %ne3A_815 = arith.cmpi ne, %rem3A_813, %ne3A_814 : i32
    %and3A_816 = arith.andi %ne3A_812, %ne3A_815 : i1
    %sub3A_817 = arith.constant 1 : i32
    %sub3A_818 = arith.subi %div3A_797, %sub3A_817 : i32
    %select_n3A_819 = arith.select %and3A_816, %sub3A_818, %div3A_797 : i32
    %mul3A_820 = arith.constant 128 : i32
    %mul3A_821 = arith.muli %select_n3A_819, %mul3A_820 : i32
    %dma_start3A_822 = arith.constant 0 : i32
    %dma_start3A_823 = tpu.memref_slice %arg3[%dma_start3A_822, %mul3A_821] : memref<100x1000000xf32, #tpu.memory_space<hbm>> -> memref<100x128xf32, #tpu.memory_space<hbm>>
    %dma_start3A_824 = arith.constant 0 : i32
    %dma_start3A_825 = tpu.memref_slice %arg3[%dma_start3A_824, %mul3A_821] : memref<100x1000000xf32, #tpu.memory_space<hbm>> -> memref<100x128xf32, #tpu.memory_space<hbm>>
    tpu.enqueue_dma source(%dma_start3A_825 : memref<100x128xf32, #tpu.memory_space<hbm>>) target(%arg11 : memref<100x128xf32, #tpu.memory_space<vmem>>) target_semaphore(%arg19 : memref<!tpu.dma_semaphore, #tpu.memory_space<semaphore_mem>>)
    %sub3A_826 = arith.subi %squeeze3A_795, %mul3A_821 : i32
    %get3A_827 = arith.constant 9 : i32
    %get3A_828 = arith.index_cast %get3A_827 : i32 to index
    %get3A_829 = arith.constant 0 : index
    %get3A_830 = tpu.vector_load %arg10[%get3A_828, %get3A_829] {strides = array<i32>} : memref<16x16xf32, #tpu.memory_space<vmem>>, vector<16xf32>,
    %broadcast_in_dim3A_831 = vector.broadcast %sub3A_742 : i32 to vector<16xi32>
    %add3A_832 = arith.constant 0 : i32
    %add3A_833 = vector.broadcast %add3A_832 : i32 to vector<16xi32>
    %add3A_834 = arith.addi %iota3A, %add3A_833 : vector<16xi32>
    %gather3A_835 = tpu.vector_load_idx %arg12[%add3A_834, %broadcast_in_dim3A_831] : memref<100x128xf32, #tpu.memory_space<vmem>>[vector<16xi32>, vector<16xi32>], vector<16xf32>,
    %mul3A_836 = arith.mulf %get3A_830, %gather3A_835 : vector<16xf32>
    %add3A_837 = arith.addf %add3A_753, %mul3A_836 : vector<16xf32>
    %add3A_838 = arith.constant 16 : i32
    %add3A_839 = vector.broadcast %add3A_838 : i32 to vector<16xi32>
    %add3A_840 = arith.addi %iota3A, %add3A_839 : vector<16xi32>
    %gather3A_841 = tpu.vector_load_idx %arg12[%add3A_840, %broadcast_in_dim3A_831] : memref<100x128xf32, #tpu.memory_space<vmem>>[vector<16xi32>, vector<16xi32>], vector<16xf32>,
    %mul3A_842 = arith.mulf %get3A_830, %gather3A_841 : vector<16xf32>
    %add3A_843 = arith.addf %add3A_759, %mul3A_842 : vector<16xf32>
    %add3A_844 = arith.constant 32 : i32
    %add3A_845 = vector.broadcast %add3A_844 : i32 to vector<16xi32>
    %add3A_846 = arith.addi %iota3A, %add3A_845 : vector<16xi32>
    %gather3A_847 = tpu.vector_load_idx %arg12[%add3A_846, %broadcast_in_dim3A_831] : memref<100x128xf32, #tpu.memory_space<vmem>>[vector<16xi32>, vector<16xi32>], vector<16xf32>,
    %mul3A_848 = arith.mulf %get3A_830, %gather3A_847 : vector<16xf32>
    %add3A_849 = arith.addf %add3A_765, %mul3A_848 : vector<16xf32>
    %add3A_850 = arith.constant 48 : i32
    %add3A_851 = vector.broadcast %add3A_850 : i32 to vector<16xi32>
    %add3A_852 = arith.addi %iota3A, %add3A_851 : vector<16xi32>
    %gather3A_853 = tpu.vector_load_idx %arg12[%add3A_852, %broadcast_in_dim3A_831] : memref<100x128xf32, #tpu.memory_space<vmem>>[vector<16xi32>, vector<16xi32>], vector<16xf32>,
    %mul3A_854 = arith.mulf %get3A_830, %gather3A_853 : vector<16xf32>
    %add3A_855 = arith.addf %add3A_771, %mul3A_854 : vector<16xf32>
    %add3A_856 = arith.constant 64 : i32
    %add3A_857 = vector.broadcast %add3A_856 : i32 to vector<16xi32>
    %add3A_858 = arith.addi %iota3A, %add3A_857 : vector<16xi32>
    %gather3A_859 = tpu.vector_load_idx %arg12[%add3A_858, %broadcast_in_dim3A_831] : memref<100x128xf32, #tpu.memory_space<vmem>>[vector<16xi32>, vector<16xi32>], vector<16xf32>,
    %mul3A_860 = arith.mulf %get3A_830, %gather3A_859 : vector<16xf32>
    %add3A_861 = arith.addf %add3A_777, %mul3A_860 : vector<16xf32>
    %add3A_862 = arith.constant 80 : i32
    %add3A_863 = vector.broadcast %add3A_862 : i32 to vector<16xi32>
    %add3A_864 = arith.addi %iota3A, %add3A_863 : vector<16xi32>
    %gather3A_865 = tpu.vector_load_idx %arg12[%add3A_864, %broadcast_in_dim3A_831] : memref<100x128xf32, #tpu.memory_space<vmem>>[vector<16xi32>, vector<16xi32>], vector<16xf32>,
    %mul3A_866 = arith.mulf %get3A_830, %gather3A_865 : vector<16xf32>
    %add3A_867 = arith.addf %add3A_783, %mul3A_866 : vector<16xf32>
    %add3A_868 = arith.constant 84 : i32
    %add3A_869 = vector.broadcast %add3A_868 : i32 to vector<16xi32>
    %add3A_870 = arith.addi %iota3A, %add3A_869 : vector<16xi32>
    %gather3A_871 = tpu.vector_load_idx %arg12[%add3A_870, %broadcast_in_dim3A_831] : memref<100x128xf32, #tpu.memory_space<vmem>>[vector<16xi32>, vector<16xi32>], vector<16xf32>,
    %mul3A_872 = arith.mulf %get3A_830, %gather3A_871 : vector<16xf32>
    %add3A_873 = arith.addf %add3A_789, %mul3A_872 : vector<16xf32>
    %dma_wait3A_874 = arith.constant 0 : i32
    %dma_wait3A_875 = tpu.memref_slice %arg3[%dma_wait3A_874, %mul3A_821] : memref<100x1000000xf32, #tpu.memory_space<hbm>> -> memref<100x128xf32, #tpu.memory_space<hbm>>
    %dma_wait3A_876 = arith.constant 0 : i32
    %dma_wait3A_877 = tpu.memref_slice %arg3[%dma_wait3A_876, %mul3A_821] : memref<100x1000000xf32, #tpu.memory_space<hbm>> -> memref<100x128xf32, #tpu.memory_space<hbm>>
    tpu.wait_dma2 semaphore(%arg19 : memref<!tpu.dma_semaphore, #tpu.memory_space<semaphore_mem>>) src(%dma_wait3A_877 : memref<100x128xf32, #tpu.memory_space<hbm>>) dst(%arg11 : memref<100x128xf32, #tpu.memory_space<vmem>>)
    %slice3A_878 = vector.extract_strided_slice %get3A_1 {offsets = [11], sizes = [1], strides = [1]} : vector<16xi32> to vector<1xi32>
    %squeeze3A_879 = vector.extract %slice3A_878[0] : i32 from vector<1xi32>
    %jit3A_880 = arith.constant 128 : i32
    %div3A_881 = arith.divsi %squeeze3A_879, %jit3A_880 : i32
    %sign3A_882 = arith.constant 0 : i32
    %sign3A_883 = arith.cmpi sgt, %squeeze3A_879, %sign3A_882 : i32
    %sign3A_884 = arith.extui %sign3A_883 : i1 to i32
    %sign3A_885 = arith.constant 0 : i32
    %sign3A_886 = arith.cmpi slt, %squeeze3A_879, %sign3A_885 : i32
    %sign3A_887 = arith.extui %sign3A_886 : i1 to i32
    %sign3A_888 = arith.subi %sign3A_884, %sign3A_887 : i32
    %sign3A_889 = arith.constant 0 : i32
    %sign3A_890 = arith.cmpi sgt, %jit3A_880, %sign3A_889 : i32
    %sign3A_891 = arith.extui %sign3A_890 : i1 to i32
    %sign3A_892 = arith.constant 0 : i32
    %sign3A_893 = arith.cmpi slt, %jit3A_880, %sign3A_892 : i32
    %sign3A_894 = arith.extui %sign3A_893 : i1 to i32
    %sign3A_895 = arith.subi %sign3A_891, %sign3A_894 : i32
    %ne3A_896 = arith.cmpi ne, %sign3A_888, %sign3A_895 : i32
    %rem3A_897 = arith.remsi %squeeze3A_879, %jit3A_880 : i32
    %ne3A_898 = arith.constant 0 : i32
    %ne3A_899 = arith.cmpi ne, %rem3A_897, %ne3A_898 : i32
    %and3A_900 = arith.andi %ne3A_896, %ne3A_899 : i1
    %sub3A_901 = arith.constant 1 : i32
    %sub3A_902 = arith.subi %div3A_881, %sub3A_901 : i32
    %select_n3A_903 = arith.select %and3A_900, %sub3A_902, %div3A_881 : i32
    %mul3A_904 = arith.constant 128 : i32
    %mul3A_905 = arith.muli %select_n3A_903, %mul3A_904 : i32
    %dma_start3A_906 = arith.constant 0 : i32
    %dma_start3A_907 = tpu.memref_slice %arg3[%dma_start3A_906, %mul3A_905] : memref<100x1000000xf32, #tpu.memory_space<hbm>> -> memref<100x128xf32, #tpu.memory_space<hbm>>
    %dma_start3A_908 = arith.constant 0 : i32
    %dma_start3A_909 = tpu.memref_slice %arg3[%dma_start3A_908, %mul3A_905] : memref<100x1000000xf32, #tpu.memory_space<hbm>> -> memref<100x128xf32, #tpu.memory_space<hbm>>
    tpu.enqueue_dma source(%dma_start3A_909 : memref<100x128xf32, #tpu.memory_space<hbm>>) target(%arg12 : memref<100x128xf32, #tpu.memory_space<vmem>>) target_semaphore(%arg20 : memref<!tpu.dma_semaphore, #tpu.memory_space<semaphore_mem>>)
    %sub3A_910 = arith.subi %squeeze3A_879, %mul3A_905 : i32
    %get3A_911 = arith.constant 10 : i32
    %get3A_912 = arith.index_cast %get3A_911 : i32 to index
    %get3A_913 = arith.constant 0 : index
    %get3A_914 = tpu.vector_load %arg10[%get3A_912, %get3A_913] {strides = array<i32>} : memref<16x16xf32, #tpu.memory_space<vmem>>, vector<16xf32>,
    %broadcast_in_dim3A_915 = vector.broadcast %sub3A_826 : i32 to vector<16xi32>
    %add3A_916 = arith.constant 0 : i32
    %add3A_917 = vector.broadcast %add3A_916 : i32 to vector<16xi32>
    %add3A_918 = arith.addi %iota3A, %add3A_917 : vector<16xi32>
    %gather3A_919 = tpu.vector_load_idx %arg11[%add3A_918, %broadcast_in_dim3A_915] : memref<100x128xf32, #tpu.memory_space<vmem>>[vector<16xi32>, vector<16xi32>], vector<16xf32>,
    %mul3A_920 = arith.mulf %get3A_914, %gather3A_919 : vector<16xf32>
    %add3A_921 = arith.addf %add3A_837, %mul3A_920 : vector<16xf32>
    %add3A_922 = arith.constant 16 : i32
    %add3A_923 = vector.broadcast %add3A_922 : i32 to vector<16xi32>
    %add3A_924 = arith.addi %iota3A, %add3A_923 : vector<16xi32>
    %gather3A_925 = tpu.vector_load_idx %arg11[%add3A_924, %broadcast_in_dim3A_915] : memref<100x128xf32, #tpu.memory_space<vmem>>[vector<16xi32>, vector<16xi32>], vector<16xf32>,
    %mul3A_926 = arith.mulf %get3A_914, %gather3A_925 : vector<16xf32>
    %add3A_927 = arith.addf %add3A_843, %mul3A_926 : vector<16xf32>
    %add3A_928 = arith.constant 32 : i32
    %add3A_929 = vector.broadcast %add3A_928 : i32 to vector<16xi32>
    %add3A_930 = arith.addi %iota3A, %add3A_929 : vector<16xi32>
    %gather3A_931 = tpu.vector_load_idx %arg11[%add3A_930, %broadcast_in_dim3A_915] : memref<100x128xf32, #tpu.memory_space<vmem>>[vector<16xi32>, vector<16xi32>], vector<16xf32>,
    %mul3A_932 = arith.mulf %get3A_914, %gather3A_931 : vector<16xf32>
    %add3A_933 = arith.addf %add3A_849, %mul3A_932 : vector<16xf32>
    %add3A_934 = arith.constant 48 : i32
    %add3A_935 = vector.broadcast %add3A_934 : i32 to vector<16xi32>
    %add3A_936 = arith.addi %iota3A, %add3A_935 : vector<16xi32>
    %gather3A_937 = tpu.vector_load_idx %arg11[%add3A_936, %broadcast_in_dim3A_915] : memref<100x128xf32, #tpu.memory_space<vmem>>[vector<16xi32>, vector<16xi32>], vector<16xf32>,
    %mul3A_938 = arith.mulf %get3A_914, %gather3A_937 : vector<16xf32>
    %add3A_939 = arith.addf %add3A_855, %mul3A_938 : vector<16xf32>
    %add3A_940 = arith.constant 64 : i32
    %add3A_941 = vector.broadcast %add3A_940 : i32 to vector<16xi32>
    %add3A_942 = arith.addi %iota3A, %add3A_941 : vector<16xi32>
    %gather3A_943 = tpu.vector_load_idx %arg11[%add3A_942, %broadcast_in_dim3A_915] : memref<100x128xf32, #tpu.memory_space<vmem>>[vector<16xi32>, vector<16xi32>], vector<16xf32>,
    %mul3A_944 = arith.mulf %get3A_914, %gather3A_943 : vector<16xf32>
    %add3A_945 = arith.addf %add3A_861, %mul3A_944 : vector<16xf32>
    %add3A_946 = arith.constant 80 : i32
    %add3A_947 = vector.broadcast %add3A_946 : i32 to vector<16xi32>
    %add3A_948 = arith.addi %iota3A, %add3A_947 : vector<16xi32>
    %gather3A_949 = tpu.vector_load_idx %arg11[%add3A_948, %broadcast_in_dim3A_915] : memref<100x128xf32, #tpu.memory_space<vmem>>[vector<16xi32>, vector<16xi32>], vector<16xf32>,
    %mul3A_950 = arith.mulf %get3A_914, %gather3A_949 : vector<16xf32>
    %add3A_951 = arith.addf %add3A_867, %mul3A_950 : vector<16xf32>
    %add3A_952 = arith.constant 84 : i32
    %add3A_953 = vector.broadcast %add3A_952 : i32 to vector<16xi32>
    %add3A_954 = arith.addi %iota3A, %add3A_953 : vector<16xi32>
    %gather3A_955 = tpu.vector_load_idx %arg11[%add3A_954, %broadcast_in_dim3A_915] : memref<100x128xf32, #tpu.memory_space<vmem>>[vector<16xi32>, vector<16xi32>], vector<16xf32>,
    %mul3A_956 = arith.mulf %get3A_914, %gather3A_955 : vector<16xf32>
    %add3A_957 = arith.addf %add3A_873, %mul3A_956 : vector<16xf32>
    %dma_wait3A_958 = arith.constant 0 : i32
    %dma_wait3A_959 = tpu.memref_slice %arg3[%dma_wait3A_958, %mul3A_905] : memref<100x1000000xf32, #tpu.memory_space<hbm>> -> memref<100x128xf32, #tpu.memory_space<hbm>>
    %dma_wait3A_960 = arith.constant 0 : i32
    %dma_wait3A_961 = tpu.memref_slice %arg3[%dma_wait3A_960, %mul3A_905] : memref<100x1000000xf32, #tpu.memory_space<hbm>> -> memref<100x128xf32, #tpu.memory_space<hbm>>
    tpu.wait_dma2 semaphore(%arg20 : memref<!tpu.dma_semaphore, #tpu.memory_space<semaphore_mem>>) src(%dma_wait3A_961 : memref<100x128xf32, #tpu.memory_space<hbm>>) dst(%arg12 : memref<100x128xf32, #tpu.memory_space<vmem>>)
    %slice3A_962 = vector.extract_strided_slice %get3A_1 {offsets = [12], sizes = [1], strides = [1]} : vector<16xi32> to vector<1xi32>
    %squeeze3A_963 = vector.extract %slice3A_962[0] : i32 from vector<1xi32>
    %jit3A_964 = arith.constant 128 : i32
    %div3A_965 = arith.divsi %squeeze3A_963, %jit3A_964 : i32
    %sign3A_966 = arith.constant 0 : i32
    %sign3A_967 = arith.cmpi sgt, %squeeze3A_963, %sign3A_966 : i32
    %sign3A_968 = arith.extui %sign3A_967 : i1 to i32
    %sign3A_969 = arith.constant 0 : i32
    %sign3A_970 = arith.cmpi slt, %squeeze3A_963, %sign3A_969 : i32
    %sign3A_971 = arith.extui %sign3A_970 : i1 to i32
    %sign3A_972 = arith.subi %sign3A_968, %sign3A_971 : i32
    %sign3A_973 = arith.constant 0 : i32
    %sign3A_974 = arith.cmpi sgt, %jit3A_964, %sign3A_973 : i32
    %sign3A_975 = arith.extui %sign3A_974 : i1 to i32
    %sign3A_976 = arith.constant 0 : i32
    %sign3A_977 = arith.cmpi slt, %jit3A_964, %sign3A_976 : i32
    %sign3A_978 = arith.extui %sign3A_977 : i1 to i32
    %sign3A_979 = arith.subi %sign3A_975, %sign3A_978 : i32
    %ne3A_980 = arith.cmpi ne, %sign3A_972, %sign3A_979 : i32
    %rem3A_981 = arith.remsi %squeeze3A_963, %jit3A_964 : i32
    %ne3A_982 = arith.constant 0 : i32
    %ne3A_983 = arith.cmpi ne, %rem3A_981, %ne3A_982 : i32
    %and3A_984 = arith.andi %ne3A_980, %ne3A_983 : i1
    %sub3A_985 = arith.constant 1 : i32
    %sub3A_986 = arith.subi %div3A_965, %sub3A_985 : i32
    %select_n3A_987 = arith.select %and3A_984, %sub3A_986, %div3A_965 : i32
    %mul3A_988 = arith.constant 128 : i32
    %mul3A_989 = arith.muli %select_n3A_987, %mul3A_988 : i32
    %dma_start3A_990 = arith.constant 0 : i32
    %dma_start3A_991 = tpu.memref_slice %arg3[%dma_start3A_990, %mul3A_989] : memref<100x1000000xf32, #tpu.memory_space<hbm>> -> memref<100x128xf32, #tpu.memory_space<hbm>>
    %dma_start3A_992 = arith.constant 0 : i32
    %dma_start3A_993 = tpu.memref_slice %arg3[%dma_start3A_992, %mul3A_989] : memref<100x1000000xf32, #tpu.memory_space<hbm>> -> memref<100x128xf32, #tpu.memory_space<hbm>>
    tpu.enqueue_dma source(%dma_start3A_993 : memref<100x128xf32, #tpu.memory_space<hbm>>) target(%arg11 : memref<100x128xf32, #tpu.memory_space<vmem>>) target_semaphore(%arg19 : memref<!tpu.dma_semaphore, #tpu.memory_space<semaphore_mem>>)
    %sub3A_994 = arith.subi %squeeze3A_963, %mul3A_989 : i32
    %get3A_995 = arith.constant 11 : i32
    %get3A_996 = arith.index_cast %get3A_995 : i32 to index
    %get3A_997 = arith.constant 0 : index
    %get3A_998 = tpu.vector_load %arg10[%get3A_996, %get3A_997] {strides = array<i32>} : memref<16x16xf32, #tpu.memory_space<vmem>>, vector<16xf32>,
    %broadcast_in_dim3A_999 = vector.broadcast %sub3A_910 : i32 to vector<16xi32>
    %add3A_1000 = arith.constant 0 : i32
    %add3A_1001 = vector.broadcast %add3A_1000 : i32 to vector<16xi32>
    %add3A_1002 = arith.addi %iota3A, %add3A_1001 : vector<16xi32>
    %gather3A_1003 = tpu.vector_load_idx %arg12[%add3A_1002, %broadcast_in_dim3A_999] : memref<100x128xf32, #tpu.memory_space<vmem>>[vector<16xi32>, vector<16xi32>], vector<16xf32>,
    %mul3A_1004 = arith.mulf %get3A_998, %gather3A_1003 : vector<16xf32>
    %add3A_1005 = arith.addf %add3A_921, %mul3A_1004 : vector<16xf32>
    %add3A_1006 = arith.constant 16 : i32
    %add3A_1007 = vector.broadcast %add3A_1006 : i32 to vector<16xi32>
    %add3A_1008 = arith.addi %iota3A, %add3A_1007 : vector<16xi32>
    %gather3A_1009 = tpu.vector_load_idx %arg12[%add3A_1008, %broadcast_in_dim3A_999] : memref<100x128xf32, #tpu.memory_space<vmem>>[vector<16xi32>, vector<16xi32>], vector<16xf32>,
    %mul3A_1010 = arith.mulf %get3A_998, %gather3A_1009 : vector<16xf32>
    %add3A_1011 = arith.addf %add3A_927, %mul3A_1010 : vector<16xf32>
    %add3A_1012 = arith.constant 32 : i32
    %add3A_1013 = vector.broadcast %add3A_1012 : i32 to vector<16xi32>
    %add3A_1014 = arith.addi %iota3A, %add3A_1013 : vector<16xi32>
    %gather3A_1015 = tpu.vector_load_idx %arg12[%add3A_1014, %broadcast_in_dim3A_999] : memref<100x128xf32, #tpu.memory_space<vmem>>[vector<16xi32>, vector<16xi32>], vector<16xf32>,
    %mul3A_1016 = arith.mulf %get3A_998, %gather3A_1015 : vector<16xf32>
    %add3A_1017 = arith.addf %add3A_933, %mul3A_1016 : vector<16xf32>
    %add3A_1018 = arith.constant 48 : i32
    %add3A_1019 = vector.broadcast %add3A_1018 : i32 to vector<16xi32>
    %add3A_1020 = arith.addi %iota3A, %add3A_1019 : vector<16xi32>
    %gather3A_1021 = tpu.vector_load_idx %arg12[%add3A_1020, %broadcast_in_dim3A_999] : memref<100x128xf32, #tpu.memory_space<vmem>>[vector<16xi32>, vector<16xi32>], vector<16xf32>,
    %mul3A_1022 = arith.mulf %get3A_998, %gather3A_1021 : vector<16xf32>
    %add3A_1023 = arith.addf %add3A_939, %mul3A_1022 : vector<16xf32>
    %add3A_1024 = arith.constant 64 : i32
    %add3A_1025 = vector.broadcast %add3A_1024 : i32 to vector<16xi32>
    %add3A_1026 = arith.addi %iota3A, %add3A_1025 : vector<16xi32>
    %gather3A_1027 = tpu.vector_load_idx %arg12[%add3A_1026, %broadcast_in_dim3A_999] : memref<100x128xf32, #tpu.memory_space<vmem>>[vector<16xi32>, vector<16xi32>], vector<16xf32>,
    %mul3A_1028 = arith.mulf %get3A_998, %gather3A_1027 : vector<16xf32>
    %add3A_1029 = arith.addf %add3A_945, %mul3A_1028 : vector<16xf32>
    %add3A_1030 = arith.constant 80 : i32
    %add3A_1031 = vector.broadcast %add3A_1030 : i32 to vector<16xi32>
    %add3A_1032 = arith.addi %iota3A, %add3A_1031 : vector<16xi32>
    %gather3A_1033 = tpu.vector_load_idx %arg12[%add3A_1032, %broadcast_in_dim3A_999] : memref<100x128xf32, #tpu.memory_space<vmem>>[vector<16xi32>, vector<16xi32>], vector<16xf32>,
    %mul3A_1034 = arith.mulf %get3A_998, %gather3A_1033 : vector<16xf32>
    %add3A_1035 = arith.addf %add3A_951, %mul3A_1034 : vector<16xf32>
    %add3A_1036 = arith.constant 84 : i32
    %add3A_1037 = vector.broadcast %add3A_1036 : i32 to vector<16xi32>
    %add3A_1038 = arith.addi %iota3A, %add3A_1037 : vector<16xi32>
    %gather3A_1039 = tpu.vector_load_idx %arg12[%add3A_1038, %broadcast_in_dim3A_999] : memref<100x128xf32, #tpu.memory_space<vmem>>[vector<16xi32>, vector<16xi32>], vector<16xf32>,
    %mul3A_1040 = arith.mulf %get3A_998, %gather3A_1039 : vector<16xf32>
    %add3A_1041 = arith.addf %add3A_957, %mul3A_1040 : vector<16xf32>
    %dma_wait3A_1042 = arith.constant 0 : i32
    %dma_wait3A_1043 = tpu.memref_slice %arg3[%dma_wait3A_1042, %mul3A_989] : memref<100x1000000xf32, #tpu.memory_space<hbm>> -> memref<100x128xf32, #tpu.memory_space<hbm>>
    %dma_wait3A_1044 = arith.constant 0 : i32
    %dma_wait3A_1045 = tpu.memref_slice %arg3[%dma_wait3A_1044, %mul3A_989] : memref<100x1000000xf32, #tpu.memory_space<hbm>> -> memref<100x128xf32, #tpu.memory_space<hbm>>
    tpu.wait_dma2 semaphore(%arg19 : memref<!tpu.dma_semaphore, #tpu.memory_space<semaphore_mem>>) src(%dma_wait3A_1045 : memref<100x128xf32, #tpu.memory_space<hbm>>) dst(%arg11 : memref<100x128xf32, #tpu.memory_space<vmem>>)
    %slice3A_1046 = vector.extract_strided_slice %get3A_1 {offsets = [13], sizes = [1], strides = [1]} : vector<16xi32> to vector<1xi32>
    %squeeze3A_1047 = vector.extract %slice3A_1046[0] : i32 from vector<1xi32>
    %jit3A_1048 = arith.constant 128 : i32
    %div3A_1049 = arith.divsi %squeeze3A_1047, %jit3A_1048 : i32
    %sign3A_1050 = arith.constant 0 : i32
    %sign3A_1051 = arith.cmpi sgt, %squeeze3A_1047, %sign3A_1050 : i32
    %sign3A_1052 = arith.extui %sign3A_1051 : i1 to i32
    %sign3A_1053 = arith.constant 0 : i32
    %sign3A_1054 = arith.cmpi slt, %squeeze3A_1047, %sign3A_1053 : i32
    %sign3A_1055 = arith.extui %sign3A_1054 : i1 to i32
    %sign3A_1056 = arith.subi %sign3A_1052, %sign3A_1055 : i32
    %sign3A_1057 = arith.constant 0 : i32
    %sign3A_1058 = arith.cmpi sgt, %jit3A_1048, %sign3A_1057 : i32
    %sign3A_1059 = arith.extui %sign3A_1058 : i1 to i32
    %sign3A_1060 = arith.constant 0 : i32
    %sign3A_1061 = arith.cmpi slt, %jit3A_1048, %sign3A_1060 : i32
    %sign3A_1062 = arith.extui %sign3A_1061 : i1 to i32
    %sign3A_1063 = arith.subi %sign3A_1059, %sign3A_1062 : i32
    %ne3A_1064 = arith.cmpi ne, %sign3A_1056, %sign3A_1063 : i32
    %rem3A_1065 = arith.remsi %squeeze3A_1047, %jit3A_1048 : i32
    %ne3A_1066 = arith.constant 0 : i32
    %ne3A_1067 = arith.cmpi ne, %rem3A_1065, %ne3A_1066 : i32
    %and3A_1068 = arith.andi %ne3A_1064, %ne3A_1067 : i1
    %sub3A_1069 = arith.constant 1 : i32
    %sub3A_1070 = arith.subi %div3A_1049, %sub3A_1069 : i32
    %select_n3A_1071 = arith.select %and3A_1068, %sub3A_1070, %div3A_1049 : i32
    %mul3A_1072 = arith.constant 128 : i32
    %mul3A_1073 = arith.muli %select_n3A_1071, %mul3A_1072 : i32
    %dma_start3A_1074 = arith.constant 0 : i32
    %dma_start3A_1075 = tpu.memref_slice %arg3[%dma_start3A_1074, %mul3A_1073] : memref<100x1000000xf32, #tpu.memory_space<hbm>> -> memref<100x128xf32, #tpu.memory_space<hbm>>
    %dma_start3A_1076 = arith.constant 0 : i32
    %dma_start3A_1077 = tpu.memref_slice %arg3[%dma_start3A_1076, %mul3A_1073] : memref<100x1000000xf32, #tpu.memory_space<hbm>> -> memref<100x128xf32, #tpu.memory_space<hbm>>
    tpu.enqueue_dma source(%dma_start3A_1077 : memref<100x128xf32, #tpu.memory_space<hbm>>) target(%arg12 : memref<100x128xf32, #tpu.memory_space<vmem>>) target_semaphore(%arg20 : memref<!tpu.dma_semaphore, #tpu.memory_space<semaphore_mem>>)
    %sub3A_1078 = arith.subi %squeeze3A_1047, %mul3A_1073 : i32
    %get3A_1079 = arith.constant 12 : i32
    %get3A_1080 = arith.index_cast %get3A_1079 : i32 to index
    %get3A_1081 = arith.constant 0 : index
    %get3A_1082 = tpu.vector_load %arg10[%get3A_1080, %get3A_1081] {strides = array<i32>} : memref<16x16xf32, #tpu.memory_space<vmem>>, vector<16xf32>,
    %broadcast_in_dim3A_1083 = vector.broadcast %sub3A_994 : i32 to vector<16xi32>
    %add3A_1084 = arith.constant 0 : i32
    %add3A_1085 = vector.broadcast %add3A_1084 : i32 to vector<16xi32>
    %add3A_1086 = arith.addi %iota3A, %add3A_1085 : vector<16xi32>
    %gather3A_1087 = tpu.vector_load_idx %arg11[%add3A_1086, %broadcast_in_dim3A_1083] : memref<100x128xf32, #tpu.memory_space<vmem>>[vector<16xi32>, vector<16xi32>], vector<16xf32>,
    %mul3A_1088 = arith.mulf %get3A_1082, %gather3A_1087 : vector<16xf32>
    %add3A_1089 = arith.addf %add3A_1005, %mul3A_1088 : vector<16xf32>
    %add3A_1090 = arith.constant 16 : i32
    %add3A_1091 = vector.broadcast %add3A_1090 : i32 to vector<16xi32>
    %add3A_1092 = arith.addi %iota3A, %add3A_1091 : vector<16xi32>
    %gather3A_1093 = tpu.vector_load_idx %arg11[%add3A_1092, %broadcast_in_dim3A_1083] : memref<100x128xf32, #tpu.memory_space<vmem>>[vector<16xi32>, vector<16xi32>], vector<16xf32>,
    %mul3A_1094 = arith.mulf %get3A_1082, %gather3A_1093 : vector<16xf32>
    %add3A_1095 = arith.addf %add3A_1011, %mul3A_1094 : vector<16xf32>
    %add3A_1096 = arith.constant 32 : i32
    %add3A_1097 = vector.broadcast %add3A_1096 : i32 to vector<16xi32>
    %add3A_1098 = arith.addi %iota3A, %add3A_1097 : vector<16xi32>
    %gather3A_1099 = tpu.vector_load_idx %arg11[%add3A_1098, %broadcast_in_dim3A_1083] : memref<100x128xf32, #tpu.memory_space<vmem>>[vector<16xi32>, vector<16xi32>], vector<16xf32>,
    %mul3A_1100 = arith.mulf %get3A_1082, %gather3A_1099 : vector<16xf32>
    %add3A_1101 = arith.addf %add3A_1017, %mul3A_1100 : vector<16xf32>
    %add3A_1102 = arith.constant 48 : i32
    %add3A_1103 = vector.broadcast %add3A_1102 : i32 to vector<16xi32>
    %add3A_1104 = arith.addi %iota3A, %add3A_1103 : vector<16xi32>
    %gather3A_1105 = tpu.vector_load_idx %arg11[%add3A_1104, %broadcast_in_dim3A_1083] : memref<100x128xf32, #tpu.memory_space<vmem>>[vector<16xi32>, vector<16xi32>], vector<16xf32>,
    %mul3A_1106 = arith.mulf %get3A_1082, %gather3A_1105 : vector<16xf32>
    %add3A_1107 = arith.addf %add3A_1023, %mul3A_1106 : vector<16xf32>
    %add3A_1108 = arith.constant 64 : i32
    %add3A_1109 = vector.broadcast %add3A_1108 : i32 to vector<16xi32>
    %add3A_1110 = arith.addi %iota3A, %add3A_1109 : vector<16xi32>
    %gather3A_1111 = tpu.vector_load_idx %arg11[%add3A_1110, %broadcast_in_dim3A_1083] : memref<100x128xf32, #tpu.memory_space<vmem>>[vector<16xi32>, vector<16xi32>], vector<16xf32>,
    %mul3A_1112 = arith.mulf %get3A_1082, %gather3A_1111 : vector<16xf32>
    %add3A_1113 = arith.addf %add3A_1029, %mul3A_1112 : vector<16xf32>
    %add3A_1114 = arith.constant 80 : i32
    %add3A_1115 = vector.broadcast %add3A_1114 : i32 to vector<16xi32>
    %add3A_1116 = arith.addi %iota3A, %add3A_1115 : vector<16xi32>
    %gather3A_1117 = tpu.vector_load_idx %arg11[%add3A_1116, %broadcast_in_dim3A_1083] : memref<100x128xf32, #tpu.memory_space<vmem>>[vector<16xi32>, vector<16xi32>], vector<16xf32>,
    %mul3A_1118 = arith.mulf %get3A_1082, %gather3A_1117 : vector<16xf32>
    %add3A_1119 = arith.addf %add3A_1035, %mul3A_1118 : vector<16xf32>
    %add3A_1120 = arith.constant 84 : i32
    %add3A_1121 = vector.broadcast %add3A_1120 : i32 to vector<16xi32>
    %add3A_1122 = arith.addi %iota3A, %add3A_1121 : vector<16xi32>
    %gather3A_1123 = tpu.vector_load_idx %arg11[%add3A_1122, %broadcast_in_dim3A_1083] : memref<100x128xf32, #tpu.memory_space<vmem>>[vector<16xi32>, vector<16xi32>], vector<16xf32>,
    %mul3A_1124 = arith.mulf %get3A_1082, %gather3A_1123 : vector<16xf32>
    %add3A_1125 = arith.addf %add3A_1041, %mul3A_1124 : vector<16xf32>
    %dma_wait3A_1126 = arith.constant 0 : i32
    %dma_wait3A_1127 = tpu.memref_slice %arg3[%dma_wait3A_1126, %mul3A_1073] : memref<100x1000000xf32, #tpu.memory_space<hbm>> -> memref<100x128xf32, #tpu.memory_space<hbm>>
    %dma_wait3A_1128 = arith.constant 0 : i32
    %dma_wait3A_1129 = tpu.memref_slice %arg3[%dma_wait3A_1128, %mul3A_1073] : memref<100x1000000xf32, #tpu.memory_space<hbm>> -> memref<100x128xf32, #tpu.memory_space<hbm>>
    tpu.wait_dma2 semaphore(%arg20 : memref<!tpu.dma_semaphore, #tpu.memory_space<semaphore_mem>>) src(%dma_wait3A_1129 : memref<100x128xf32, #tpu.memory_space<hbm>>) dst(%arg12 : memref<100x128xf32, #tpu.memory_space<vmem>>)
    %slice3A_1130 = vector.extract_strided_slice %get3A_1 {offsets = [14], sizes = [1], strides = [1]} : vector<16xi32> to vector<1xi32>
    %squeeze3A_1131 = vector.extract %slice3A_1130[0] : i32 from vector<1xi32>
    %jit3A_1132 = arith.constant 128 : i32
    %div3A_1133 = arith.divsi %squeeze3A_1131, %jit3A_1132 : i32
    %sign3A_1134 = arith.constant 0 : i32
    %sign3A_1135 = arith.cmpi sgt, %squeeze3A_1131, %sign3A_1134 : i32
    %sign3A_1136 = arith.extui %sign3A_1135 : i1 to i32
    %sign3A_1137 = arith.constant 0 : i32
    %sign3A_1138 = arith.cmpi slt, %squeeze3A_1131, %sign3A_1137 : i32
    %sign3A_1139 = arith.extui %sign3A_1138 : i1 to i32
    %sign3A_1140 = arith.subi %sign3A_1136, %sign3A_1139 : i32
    %sign3A_1141 = arith.constant 0 : i32
    %sign3A_1142 = arith.cmpi sgt, %jit3A_1132, %sign3A_1141 : i32
    %sign3A_1143 = arith.extui %sign3A_1142 : i1 to i32
    %sign3A_1144 = arith.constant 0 : i32
    %sign3A_1145 = arith.cmpi slt, %jit3A_1132, %sign3A_1144 : i32
    %sign3A_1146 = arith.extui %sign3A_1145 : i1 to i32
    %sign3A_1147 = arith.subi %sign3A_1143, %sign3A_1146 : i32
    %ne3A_1148 = arith.cmpi ne, %sign3A_1140, %sign3A_1147 : i32
    %rem3A_1149 = arith.remsi %squeeze3A_1131, %jit3A_1132 : i32
    %ne3A_1150 = arith.constant 0 : i32
    %ne3A_1151 = arith.cmpi ne, %rem3A_1149, %ne3A_1150 : i32
    %and3A_1152 = arith.andi %ne3A_1148, %ne3A_1151 : i1
    %sub3A_1153 = arith.constant 1 : i32
    %sub3A_1154 = arith.subi %div3A_1133, %sub3A_1153 : i32
    %select_n3A_1155 = arith.select %and3A_1152, %sub3A_1154, %div3A_1133 : i32
    %mul3A_1156 = arith.constant 128 : i32
    %mul3A_1157 = arith.muli %select_n3A_1155, %mul3A_1156 : i32
    %dma_start3A_1158 = arith.constant 0 : i32
    %dma_start3A_1159 = tpu.memref_slice %arg3[%dma_start3A_1158, %mul3A_1157] : memref<100x1000000xf32, #tpu.memory_space<hbm>> -> memref<100x128xf32, #tpu.memory_space<hbm>>
    %dma_start3A_1160 = arith.constant 0 : i32
    %dma_start3A_1161 = tpu.memref_slice %arg3[%dma_start3A_1160, %mul3A_1157] : memref<100x1000000xf32, #tpu.memory_space<hbm>> -> memref<100x128xf32, #tpu.memory_space<hbm>>
    tpu.enqueue_dma source(%dma_start3A_1161 : memref<100x128xf32, #tpu.memory_space<hbm>>) target(%arg11 : memref<100x128xf32, #tpu.memory_space<vmem>>) target_semaphore(%arg19 : memref<!tpu.dma_semaphore, #tpu.memory_space<semaphore_mem>>)
    %sub3A_1162 = arith.subi %squeeze3A_1131, %mul3A_1157 : i32
    %get3A_1163 = arith.constant 13 : i32
    %get3A_1164 = arith.index_cast %get3A_1163 : i32 to index
    %get3A_1165 = arith.constant 0 : index
    %get3A_1166 = tpu.vector_load %arg10[%get3A_1164, %get3A_1165] {strides = array<i32>} : memref<16x16xf32, #tpu.memory_space<vmem>>, vector<16xf32>,
    %broadcast_in_dim3A_1167 = vector.broadcast %sub3A_1078 : i32 to vector<16xi32>
    %add3A_1168 = arith.constant 0 : i32
    %add3A_1169 = vector.broadcast %add3A_1168 : i32 to vector<16xi32>
    %add3A_1170 = arith.addi %iota3A, %add3A_1169 : vector<16xi32>
    %gather3A_1171 = tpu.vector_load_idx %arg12[%add3A_1170, %broadcast_in_dim3A_1167] : memref<100x128xf32, #tpu.memory_space<vmem>>[vector<16xi32>, vector<16xi32>], vector<16xf32>,
    %mul3A_1172 = arith.mulf %get3A_1166, %gather3A_1171 : vector<16xf32>
    %add3A_1173 = arith.addf %add3A_1089, %mul3A_1172 : vector<16xf32>
    %add3A_1174 = arith.constant 16 : i32
    %add3A_1175 = vector.broadcast %add3A_1174 : i32 to vector<16xi32>
    %add3A_1176 = arith.addi %iota3A, %add3A_1175 : vector<16xi32>
    %gather3A_1177 = tpu.vector_load_idx %arg12[%add3A_1176, %broadcast_in_dim3A_1167] : memref<100x128xf32, #tpu.memory_space<vmem>>[vector<16xi32>, vector<16xi32>], vector<16xf32>,
    %mul3A_1178 = arith.mulf %get3A_1166, %gather3A_1177 : vector<16xf32>
    %add3A_1179 = arith.addf %add3A_1095, %mul3A_1178 : vector<16xf32>
    %add3A_1180 = arith.constant 32 : i32
    %add3A_1181 = vector.broadcast %add3A_1180 : i32 to vector<16xi32>
    %add3A_1182 = arith.addi %iota3A, %add3A_1181 : vector<16xi32>
    %gather3A_1183 = tpu.vector_load_idx %arg12[%add3A_1182, %broadcast_in_dim3A_1167] : memref<100x128xf32, #tpu.memory_space<vmem>>[vector<16xi32>, vector<16xi32>], vector<16xf32>,
    %mul3A_1184 = arith.mulf %get3A_1166, %gather3A_1183 : vector<16xf32>
    %add3A_1185 = arith.addf %add3A_1101, %mul3A_1184 : vector<16xf32>
    %add3A_1186 = arith.constant 48 : i32
    %add3A_1187 = vector.broadcast %add3A_1186 : i32 to vector<16xi32>
    %add3A_1188 = arith.addi %iota3A, %add3A_1187 : vector<16xi32>
    %gather3A_1189 = tpu.vector_load_idx %arg12[%add3A_1188, %broadcast_in_dim3A_1167] : memref<100x128xf32, #tpu.memory_space<vmem>>[vector<16xi32>, vector<16xi32>], vector<16xf32>,
    %mul3A_1190 = arith.mulf %get3A_1166, %gather3A_1189 : vector<16xf32>
    %add3A_1191 = arith.addf %add3A_1107, %mul3A_1190 : vector<16xf32>
    %add3A_1192 = arith.constant 64 : i32
    %add3A_1193 = vector.broadcast %add3A_1192 : i32 to vector<16xi32>
    %add3A_1194 = arith.addi %iota3A, %add3A_1193 : vector<16xi32>
    %gather3A_1195 = tpu.vector_load_idx %arg12[%add3A_1194, %broadcast_in_dim3A_1167] : memref<100x128xf32, #tpu.memory_space<vmem>>[vector<16xi32>, vector<16xi32>], vector<16xf32>,
    %mul3A_1196 = arith.mulf %get3A_1166, %gather3A_1195 : vector<16xf32>
    %add3A_1197 = arith.addf %add3A_1113, %mul3A_1196 : vector<16xf32>
    %add3A_1198 = arith.constant 80 : i32
    %add3A_1199 = vector.broadcast %add3A_1198 : i32 to vector<16xi32>
    %add3A_1200 = arith.addi %iota3A, %add3A_1199 : vector<16xi32>
    %gather3A_1201 = tpu.vector_load_idx %arg12[%add3A_1200, %broadcast_in_dim3A_1167] : memref<100x128xf32, #tpu.memory_space<vmem>>[vector<16xi32>, vector<16xi32>], vector<16xf32>,
    %mul3A_1202 = arith.mulf %get3A_1166, %gather3A_1201 : vector<16xf32>
    %add3A_1203 = arith.addf %add3A_1119, %mul3A_1202 : vector<16xf32>
    %add3A_1204 = arith.constant 84 : i32
    %add3A_1205 = vector.broadcast %add3A_1204 : i32 to vector<16xi32>
    %add3A_1206 = arith.addi %iota3A, %add3A_1205 : vector<16xi32>
    %gather3A_1207 = tpu.vector_load_idx %arg12[%add3A_1206, %broadcast_in_dim3A_1167] : memref<100x128xf32, #tpu.memory_space<vmem>>[vector<16xi32>, vector<16xi32>], vector<16xf32>,
    %mul3A_1208 = arith.mulf %get3A_1166, %gather3A_1207 : vector<16xf32>
    %add3A_1209 = arith.addf %add3A_1125, %mul3A_1208 : vector<16xf32>
    %dma_wait3A_1210 = arith.constant 0 : i32
    %dma_wait3A_1211 = tpu.memref_slice %arg3[%dma_wait3A_1210, %mul3A_1157] : memref<100x1000000xf32, #tpu.memory_space<hbm>> -> memref<100x128xf32, #tpu.memory_space<hbm>>
    %dma_wait3A_1212 = arith.constant 0 : i32
    %dma_wait3A_1213 = tpu.memref_slice %arg3[%dma_wait3A_1212, %mul3A_1157] : memref<100x1000000xf32, #tpu.memory_space<hbm>> -> memref<100x128xf32, #tpu.memory_space<hbm>>
    tpu.wait_dma2 semaphore(%arg19 : memref<!tpu.dma_semaphore, #tpu.memory_space<semaphore_mem>>) src(%dma_wait3A_1213 : memref<100x128xf32, #tpu.memory_space<hbm>>) dst(%arg11 : memref<100x128xf32, #tpu.memory_space<vmem>>)
    %slice3A_1214 = vector.extract_strided_slice %get3A_1 {offsets = [15], sizes = [1], strides = [1]} : vector<16xi32> to vector<1xi32>
    %squeeze3A_1215 = vector.extract %slice3A_1214[0] : i32 from vector<1xi32>
    %jit3A_1216 = arith.constant 128 : i32
    %div3A_1217 = arith.divsi %squeeze3A_1215, %jit3A_1216 : i32
    %sign3A_1218 = arith.constant 0 : i32
    %sign3A_1219 = arith.cmpi sgt, %squeeze3A_1215, %sign3A_1218 : i32
    %sign3A_1220 = arith.extui %sign3A_1219 : i1 to i32
    %sign3A_1221 = arith.constant 0 : i32
    %sign3A_1222 = arith.cmpi slt, %squeeze3A_1215, %sign3A_1221 : i32
    %sign3A_1223 = arith.extui %sign3A_1222 : i1 to i32
    %sign3A_1224 = arith.subi %sign3A_1220, %sign3A_1223 : i32
    %sign3A_1225 = arith.constant 0 : i32
    %sign3A_1226 = arith.cmpi sgt, %jit3A_1216, %sign3A_1225 : i32
    %sign3A_1227 = arith.extui %sign3A_1226 : i1 to i32
    %sign3A_1228 = arith.constant 0 : i32
    %sign3A_1229 = arith.cmpi slt, %jit3A_1216, %sign3A_1228 : i32
    %sign3A_1230 = arith.extui %sign3A_1229 : i1 to i32
    %sign3A_1231 = arith.subi %sign3A_1227, %sign3A_1230 : i32
    %ne3A_1232 = arith.cmpi ne, %sign3A_1224, %sign3A_1231 : i32
    %rem3A_1233 = arith.remsi %squeeze3A_1215, %jit3A_1216 : i32
    %ne3A_1234 = arith.constant 0 : i32
    %ne3A_1235 = arith.cmpi ne, %rem3A_1233, %ne3A_1234 : i32
    %and3A_1236 = arith.andi %ne3A_1232, %ne3A_1235 : i1
    %sub3A_1237 = arith.constant 1 : i32
    %sub3A_1238 = arith.subi %div3A_1217, %sub3A_1237 : i32
    %select_n3A_1239 = arith.select %and3A_1236, %sub3A_1238, %div3A_1217 : i32
    %mul3A_1240 = arith.constant 128 : i32
    %mul3A_1241 = arith.muli %select_n3A_1239, %mul3A_1240 : i32
    %dma_start3A_1242 = arith.constant 0 : i32
    %dma_start3A_1243 = tpu.memref_slice %arg3[%dma_start3A_1242, %mul3A_1241] : memref<100x1000000xf32, #tpu.memory_space<hbm>> -> memref<100x128xf32, #tpu.memory_space<hbm>>
    %dma_start3A_1244 = arith.constant 0 : i32
    %dma_start3A_1245 = tpu.memref_slice %arg3[%dma_start3A_1244, %mul3A_1241] : memref<100x1000000xf32, #tpu.memory_space<hbm>> -> memref<100x128xf32, #tpu.memory_space<hbm>>
    tpu.enqueue_dma source(%dma_start3A_1245 : memref<100x128xf32, #tpu.memory_space<hbm>>) target(%arg12 : memref<100x128xf32, #tpu.memory_space<vmem>>) target_semaphore(%arg20 : memref<!tpu.dma_semaphore, #tpu.memory_space<semaphore_mem>>)
    %sub3A_1246 = arith.subi %squeeze3A_1215, %mul3A_1241 : i32
    %get3A_1247 = arith.constant 14 : i32
    %get3A_1248 = arith.index_cast %get3A_1247 : i32 to index
    %get3A_1249 = arith.constant 0 : index
    %get3A_1250 = tpu.vector_load %arg10[%get3A_1248, %get3A_1249] {strides = array<i32>} : memref<16x16xf32, #tpu.memory_space<vmem>>, vector<16xf32>,
    %broadcast_in_dim3A_1251 = vector.broadcast %sub3A_1162 : i32 to vector<16xi32>
    %add3A_1252 = arith.constant 0 : i32
    %add3A_1253 = vector.broadcast %add3A_1252 : i32 to vector<16xi32>
    %add3A_1254 = arith.addi %iota3A, %add3A_1253 : vector<16xi32>
    %gather3A_1255 = tpu.vector_load_idx %arg11[%add3A_1254, %broadcast_in_dim3A_1251] : memref<100x128xf32, #tpu.memory_space<vmem>>[vector<16xi32>, vector<16xi32>], vector<16xf32>,
    %mul3A_1256 = arith.mulf %get3A_1250, %gather3A_1255 : vector<16xf32>
    %add3A_1257 = arith.addf %add3A_1173, %mul3A_1256 : vector<16xf32>
    %add3A_1258 = arith.constant 16 : i32
    %add3A_1259 = vector.broadcast %add3A_1258 : i32 to vector<16xi32>
    %add3A_1260 = arith.addi %iota3A, %add3A_1259 : vector<16xi32>
    %gather3A_1261 = tpu.vector_load_idx %arg11[%add3A_1260, %broadcast_in_dim3A_1251] : memref<100x128xf32, #tpu.memory_space<vmem>>[vector<16xi32>, vector<16xi32>], vector<16xf32>,
    %mul3A_1262 = arith.mulf %get3A_1250, %gather3A_1261 : vector<16xf32>
    %add3A_1263 = arith.addf %add3A_1179, %mul3A_1262 : vector<16xf32>
    %add3A_1264 = arith.constant 32 : i32
    %add3A_1265 = vector.broadcast %add3A_1264 : i32 to vector<16xi32>
    %add3A_1266 = arith.addi %iota3A, %add3A_1265 : vector<16xi32>
    %gather3A_1267 = tpu.vector_load_idx %arg11[%add3A_1266, %broadcast_in_dim3A_1251] : memref<100x128xf32, #tpu.memory_space<vmem>>[vector<16xi32>, vector<16xi32>], vector<16xf32>,
    %mul3A_1268 = arith.mulf %get3A_1250, %gather3A_1267 : vector<16xf32>
    %add3A_1269 = arith.addf %add3A_1185, %mul3A_1268 : vector<16xf32>
    %add3A_1270 = arith.constant 48 : i32
    %add3A_1271 = vector.broadcast %add3A_1270 : i32 to vector<16xi32>
    %add3A_1272 = arith.addi %iota3A, %add3A_1271 : vector<16xi32>
    %gather3A_1273 = tpu.vector_load_idx %arg11[%add3A_1272, %broadcast_in_dim3A_1251] : memref<100x128xf32, #tpu.memory_space<vmem>>[vector<16xi32>, vector<16xi32>], vector<16xf32>,
    %mul3A_1274 = arith.mulf %get3A_1250, %gather3A_1273 : vector<16xf32>
    %add3A_1275 = arith.addf %add3A_1191, %mul3A_1274 : vector<16xf32>
    %add3A_1276 = arith.constant 64 : i32
    %add3A_1277 = vector.broadcast %add3A_1276 : i32 to vector<16xi32>
    %add3A_1278 = arith.addi %iota3A, %add3A_1277 : vector<16xi32>
    %gather3A_1279 = tpu.vector_load_idx %arg11[%add3A_1278, %broadcast_in_dim3A_1251] : memref<100x128xf32, #tpu.memory_space<vmem>>[vector<16xi32>, vector<16xi32>], vector<16xf32>,
    %mul3A_1280 = arith.mulf %get3A_1250, %gather3A_1279 : vector<16xf32>
    %add3A_1281 = arith.addf %add3A_1197, %mul3A_1280 : vector<16xf32>
    %add3A_1282 = arith.constant 80 : i32
    %add3A_1283 = vector.broadcast %add3A_1282 : i32 to vector<16xi32>
    %add3A_1284 = arith.addi %iota3A, %add3A_1283 : vector<16xi32>
    %gather3A_1285 = tpu.vector_load_idx %arg11[%add3A_1284, %broadcast_in_dim3A_1251] : memref<100x128xf32, #tpu.memory_space<vmem>>[vector<16xi32>, vector<16xi32>], vector<16xf32>,
    %mul3A_1286 = arith.mulf %get3A_1250, %gather3A_1285 : vector<16xf32>
    %add3A_1287 = arith.addf %add3A_1203, %mul3A_1286 : vector<16xf32>
    %add3A_1288 = arith.constant 84 : i32
    %add3A_1289 = vector.broadcast %add3A_1288 : i32 to vector<16xi32>
    %add3A_1290 = arith.addi %iota3A, %add3A_1289 : vector<16xi32>
    %gather3A_1291 = tpu.vector_load_idx %arg11[%add3A_1290, %broadcast_in_dim3A_1251] : memref<100x128xf32, #tpu.memory_space<vmem>>[vector<16xi32>, vector<16xi32>], vector<16xf32>,
    %mul3A_1292 = arith.mulf %get3A_1250, %gather3A_1291 : vector<16xf32>
    %add3A_1293 = arith.addf %add3A_1209, %mul3A_1292 : vector<16xf32>
    %dma_wait3A_1294 = arith.constant 0 : i32
    %dma_wait3A_1295 = tpu.memref_slice %arg3[%dma_wait3A_1294, %mul3A_1241] : memref<100x1000000xf32, #tpu.memory_space<hbm>> -> memref<100x128xf32, #tpu.memory_space<hbm>>
    %dma_wait3A_1296 = arith.constant 0 : i32
    %dma_wait3A_1297 = tpu.memref_slice %arg3[%dma_wait3A_1296, %mul3A_1241] : memref<100x1000000xf32, #tpu.memory_space<hbm>> -> memref<100x128xf32, #tpu.memory_space<hbm>>
    tpu.wait_dma2 semaphore(%arg20 : memref<!tpu.dma_semaphore, #tpu.memory_space<semaphore_mem>>) src(%dma_wait3A_1297 : memref<100x128xf32, #tpu.memory_space<hbm>>) dst(%arg12 : memref<100x128xf32, #tpu.memory_space<vmem>>)
    %get3A_1298 = arith.constant 15 : i32
    %get3A_1299 = arith.index_cast %get3A_1298 : i32 to index
    %get3A_1300 = arith.constant 0 : index
    %get3A_1301 = tpu.vector_load %arg10[%get3A_1299, %get3A_1300] {strides = array<i32>} : memref<16x16xf32, #tpu.memory_space<vmem>>, vector<16xf32>,
    %broadcast_in_dim3A_1302 = vector.broadcast %sub3A_1246 : i32 to vector<16xi32>
    %add3A_1303 = arith.constant 0 : i32
    %add3A_1304 = vector.broadcast %add3A_1303 : i32 to vector<16xi32>
    %add3A_1305 = arith.addi %iota3A, %add3A_1304 : vector<16xi32>
    %gather3A_1306 = tpu.vector_load_idx %arg12[%add3A_1305, %broadcast_in_dim3A_1302] : memref<100x128xf32, #tpu.memory_space<vmem>>[vector<16xi32>, vector<16xi32>], vector<16xf32>,
    %mul3A_1307 = arith.mulf %get3A_1301, %gather3A_1306 : vector<16xf32>
    %add3A_1308 = arith.addf %add3A_1257, %mul3A_1307 : vector<16xf32>
    %add3A_1309 = arith.constant 16 : i32
    %add3A_1310 = vector.broadcast %add3A_1309 : i32 to vector<16xi32>
    %add3A_1311 = arith.addi %iota3A, %add3A_1310 : vector<16xi32>
    %gather3A_1312 = tpu.vector_load_idx %arg12[%add3A_1311, %broadcast_in_dim3A_1302] : memref<100x128xf32, #tpu.memory_space<vmem>>[vector<16xi32>, vector<16xi32>], vector<16xf32>,
    %mul3A_1313 = arith.mulf %get3A_1301, %gather3A_1312 : vector<16xf32>
    %add3A_1314 = arith.addf %add3A_1263, %mul3A_1313 : vector<16xf32>
    %add3A_1315 = arith.constant 32 : i32
    %add3A_1316 = vector.broadcast %add3A_1315 : i32 to vector<16xi32>
    %add3A_1317 = arith.addi %iota3A, %add3A_1316 : vector<16xi32>
    %gather3A_1318 = tpu.vector_load_idx %arg12[%add3A_1317, %broadcast_in_dim3A_1302] : memref<100x128xf32, #tpu.memory_space<vmem>>[vector<16xi32>, vector<16xi32>], vector<16xf32>,
    %mul3A_1319 = arith.mulf %get3A_1301, %gather3A_1318 : vector<16xf32>
    %add3A_1320 = arith.addf %add3A_1269, %mul3A_1319 : vector<16xf32>
    %add3A_1321 = arith.constant 48 : i32
    %add3A_1322 = vector.broadcast %add3A_1321 : i32 to vector<16xi32>
    %add3A_1323 = arith.addi %iota3A, %add3A_1322 : vector<16xi32>
    %gather3A_1324 = tpu.vector_load_idx %arg12[%add3A_1323, %broadcast_in_dim3A_1302] : memref<100x128xf32, #tpu.memory_space<vmem>>[vector<16xi32>, vector<16xi32>], vector<16xf32>,
    %mul3A_1325 = arith.mulf %get3A_1301, %gather3A_1324 : vector<16xf32>
    %add3A_1326 = arith.addf %add3A_1275, %mul3A_1325 : vector<16xf32>
    %add3A_1327 = arith.constant 64 : i32
    %add3A_1328 = vector.broadcast %add3A_1327 : i32 to vector<16xi32>
    %add3A_1329 = arith.addi %iota3A, %add3A_1328 : vector<16xi32>
    %gather3A_1330 = tpu.vector_load_idx %arg12[%add3A_1329, %broadcast_in_dim3A_1302] : memref<100x128xf32, #tpu.memory_space<vmem>>[vector<16xi32>, vector<16xi32>], vector<16xf32>,
    %mul3A_1331 = arith.mulf %get3A_1301, %gather3A_1330 : vector<16xf32>
    %add3A_1332 = arith.addf %add3A_1281, %mul3A_1331 : vector<16xf32>
    %add3A_1333 = arith.constant 80 : i32
    %add3A_1334 = vector.broadcast %add3A_1333 : i32 to vector<16xi32>
    %add3A_1335 = arith.addi %iota3A, %add3A_1334 : vector<16xi32>
    %gather3A_1336 = tpu.vector_load_idx %arg12[%add3A_1335, %broadcast_in_dim3A_1302] : memref<100x128xf32, #tpu.memory_space<vmem>>[vector<16xi32>, vector<16xi32>], vector<16xf32>,
    %mul3A_1337 = arith.mulf %get3A_1301, %gather3A_1336 : vector<16xf32>
    %add3A_1338 = arith.addf %add3A_1287, %mul3A_1337 : vector<16xf32>
    %add3A_1339 = arith.constant 84 : i32
    %add3A_1340 = vector.broadcast %add3A_1339 : i32 to vector<16xi32>
    %add3A_1341 = arith.addi %iota3A, %add3A_1340 : vector<16xi32>
    %gather3A_1342 = tpu.vector_load_idx %arg12[%add3A_1341, %broadcast_in_dim3A_1302] : memref<100x128xf32, #tpu.memory_space<vmem>>[vector<16xi32>, vector<16xi32>], vector<16xf32>,
    %mul3A_1343 = arith.mulf %get3A_1301, %gather3A_1342 : vector<16xf32>
    %add3A_1344 = arith.addf %add3A_1293, %mul3A_1343 : vector<16xf32>
    %swap3A = arith.constant 0 : index
    %swap3A_1345 = tpu.vector_load %arg13[%swap3A] {strides = array<i32>} : memref<112xf32, #tpu.memory_space<vmem>>, vector<16xf32>,
    tpu.vector_store %arg13[%swap3A], %add3A_1308 {strides = array<i32>} : memref<112xf32, #tpu.memory_space<vmem>>, vector<16xf32>,
    %swap3A_1346 = arith.constant 16 : index
    %swap3A_1347 = tpu.vector_load %arg13[%swap3A_1346] {strides = array<i32>} : memref<112xf32, #tpu.memory_space<vmem>>, vector<16xf32>,
    tpu.vector_store %arg13[%swap3A_1346], %add3A_1314 {strides = array<i32>} : memref<112xf32, #tpu.memory_space<vmem>>, vector<16xf32>,
    %swap3A_1348 = arith.constant 32 : index
    %swap3A_1349 = tpu.vector_load %arg13[%swap3A_1348] {strides = array<i32>} : memref<112xf32, #tpu.memory_space<vmem>>, vector<16xf32>,
    tpu.vector_store %arg13[%swap3A_1348], %add3A_1320 {strides = array<i32>} : memref<112xf32, #tpu.memory_space<vmem>>, vector<16xf32>,
    %swap3A_1350 = arith.constant 48 : index
    %swap3A_1351 = tpu.vector_load %arg13[%swap3A_1350] {strides = array<i32>} : memref<112xf32, #tpu.memory_space<vmem>>, vector<16xf32>,
    tpu.vector_store %arg13[%swap3A_1350], %add3A_1326 {strides = array<i32>} : memref<112xf32, #tpu.memory_space<vmem>>, vector<16xf32>,
    %swap3A_1352 = arith.constant 64 : index
    %swap3A_1353 = tpu.vector_load %arg13[%swap3A_1352] {strides = array<i32>} : memref<112xf32, #tpu.memory_space<vmem>>, vector<16xf32>,
    tpu.vector_store %arg13[%swap3A_1352], %add3A_1332 {strides = array<i32>} : memref<112xf32, #tpu.memory_space<vmem>>, vector<16xf32>,
    %swap3A_1354 = arith.constant 80 : index
    %swap3A_1355 = tpu.vector_load %arg13[%swap3A_1354] {strides = array<i32>} : memref<112xf32, #tpu.memory_space<vmem>>, vector<16xf32>,
    tpu.vector_store %arg13[%swap3A_1354], %add3A_1338 {strides = array<i32>} : memref<112xf32, #tpu.memory_space<vmem>>, vector<16xf32>,
    %swap3A_1356 = arith.constant 96 : index
    %swap3A_1357 = tpu.vector_load %arg13[%swap3A_1356] {strides = array<i32>} : memref<112xf32, #tpu.memory_space<vmem>>, vector<16xf32>,
    tpu.vector_store %arg13[%swap3A_1356], %add3A_1344 {strides = array<i32>} : memref<112xf32, #tpu.memory_space<vmem>>, vector<16xf32>,
    "tpu.region"() ({
      %run_scoped3A = tpu.sem_alloc : memref<!tpu.dma_semaphore, #tpu.memory_space<semaphore_mem>>
      %dma_start3A_1360 = arith.constant 0 : i32
      %dma_start3A_1361 = tpu.memref_slice %arg18[%arg1, %dma_start3A_1360] : memref<16x112xf32, #tpu.memory_space<vmem_shared>> -> memref<1x112xf32, #tpu.memory_space<vmem_shared>>
      %dma_start3A_1362 = tpu.memref_squeeze %dma_start3A_1361 : memref<1x112xf32, #tpu.memory_space<vmem_shared>> -> memref<112xf32, #tpu.memory_space<vmem_shared>>
      %dma_start3A_1363 = arith.constant 0 : i32
      %dma_start3A_1364 = tpu.memref_slice %arg18[%arg1, %dma_start3A_1363] : memref<16x112xf32, #tpu.memory_space<vmem_shared>> -> memref<1x112xf32, #tpu.memory_space<vmem_shared>>
      %dma_start3A_1365 = tpu.memref_squeeze %dma_start3A_1364 : memref<1x112xf32, #tpu.memory_space<vmem_shared>> -> memref<112xf32, #tpu.memory_space<vmem_shared>>
      tpu.enqueue_dma source(%arg13 : memref<112xf32, #tpu.memory_space<vmem>>) target(%dma_start3A_1365 : memref<112xf32, #tpu.memory_space<vmem_shared>>) target_semaphore(%run_scoped3A : memref<!tpu.dma_semaphore, #tpu.memory_space<semaphore_mem>>)
      %dma_wait3A_1366 = arith.constant 0 : i32
      %dma_wait3A_1367 = tpu.memref_slice %arg18[%arg1, %dma_wait3A_1366] : memref<16x112xf32, #tpu.memory_space<vmem_shared>> -> memref<1x112xf32, #tpu.memory_space<vmem_shared>>
      %dma_wait3A_1368 = tpu.memref_squeeze %dma_wait3A_1367 : memref<1x112xf32, #tpu.memory_space<vmem_shared>> -> memref<112xf32, #tpu.memory_space<vmem_shared>>
      %dma_wait3A_1369 = arith.constant 0 : i32
      %dma_wait3A_1370 = tpu.memref_slice %arg18[%arg1, %dma_wait3A_1369] : memref<16x112xf32, #tpu.memory_space<vmem_shared>> -> memref<1x112xf32, #tpu.memory_space<vmem_shared>>
      %dma_wait3A_1371 = tpu.memref_squeeze %dma_wait3A_1370 : memref<1x112xf32, #tpu.memory_space<vmem_shared>> -> memref<112xf32, #tpu.memory_space<vmem_shared>>
      tpu.wait_dma2 semaphore(%run_scoped3A : memref<!tpu.dma_semaphore, #tpu.memory_space<semaphore_mem>>) src(%arg13 : memref<112xf32, #tpu.memory_space<vmem>>) dst(%dma_wait3A_1371 : memref<112xf32, #tpu.memory_space<vmem_shared>>)
      tpu.yield
    }) : () -> ()
    %barrier3A = arith.constant 0 : index
    tpu.barrier barrier_id(%barrier3A)
    %eq3A = arith.constant 0 : i32
    %eq3A_1358 = arith.cmpi eq, %arg1, %eq3A : i32
    %convert_element_type3A = arith.extui %eq3A_1358 : i1 to i32
    %cond3A = arith.constant 0 : i32
    %cond3A_1359 = arith.cmpi ne, %convert_element_type3A, %cond3A : i32
    scf.if %cond3A_1359 {
      "tpu.region"() ({
        %run_scoped3A_2039 = tpu.sem_alloc : memref<!tpu.dma_semaphore, #tpu.memory_space<semaphore_mem>>
        tpu.enqueue_dma source(%arg6 : memref<16xi32, #tpu.memory_space<hbm>>) target(%arg15 : memref<16xi32, #tpu.memory_space<vmem>>) target_semaphore(%run_scoped3A_2039 : memref<!tpu.dma_semaphore, #tpu.memory_space<semaphore_mem>>)
        tpu.wait_dma2 semaphore(%run_scoped3A_2039 : memref<!tpu.dma_semaphore, #tpu.memory_space<semaphore_mem>>) src(%arg6 : memref<16xi32, #tpu.memory_space<hbm>>) dst(%arg15 : memref<16xi32, #tpu.memory_space<vmem>>)
        tpu.yield
      }) : () -> ()
      %get3A_1360 = arith.constant 0 : index
      %get3A_1361 = tpu.vector_load %arg15[%get3A_1360] {strides = array<i32>} : memref<16xi32, #tpu.memory_space<vmem>>, vector<16xi32>,
      %slice3A_1362 = vector.extract_strided_slice %get3A_1361 {offsets = [0], sizes = [1], strides = [1]} : vector<16xi32> to vector<1xi32>
      %squeeze3A_1363 = vector.extract %slice3A_1362[0] : i32 from vector<1xi32>
      %jit3A_1364 = arith.constant 128 : i32
      %div3A_1365 = arith.divsi %squeeze3A_1363, %jit3A_1364 : i32
      %sign3A_1366 = arith.constant 0 : i32
      %sign3A_1367 = arith.cmpi sgt, %squeeze3A_1363, %sign3A_1366 : i32
      %sign3A_1368 = arith.extui %sign3A_1367 : i1 to i32
      %sign3A_1369 = arith.constant 0 : i32
      %sign3A_1370 = arith.cmpi slt, %squeeze3A_1363, %sign3A_1369 : i32
      %sign3A_1371 = arith.extui %sign3A_1370 : i1 to i32
      %sign3A_1372 = arith.subi %sign3A_1368, %sign3A_1371 : i32
      %sign3A_1373 = arith.constant 0 : i32
      %sign3A_1374 = arith.cmpi sgt, %jit3A_1364, %sign3A_1373 : i32
      %sign3A_1375 = arith.extui %sign3A_1374 : i1 to i32
      %sign3A_1376 = arith.constant 0 : i32
      %sign3A_1377 = arith.cmpi slt, %jit3A_1364, %sign3A_1376 : i32
      %sign3A_1378 = arith.extui %sign3A_1377 : i1 to i32
      %sign3A_1379 = arith.subi %sign3A_1375, %sign3A_1378 : i32
      %ne3A_1380 = arith.cmpi ne, %sign3A_1372, %sign3A_1379 : i32
      %rem3A_1381 = arith.remsi %squeeze3A_1363, %jit3A_1364 : i32
      %ne3A_1382 = arith.constant 0 : i32
      %ne3A_1383 = arith.cmpi ne, %rem3A_1381, %ne3A_1382 : i32
      %and3A_1384 = arith.andi %ne3A_1380, %ne3A_1383 : i1
      %sub3A_1385 = arith.constant 1 : i32
      %sub3A_1386 = arith.subi %div3A_1365, %sub3A_1385 : i32
      %select_n3A_1387 = arith.select %and3A_1384, %sub3A_1386, %div3A_1365 : i32
      %mul3A_1388 = arith.constant 128 : i32
      %mul3A_1389 = arith.muli %select_n3A_1387, %mul3A_1388 : i32
      %dma_start3A_1390 = arith.constant 0 : i32
      %dma_start3A_1391 = tpu.memref_slice %arg2[%dma_start3A_1390, %mul3A_1389] : memref<100x1000000xf32, #tpu.memory_space<hbm>> -> memref<100x128xf32, #tpu.memory_space<hbm>>
      %dma_start3A_1392 = arith.constant 0 : i32
      %dma_start3A_1393 = tpu.memref_slice %arg2[%dma_start3A_1392, %mul3A_1389] : memref<100x1000000xf32, #tpu.memory_space<hbm>> -> memref<100x128xf32, #tpu.memory_space<hbm>>
      tpu.enqueue_dma source(%dma_start3A_1393 : memref<100x128xf32, #tpu.memory_space<hbm>>) target(%arg11 : memref<100x128xf32, #tpu.memory_space<vmem>>) target_semaphore(%arg19 : memref<!tpu.dma_semaphore, #tpu.memory_space<semaphore_mem>>)
      "tpu.region"() ({
        %run_scoped3A_2039 = tpu.sem_alloc : memref<!tpu.dma_semaphore, #tpu.memory_space<semaphore_mem>>
        tpu.enqueue_dma source(%arg7 : memref<16xf32, #tpu.memory_space<hbm>>) target(%arg16 : memref<16xf32, #tpu.memory_space<vmem>>) target_semaphore(%run_scoped3A_2039 : memref<!tpu.dma_semaphore, #tpu.memory_space<semaphore_mem>>)
        tpu.wait_dma2 semaphore(%run_scoped3A_2039 : memref<!tpu.dma_semaphore, #tpu.memory_space<semaphore_mem>>) src(%arg7 : memref<16xf32, #tpu.memory_space<hbm>>) dst(%arg16 : memref<16xf32, #tpu.memory_space<vmem>>)
        tpu.yield
      }) : () -> ()
      "tpu.region"() ({
        %run_scoped3A_2039 = tpu.sem_alloc : memref<!tpu.dma_semaphore, #tpu.memory_space<semaphore_mem>>
        tpu.enqueue_dma source(%arg18 : memref<16x112xf32, #tpu.memory_space<vmem_shared>>) target(%arg14 : memref<16x112xf32, #tpu.memory_space<vmem>>) target_semaphore(%run_scoped3A_2039 : memref<!tpu.dma_semaphore, #tpu.memory_space<semaphore_mem>>)
        tpu.wait_dma2 semaphore(%run_scoped3A_2039 : memref<!tpu.dma_semaphore, #tpu.memory_space<semaphore_mem>>) src(%arg18 : memref<16x112xf32, #tpu.memory_space<vmem_shared>>) dst(%arg14 : memref<16x112xf32, #tpu.memory_space<vmem>>)
        tpu.yield
      }) : () -> ()
      %dma_wait3A_1394 = arith.constant 0 : i32
      %dma_wait3A_1395 = tpu.memref_slice %arg2[%dma_wait3A_1394, %mul3A_1389] : memref<100x1000000xf32, #tpu.memory_space<hbm>> -> memref<100x128xf32, #tpu.memory_space<hbm>>
      %dma_wait3A_1396 = arith.constant 0 : i32
      %dma_wait3A_1397 = tpu.memref_slice %arg2[%dma_wait3A_1396, %mul3A_1389] : memref<100x1000000xf32, #tpu.memory_space<hbm>> -> memref<100x128xf32, #tpu.memory_space<hbm>>
      tpu.wait_dma2 semaphore(%arg19 : memref<!tpu.dma_semaphore, #tpu.memory_space<semaphore_mem>>) src(%dma_wait3A_1397 : memref<100x128xf32, #tpu.memory_space<hbm>>) dst(%arg11 : memref<100x128xf32, #tpu.memory_space<vmem>>)
      %sub3A_1398 = arith.subi %squeeze3A_1363, %mul3A_1389 : i32
      %broadcast_in_dim3A_1399 = vector.broadcast %sub3A_1398 : i32 to vector<16xi32>
      %get3A_1400 = arith.constant 0 : index
      %get3A_1401 = tpu.vector_load %arg16[%get3A_1400] {strides = array<i32>} : memref<16xf32, #tpu.memory_space<vmem>>, vector<16xf32>,
      %get3A_1402 = arith.constant 0 : i32
      %get3A_1403 = arith.index_cast %get3A_1402 : i32 to index
      %get3A_1404 = arith.constant 0 : index
      %get3A_1405 = tpu.vector_load %arg14[%get3A_1403, %get3A_1404] {strides = array<i32>} : memref<16x112xf32, #tpu.memory_space<vmem>>, vector<16xf32>,
      %add3A_1406 = arith.addf %get3A_1401, %get3A_1405 : vector<16xf32>
      %get3A_1407 = arith.constant 1 : i32
      %get3A_1408 = arith.index_cast %get3A_1407 : i32 to index
      %get3A_1409 = arith.constant 0 : index
      %get3A_1410 = tpu.vector_load %arg14[%get3A_1408, %get3A_1409] {strides = array<i32>} : memref<16x112xf32, #tpu.memory_space<vmem>>, vector<16xf32>,
      %add3A_1411 = arith.addf %add3A_1406, %get3A_1410 : vector<16xf32>
      %get3A_1412 = arith.constant 2 : i32
      %get3A_1413 = arith.index_cast %get3A_1412 : i32 to index
      %get3A_1414 = arith.constant 0 : index
      %get3A_1415 = tpu.vector_load %arg14[%get3A_1413, %get3A_1414] {strides = array<i32>} : memref<16x112xf32, #tpu.memory_space<vmem>>, vector<16xf32>,
      %add3A_1416 = arith.addf %add3A_1411, %get3A_1415 : vector<16xf32>
      %get3A_1417 = arith.constant 3 : i32
      %get3A_1418 = arith.index_cast %get3A_1417 : i32 to index
      %get3A_1419 = arith.constant 0 : index
      %get3A_1420 = tpu.vector_load %arg14[%get3A_1418, %get3A_1419] {strides = array<i32>} : memref<16x112xf32, #tpu.memory_space<vmem>>, vector<16xf32>,
      %add3A_1421 = arith.addf %add3A_1416, %get3A_1420 : vector<16xf32>
      %get3A_1422 = arith.constant 4 : i32
      %get3A_1423 = arith.index_cast %get3A_1422 : i32 to index
      %get3A_1424 = arith.constant 0 : index
      %get3A_1425 = tpu.vector_load %arg14[%get3A_1423, %get3A_1424] {strides = array<i32>} : memref<16x112xf32, #tpu.memory_space<vmem>>, vector<16xf32>,
      %add3A_1426 = arith.addf %add3A_1421, %get3A_1425 : vector<16xf32>
      %get3A_1427 = arith.constant 5 : i32
      %get3A_1428 = arith.index_cast %get3A_1427 : i32 to index
      %get3A_1429 = arith.constant 0 : index
      %get3A_1430 = tpu.vector_load %arg14[%get3A_1428, %get3A_1429] {strides = array<i32>} : memref<16x112xf32, #tpu.memory_space<vmem>>, vector<16xf32>,
      %add3A_1431 = arith.addf %add3A_1426, %get3A_1430 : vector<16xf32>
      %get3A_1432 = arith.constant 6 : i32
      %get3A_1433 = arith.index_cast %get3A_1432 : i32 to index
      %get3A_1434 = arith.constant 0 : index
      %get3A_1435 = tpu.vector_load %arg14[%get3A_1433, %get3A_1434] {strides = array<i32>} : memref<16x112xf32, #tpu.memory_space<vmem>>, vector<16xf32>,
      %add3A_1436 = arith.addf %add3A_1431, %get3A_1435 : vector<16xf32>
      %get3A_1437 = arith.constant 7 : i32
      %get3A_1438 = arith.index_cast %get3A_1437 : i32 to index
      %get3A_1439 = arith.constant 0 : index
      %get3A_1440 = tpu.vector_load %arg14[%get3A_1438, %get3A_1439] {strides = array<i32>} : memref<16x112xf32, #tpu.memory_space<vmem>>, vector<16xf32>,
      %add3A_1441 = arith.addf %add3A_1436, %get3A_1440 : vector<16xf32>
      %get3A_1442 = arith.constant 8 : i32
      %get3A_1443 = arith.index_cast %get3A_1442 : i32 to index
      %get3A_1444 = arith.constant 0 : index
      %get3A_1445 = tpu.vector_load %arg14[%get3A_1443, %get3A_1444] {strides = array<i32>} : memref<16x112xf32, #tpu.memory_space<vmem>>, vector<16xf32>,
      %add3A_1446 = arith.addf %add3A_1441, %get3A_1445 : vector<16xf32>
      %get3A_1447 = arith.constant 9 : i32
      %get3A_1448 = arith.index_cast %get3A_1447 : i32 to index
      %get3A_1449 = arith.constant 0 : index
      %get3A_1450 = tpu.vector_load %arg14[%get3A_1448, %get3A_1449] {strides = array<i32>} : memref<16x112xf32, #tpu.memory_space<vmem>>, vector<16xf32>,
      %add3A_1451 = arith.addf %add3A_1446, %get3A_1450 : vector<16xf32>
      %get3A_1452 = arith.constant 10 : i32
      %get3A_1453 = arith.index_cast %get3A_1452 : i32 to index
      %get3A_1454 = arith.constant 0 : index
      %get3A_1455 = tpu.vector_load %arg14[%get3A_1453, %get3A_1454] {strides = array<i32>} : memref<16x112xf32, #tpu.memory_space<vmem>>, vector<16xf32>,
      %add3A_1456 = arith.addf %add3A_1451, %get3A_1455 : vector<16xf32>
      %get3A_1457 = arith.constant 11 : i32
      %get3A_1458 = arith.index_cast %get3A_1457 : i32 to index
      %get3A_1459 = arith.constant 0 : index
      %get3A_1460 = tpu.vector_load %arg14[%get3A_1458, %get3A_1459] {strides = array<i32>} : memref<16x112xf32, #tpu.memory_space<vmem>>, vector<16xf32>,
      %add3A_1461 = arith.addf %add3A_1456, %get3A_1460 : vector<16xf32>
      %get3A_1462 = arith.constant 12 : i32
      %get3A_1463 = arith.index_cast %get3A_1462 : i32 to index
      %get3A_1464 = arith.constant 0 : index
      %get3A_1465 = tpu.vector_load %arg14[%get3A_1463, %get3A_1464] {strides = array<i32>} : memref<16x112xf32, #tpu.memory_space<vmem>>, vector<16xf32>,
      %add3A_1466 = arith.addf %add3A_1461, %get3A_1465 : vector<16xf32>
      %get3A_1467 = arith.constant 13 : i32
      %get3A_1468 = arith.index_cast %get3A_1467 : i32 to index
      %get3A_1469 = arith.constant 0 : index
      %get3A_1470 = tpu.vector_load %arg14[%get3A_1468, %get3A_1469] {strides = array<i32>} : memref<16x112xf32, #tpu.memory_space<vmem>>, vector<16xf32>,
      %add3A_1471 = arith.addf %add3A_1466, %get3A_1470 : vector<16xf32>
      %get3A_1472 = arith.constant 14 : i32
      %get3A_1473 = arith.index_cast %get3A_1472 : i32 to index
      %get3A_1474 = arith.constant 0 : index
      %get3A_1475 = tpu.vector_load %arg14[%get3A_1473, %get3A_1474] {strides = array<i32>} : memref<16x112xf32, #tpu.memory_space<vmem>>, vector<16xf32>,
      %add3A_1476 = arith.addf %add3A_1471, %get3A_1475 : vector<16xf32>
      %get3A_1477 = arith.constant 15 : i32
      %get3A_1478 = arith.index_cast %get3A_1477 : i32 to index
      %get3A_1479 = arith.constant 0 : index
      %get3A_1480 = tpu.vector_load %arg14[%get3A_1478, %get3A_1479] {strides = array<i32>} : memref<16x112xf32, #tpu.memory_space<vmem>>, vector<16xf32>,
      %add3A_1481 = arith.addf %add3A_1476, %get3A_1480 : vector<16xf32>
      %add3A_1482 = arith.constant 0 : i32
      %add3A_1483 = vector.broadcast %add3A_1482 : i32 to vector<16xi32>
      %add3A_1484 = arith.addi %iota3A, %add3A_1483 : vector<16xi32>
      %gather3A_1485 = tpu.vector_load_idx %arg11[%add3A_1484, %broadcast_in_dim3A_1399] : memref<100x128xf32, #tpu.memory_space<vmem>>[vector<16xi32>, vector<16xi32>], vector<16xf32>,
      %swap3A_1486 = arith.constant 0 : index
      %swap3A_1487 = tpu.vector_load %arg17[%swap3A_1486] {strides = array<i32>} : memref<300xf32, #tpu.memory_space<vmem>>, vector<16xf32>,
      tpu.vector_store %arg17[%swap3A_1486], %gather3A_1485 {strides = array<i32>} : memref<300xf32, #tpu.memory_space<vmem>>, vector<16xf32>,
      %mul3A_1488 = arith.mulf %gather3A_1485, %add3A_1481 : vector<16xf32>
      %swap3A_1489 = arith.constant 100 : index
      %swap3A_1490 = tpu.vector_load %arg17[%swap3A_1489] {strides = array<i32>} : memref<300xf32, #tpu.memory_space<vmem>>, vector<16xf32>,
      tpu.vector_store %arg17[%swap3A_1489], %mul3A_1488 {strides = array<i32>} : memref<300xf32, #tpu.memory_space<vmem>>, vector<16xf32>,
      %swap3A_1491 = arith.constant 200 : index
      %swap3A_1492 = tpu.vector_load %arg17[%swap3A_1491] {strides = array<i32>} : memref<300xf32, #tpu.memory_space<vmem>>, vector<16xf32>,
      tpu.vector_store %arg17[%swap3A_1491], %add3A_1481 {strides = array<i32>} : memref<300xf32, #tpu.memory_space<vmem>>, vector<16xf32>,
      %get3A_1493 = arith.constant 0 : i32
      %get3A_1494 = arith.index_cast %get3A_1493 : i32 to index
      %get3A_1495 = arith.constant 16 : index
      %get3A_1496 = tpu.vector_load %arg14[%get3A_1494, %get3A_1495] {strides = array<i32>} : memref<16x112xf32, #tpu.memory_space<vmem>>, vector<16xf32>,
      %add3A_1497 = arith.addf %get3A_1401, %get3A_1496 : vector<16xf32>
      %get3A_1498 = arith.constant 1 : i32
      %get3A_1499 = arith.index_cast %get3A_1498 : i32 to index
      %get3A_1500 = arith.constant 16 : index
      %get3A_1501 = tpu.vector_load %arg14[%get3A_1499, %get3A_1500] {strides = array<i32>} : memref<16x112xf32, #tpu.memory_space<vmem>>, vector<16xf32>,
      %add3A_1502 = arith.addf %add3A_1497, %get3A_1501 : vector<16xf32>
      %get3A_1503 = arith.constant 2 : i32
      %get3A_1504 = arith.index_cast %get3A_1503 : i32 to index
      %get3A_1505 = arith.constant 16 : index
      %get3A_1506 = tpu.vector_load %arg14[%get3A_1504, %get3A_1505] {strides = array<i32>} : memref<16x112xf32, #tpu.memory_space<vmem>>, vector<16xf32>,
      %add3A_1507 = arith.addf %add3A_1502, %get3A_1506 : vector<16xf32>
      %get3A_1508 = arith.constant 3 : i32
      %get3A_1509 = arith.index_cast %get3A_1508 : i32 to index
      %get3A_1510 = arith.constant 16 : index
      %get3A_1511 = tpu.vector_load %arg14[%get3A_1509, %get3A_1510] {strides = array<i32>} : memref<16x112xf32, #tpu.memory_space<vmem>>, vector<16xf32>,
      %add3A_1512 = arith.addf %add3A_1507, %get3A_1511 : vector<16xf32>
      %get3A_1513 = arith.constant 4 : i32
      %get3A_1514 = arith.index_cast %get3A_1513 : i32 to index
      %get3A_1515 = arith.constant 16 : index
      %get3A_1516 = tpu.vector_load %arg14[%get3A_1514, %get3A_1515] {strides = array<i32>} : memref<16x112xf32, #tpu.memory_space<vmem>>, vector<16xf32>,
      %add3A_1517 = arith.addf %add3A_1512, %get3A_1516 : vector<16xf32>
      %get3A_1518 = arith.constant 5 : i32
      %get3A_1519 = arith.index_cast %get3A_1518 : i32 to index
      %get3A_1520 = arith.constant 16 : index
      %get3A_1521 = tpu.vector_load %arg14[%get3A_1519, %get3A_1520] {strides = array<i32>} : memref<16x112xf32, #tpu.memory_space<vmem>>, vector<16xf32>,
      %add3A_1522 = arith.addf %add3A_1517, %get3A_1521 : vector<16xf32>
      %get3A_1523 = arith.constant 6 : i32
      %get3A_1524 = arith.index_cast %get3A_1523 : i32 to index
      %get3A_1525 = arith.constant 16 : index
      %get3A_1526 = tpu.vector_load %arg14[%get3A_1524, %get3A_1525] {strides = array<i32>} : memref<16x112xf32, #tpu.memory_space<vmem>>, vector<16xf32>,
      %add3A_1527 = arith.addf %add3A_1522, %get3A_1526 : vector<16xf32>
      %get3A_1528 = arith.constant 7 : i32
      %get3A_1529 = arith.index_cast %get3A_1528 : i32 to index
      %get3A_1530 = arith.constant 16 : index
      %get3A_1531 = tpu.vector_load %arg14[%get3A_1529, %get3A_1530] {strides = array<i32>} : memref<16x112xf32, #tpu.memory_space<vmem>>, vector<16xf32>,
      %add3A_1532 = arith.addf %add3A_1527, %get3A_1531 : vector<16xf32>
      %get3A_1533 = arith.constant 8 : i32
      %get3A_1534 = arith.index_cast %get3A_1533 : i32 to index
      %get3A_1535 = arith.constant 16 : index
      %get3A_1536 = tpu.vector_load %arg14[%get3A_1534, %get3A_1535] {strides = array<i32>} : memref<16x112xf32, #tpu.memory_space<vmem>>, vector<16xf32>,
      %add3A_1537 = arith.addf %add3A_1532, %get3A_1536 : vector<16xf32>
      %get3A_1538 = arith.constant 9 : i32
      %get3A_1539 = arith.index_cast %get3A_1538 : i32 to index
      %get3A_1540 = arith.constant 16 : index
      %get3A_1541 = tpu.vector_load %arg14[%get3A_1539, %get3A_1540] {strides = array<i32>} : memref<16x112xf32, #tpu.memory_space<vmem>>, vector<16xf32>,
      %add3A_1542 = arith.addf %add3A_1537, %get3A_1541 : vector<16xf32>
      %get3A_1543 = arith.constant 10 : i32
      %get3A_1544 = arith.index_cast %get3A_1543 : i32 to index
      %get3A_1545 = arith.constant 16 : index
      %get3A_1546 = tpu.vector_load %arg14[%get3A_1544, %get3A_1545] {strides = array<i32>} : memref<16x112xf32, #tpu.memory_space<vmem>>, vector<16xf32>,
      %add3A_1547 = arith.addf %add3A_1542, %get3A_1546 : vector<16xf32>
      %get3A_1548 = arith.constant 11 : i32
      %get3A_1549 = arith.index_cast %get3A_1548 : i32 to index
      %get3A_1550 = arith.constant 16 : index
      %get3A_1551 = tpu.vector_load %arg14[%get3A_1549, %get3A_1550] {strides = array<i32>} : memref<16x112xf32, #tpu.memory_space<vmem>>, vector<16xf32>,
      %add3A_1552 = arith.addf %add3A_1547, %get3A_1551 : vector<16xf32>
      %get3A_1553 = arith.constant 12 : i32
      %get3A_1554 = arith.index_cast %get3A_1553 : i32 to index
      %get3A_1555 = arith.constant 16 : index
      %get3A_1556 = tpu.vector_load %arg14[%get3A_1554, %get3A_1555] {strides = array<i32>} : memref<16x112xf32, #tpu.memory_space<vmem>>, vector<16xf32>,
      %add3A_1557 = arith.addf %add3A_1552, %get3A_1556 : vector<16xf32>
      %get3A_1558 = arith.constant 13 : i32
      %get3A_1559 = arith.index_cast %get3A_1558 : i32 to index
      %get3A_1560 = arith.constant 16 : index
      %get3A_1561 = tpu.vector_load %arg14[%get3A_1559, %get3A_1560] {strides = array<i32>} : memref<16x112xf32, #tpu.memory_space<vmem>>, vector<16xf32>,
      %add3A_1562 = arith.addf %add3A_1557, %get3A_1561 : vector<16xf32>
      %get3A_1563 = arith.constant 14 : i32
      %get3A_1564 = arith.index_cast %get3A_1563 : i32 to index
      %get3A_1565 = arith.constant 16 : index
      %get3A_1566 = tpu.vector_load %arg14[%get3A_1564, %get3A_1565] {strides = array<i32>} : memref<16x112xf32, #tpu.memory_space<vmem>>, vector<16xf32>,
      %add3A_1567 = arith.addf %add3A_1562, %get3A_1566 : vector<16xf32>
      %get3A_1568 = arith.constant 15 : i32
      %get3A_1569 = arith.index_cast %get3A_1568 : i32 to index
      %get3A_1570 = arith.constant 16 : index
      %get3A_1571 = tpu.vector_load %arg14[%get3A_1569, %get3A_1570] {strides = array<i32>} : memref<16x112xf32, #tpu.memory_space<vmem>>, vector<16xf32>,
      %add3A_1572 = arith.addf %add3A_1567, %get3A_1571 : vector<16xf32>
      %add3A_1573 = arith.constant 16 : i32
      %add3A_1574 = vector.broadcast %add3A_1573 : i32 to vector<16xi32>
      %add3A_1575 = arith.addi %iota3A, %add3A_1574 : vector<16xi32>
      %gather3A_1576 = tpu.vector_load_idx %arg11[%add3A_1575, %broadcast_in_dim3A_1399] : memref<100x128xf32, #tpu.memory_space<vmem>>[vector<16xi32>, vector<16xi32>], vector<16xf32>,
      %swap3A_1577 = arith.constant 16 : index
      %swap3A_1578 = tpu.vector_load %arg17[%swap3A_1577] {strides = array<i32>} : memref<300xf32, #tpu.memory_space<vmem>>, vector<16xf32>,
      tpu.vector_store %arg17[%swap3A_1577], %gather3A_1576 {strides = array<i32>} : memref<300xf32, #tpu.memory_space<vmem>>, vector<16xf32>,
      %mul3A_1579 = arith.mulf %gather3A_1576, %add3A_1572 : vector<16xf32>
      %swap3A_1580 = arith.constant 116 : index
      %swap3A_1581 = tpu.vector_load %arg17[%swap3A_1580] {strides = array<i32>} : memref<300xf32, #tpu.memory_space<vmem>>, vector<16xf32>,
      tpu.vector_store %arg17[%swap3A_1580], %mul3A_1579 {strides = array<i32>} : memref<300xf32, #tpu.memory_space<vmem>>, vector<16xf32>,
      %swap3A_1582 = arith.constant 216 : index
      %swap3A_1583 = tpu.vector_load %arg17[%swap3A_1582] {strides = array<i32>} : memref<300xf32, #tpu.memory_space<vmem>>, vector<16xf32>,
      tpu.vector_store %arg17[%swap3A_1582], %add3A_1572 {strides = array<i32>} : memref<300xf32, #tpu.memory_space<vmem>>, vector<16xf32>,
      %get3A_1584 = arith.constant 0 : i32
      %get3A_1585 = arith.index_cast %get3A_1584 : i32 to index
      %get3A_1586 = arith.constant 32 : index
      %get3A_1587 = tpu.vector_load %arg14[%get3A_1585, %get3A_1586] {strides = array<i32>} : memref<16x112xf32, #tpu.memory_space<vmem>>, vector<16xf32>,
      %add3A_1588 = arith.addf %get3A_1401, %get3A_1587 : vector<16xf32>
      %get3A_1589 = arith.constant 1 : i32
      %get3A_1590 = arith.index_cast %get3A_1589 : i32 to index
      %get3A_1591 = arith.constant 32 : index
      %get3A_1592 = tpu.vector_load %arg14[%get3A_1590, %get3A_1591] {strides = array<i32>} : memref<16x112xf32, #tpu.memory_space<vmem>>, vector<16xf32>,
      %add3A_1593 = arith.addf %add3A_1588, %get3A_1592 : vector<16xf32>
      %get3A_1594 = arith.constant 2 : i32
      %get3A_1595 = arith.index_cast %get3A_1594 : i32 to index
      %get3A_1596 = arith.constant 32 : index
      %get3A_1597 = tpu.vector_load %arg14[%get3A_1595, %get3A_1596] {strides = array<i32>} : memref<16x112xf32, #tpu.memory_space<vmem>>, vector<16xf32>,
      %add3A_1598 = arith.addf %add3A_1593, %get3A_1597 : vector<16xf32>
      %get3A_1599 = arith.constant 3 : i32
      %get3A_1600 = arith.index_cast %get3A_1599 : i32 to index
      %get3A_1601 = arith.constant 32 : index
      %get3A_1602 = tpu.vector_load %arg14[%get3A_1600, %get3A_1601] {strides = array<i32>} : memref<16x112xf32, #tpu.memory_space<vmem>>, vector<16xf32>,
      %add3A_1603 = arith.addf %add3A_1598, %get3A_1602 : vector<16xf32>
      %get3A_1604 = arith.constant 4 : i32
      %get3A_1605 = arith.index_cast %get3A_1604 : i32 to index
      %get3A_1606 = arith.constant 32 : index
      %get3A_1607 = tpu.vector_load %arg14[%get3A_1605, %get3A_1606] {strides = array<i32>} : memref<16x112xf32, #tpu.memory_space<vmem>>, vector<16xf32>,
      %add3A_1608 = arith.addf %add3A_1603, %get3A_1607 : vector<16xf32>
      %get3A_1609 = arith.constant 5 : i32
      %get3A_1610 = arith.index_cast %get3A_1609 : i32 to index
      %get3A_1611 = arith.constant 32 : index
      %get3A_1612 = tpu.vector_load %arg14[%get3A_1610, %get3A_1611] {strides = array<i32>} : memref<16x112xf32, #tpu.memory_space<vmem>>, vector<16xf32>,
      %add3A_1613 = arith.addf %add3A_1608, %get3A_1612 : vector<16xf32>
      %get3A_1614 = arith.constant 6 : i32
      %get3A_1615 = arith.index_cast %get3A_1614 : i32 to index
      %get3A_1616 = arith.constant 32 : index
      %get3A_1617 = tpu.vector_load %arg14[%get3A_1615, %get3A_1616] {strides = array<i32>} : memref<16x112xf32, #tpu.memory_space<vmem>>, vector<16xf32>,
      %add3A_1618 = arith.addf %add3A_1613, %get3A_1617 : vector<16xf32>
      %get3A_1619 = arith.constant 7 : i32
      %get3A_1620 = arith.index_cast %get3A_1619 : i32 to index
      %get3A_1621 = arith.constant 32 : index
      %get3A_1622 = tpu.vector_load %arg14[%get3A_1620, %get3A_1621] {strides = array<i32>} : memref<16x112xf32, #tpu.memory_space<vmem>>, vector<16xf32>,
      %add3A_1623 = arith.addf %add3A_1618, %get3A_1622 : vector<16xf32>
      %get3A_1624 = arith.constant 8 : i32
      %get3A_1625 = arith.index_cast %get3A_1624 : i32 to index
      %get3A_1626 = arith.constant 32 : index
      %get3A_1627 = tpu.vector_load %arg14[%get3A_1625, %get3A_1626] {strides = array<i32>} : memref<16x112xf32, #tpu.memory_space<vmem>>, vector<16xf32>,
      %add3A_1628 = arith.addf %add3A_1623, %get3A_1627 : vector<16xf32>
      %get3A_1629 = arith.constant 9 : i32
      %get3A_1630 = arith.index_cast %get3A_1629 : i32 to index
      %get3A_1631 = arith.constant 32 : index
      %get3A_1632 = tpu.vector_load %arg14[%get3A_1630, %get3A_1631] {strides = array<i32>} : memref<16x112xf32, #tpu.memory_space<vmem>>, vector<16xf32>,
      %add3A_1633 = arith.addf %add3A_1628, %get3A_1632 : vector<16xf32>
      %get3A_1634 = arith.constant 10 : i32
      %get3A_1635 = arith.index_cast %get3A_1634 : i32 to index
      %get3A_1636 = arith.constant 32 : index
      %get3A_1637 = tpu.vector_load %arg14[%get3A_1635, %get3A_1636] {strides = array<i32>} : memref<16x112xf32, #tpu.memory_space<vmem>>, vector<16xf32>,
      %add3A_1638 = arith.addf %add3A_1633, %get3A_1637 : vector<16xf32>
      %get3A_1639 = arith.constant 11 : i32
      %get3A_1640 = arith.index_cast %get3A_1639 : i32 to index
      %get3A_1641 = arith.constant 32 : index
      %get3A_1642 = tpu.vector_load %arg14[%get3A_1640, %get3A_1641] {strides = array<i32>} : memref<16x112xf32, #tpu.memory_space<vmem>>, vector<16xf32>,
      %add3A_1643 = arith.addf %add3A_1638, %get3A_1642 : vector<16xf32>
      %get3A_1644 = arith.constant 12 : i32
      %get3A_1645 = arith.index_cast %get3A_1644 : i32 to index
      %get3A_1646 = arith.constant 32 : index
      %get3A_1647 = tpu.vector_load %arg14[%get3A_1645, %get3A_1646] {strides = array<i32>} : memref<16x112xf32, #tpu.memory_space<vmem>>, vector<16xf32>,
      %add3A_1648 = arith.addf %add3A_1643, %get3A_1647 : vector<16xf32>
      %get3A_1649 = arith.constant 13 : i32
      %get3A_1650 = arith.index_cast %get3A_1649 : i32 to index
      %get3A_1651 = arith.constant 32 : index
      %get3A_1652 = tpu.vector_load %arg14[%get3A_1650, %get3A_1651] {strides = array<i32>} : memref<16x112xf32, #tpu.memory_space<vmem>>, vector<16xf32>,
      %add3A_1653 = arith.addf %add3A_1648, %get3A_1652 : vector<16xf32>
      %get3A_1654 = arith.constant 14 : i32
      %get3A_1655 = arith.index_cast %get3A_1654 : i32 to index
      %get3A_1656 = arith.constant 32 : index
      %get3A_1657 = tpu.vector_load %arg14[%get3A_1655, %get3A_1656] {strides = array<i32>} : memref<16x112xf32, #tpu.memory_space<vmem>>, vector<16xf32>,
      %add3A_1658 = arith.addf %add3A_1653, %get3A_1657 : vector<16xf32>
      %get3A_1659 = arith.constant 15 : i32
      %get3A_1660 = arith.index_cast %get3A_1659 : i32 to index
      %get3A_1661 = arith.constant 32 : index
      %get3A_1662 = tpu.vector_load %arg14[%get3A_1660, %get3A_1661] {strides = array<i32>} : memref<16x112xf32, #tpu.memory_space<vmem>>, vector<16xf32>,
      %add3A_1663 = arith.addf %add3A_1658, %get3A_1662 : vector<16xf32>
      %add3A_1664 = arith.constant 32 : i32
      %add3A_1665 = vector.broadcast %add3A_1664 : i32 to vector<16xi32>
      %add3A_1666 = arith.addi %iota3A, %add3A_1665 : vector<16xi32>
      %gather3A_1667 = tpu.vector_load_idx %arg11[%add3A_1666, %broadcast_in_dim3A_1399] : memref<100x128xf32, #tpu.memory_space<vmem>>[vector<16xi32>, vector<16xi32>], vector<16xf32>,
      %swap3A_1668 = arith.constant 32 : index
      %swap3A_1669 = tpu.vector_load %arg17[%swap3A_1668] {strides = array<i32>} : memref<300xf32, #tpu.memory_space<vmem>>, vector<16xf32>,
      tpu.vector_store %arg17[%swap3A_1668], %gather3A_1667 {strides = array<i32>} : memref<300xf32, #tpu.memory_space<vmem>>, vector<16xf32>,
      %mul3A_1670 = arith.mulf %gather3A_1667, %add3A_1663 : vector<16xf32>
      %swap3A_1671 = arith.constant 132 : index
      %swap3A_1672 = tpu.vector_load %arg17[%swap3A_1671] {strides = array<i32>} : memref<300xf32, #tpu.memory_space<vmem>>, vector<16xf32>,
      tpu.vector_store %arg17[%swap3A_1671], %mul3A_1670 {strides = array<i32>} : memref<300xf32, #tpu.memory_space<vmem>>, vector<16xf32>,
      %swap3A_1673 = arith.constant 232 : index
      %swap3A_1674 = tpu.vector_load %arg17[%swap3A_1673] {strides = array<i32>} : memref<300xf32, #tpu.memory_space<vmem>>, vector<16xf32>,
      tpu.vector_store %arg17[%swap3A_1673], %add3A_1663 {strides = array<i32>} : memref<300xf32, #tpu.memory_space<vmem>>, vector<16xf32>,
      %get3A_1675 = arith.constant 0 : i32
      %get3A_1676 = arith.index_cast %get3A_1675 : i32 to index
      %get3A_1677 = arith.constant 48 : index
      %get3A_1678 = tpu.vector_load %arg14[%get3A_1676, %get3A_1677] {strides = array<i32>} : memref<16x112xf32, #tpu.memory_space<vmem>>, vector<16xf32>,
      %add3A_1679 = arith.addf %get3A_1401, %get3A_1678 : vector<16xf32>
      %get3A_1680 = arith.constant 1 : i32
      %get3A_1681 = arith.index_cast %get3A_1680 : i32 to index
      %get3A_1682 = arith.constant 48 : index
      %get3A_1683 = tpu.vector_load %arg14[%get3A_1681, %get3A_1682] {strides = array<i32>} : memref<16x112xf32, #tpu.memory_space<vmem>>, vector<16xf32>,
      %add3A_1684 = arith.addf %add3A_1679, %get3A_1683 : vector<16xf32>
      %get3A_1685 = arith.constant 2 : i32
      %get3A_1686 = arith.index_cast %get3A_1685 : i32 to index
      %get3A_1687 = arith.constant 48 : index
      %get3A_1688 = tpu.vector_load %arg14[%get3A_1686, %get3A_1687] {strides = array<i32>} : memref<16x112xf32, #tpu.memory_space<vmem>>, vector<16xf32>,
      %add3A_1689 = arith.addf %add3A_1684, %get3A_1688 : vector<16xf32>
      %get3A_1690 = arith.constant 3 : i32
      %get3A_1691 = arith.index_cast %get3A_1690 : i32 to index
      %get3A_1692 = arith.constant 48 : index
      %get3A_1693 = tpu.vector_load %arg14[%get3A_1691, %get3A_1692] {strides = array<i32>} : memref<16x112xf32, #tpu.memory_space<vmem>>, vector<16xf32>,
      %add3A_1694 = arith.addf %add3A_1689, %get3A_1693 : vector<16xf32>
      %get3A_1695 = arith.constant 4 : i32
      %get3A_1696 = arith.index_cast %get3A_1695 : i32 to index
      %get3A_1697 = arith.constant 48 : index
      %get3A_1698 = tpu.vector_load %arg14[%get3A_1696, %get3A_1697] {strides = array<i32>} : memref<16x112xf32, #tpu.memory_space<vmem>>, vector<16xf32>,
      %add3A_1699 = arith.addf %add3A_1694, %get3A_1698 : vector<16xf32>
      %get3A_1700 = arith.constant 5 : i32
      %get3A_1701 = arith.index_cast %get3A_1700 : i32 to index
      %get3A_1702 = arith.constant 48 : index
      %get3A_1703 = tpu.vector_load %arg14[%get3A_1701, %get3A_1702] {strides = array<i32>} : memref<16x112xf32, #tpu.memory_space<vmem>>, vector<16xf32>,
      %add3A_1704 = arith.addf %add3A_1699, %get3A_1703 : vector<16xf32>
      %get3A_1705 = arith.constant 6 : i32
      %get3A_1706 = arith.index_cast %get3A_1705 : i32 to index
      %get3A_1707 = arith.constant 48 : index
      %get3A_1708 = tpu.vector_load %arg14[%get3A_1706, %get3A_1707] {strides = array<i32>} : memref<16x112xf32, #tpu.memory_space<vmem>>, vector<16xf32>,
      %add3A_1709 = arith.addf %add3A_1704, %get3A_1708 : vector<16xf32>
      %get3A_1710 = arith.constant 7 : i32
      %get3A_1711 = arith.index_cast %get3A_1710 : i32 to index
      %get3A_1712 = arith.constant 48 : index
      %get3A_1713 = tpu.vector_load %arg14[%get3A_1711, %get3A_1712] {strides = array<i32>} : memref<16x112xf32, #tpu.memory_space<vmem>>, vector<16xf32>,
      %add3A_1714 = arith.addf %add3A_1709, %get3A_1713 : vector<16xf32>
      %get3A_1715 = arith.constant 8 : i32
      %get3A_1716 = arith.index_cast %get3A_1715 : i32 to index
      %get3A_1717 = arith.constant 48 : index
      %get3A_1718 = tpu.vector_load %arg14[%get3A_1716, %get3A_1717] {strides = array<i32>} : memref<16x112xf32, #tpu.memory_space<vmem>>, vector<16xf32>,
      %add3A_1719 = arith.addf %add3A_1714, %get3A_1718 : vector<16xf32>
      %get3A_1720 = arith.constant 9 : i32
      %get3A_1721 = arith.index_cast %get3A_1720 : i32 to index
      %get3A_1722 = arith.constant 48 : index
      %get3A_1723 = tpu.vector_load %arg14[%get3A_1721, %get3A_1722] {strides = array<i32>} : memref<16x112xf32, #tpu.memory_space<vmem>>, vector<16xf32>,
      %add3A_1724 = arith.addf %add3A_1719, %get3A_1723 : vector<16xf32>
      %get3A_1725 = arith.constant 10 : i32
      %get3A_1726 = arith.index_cast %get3A_1725 : i32 to index
      %get3A_1727 = arith.constant 48 : index
      %get3A_1728 = tpu.vector_load %arg14[%get3A_1726, %get3A_1727] {strides = array<i32>} : memref<16x112xf32, #tpu.memory_space<vmem>>, vector<16xf32>,
      %add3A_1729 = arith.addf %add3A_1724, %get3A_1728 : vector<16xf32>
      %get3A_1730 = arith.constant 11 : i32
      %get3A_1731 = arith.index_cast %get3A_1730 : i32 to index
      %get3A_1732 = arith.constant 48 : index
      %get3A_1733 = tpu.vector_load %arg14[%get3A_1731, %get3A_1732] {strides = array<i32>} : memref<16x112xf32, #tpu.memory_space<vmem>>, vector<16xf32>,
      %add3A_1734 = arith.addf %add3A_1729, %get3A_1733 : vector<16xf32>
      %get3A_1735 = arith.constant 12 : i32
      %get3A_1736 = arith.index_cast %get3A_1735 : i32 to index
      %get3A_1737 = arith.constant 48 : index
      %get3A_1738 = tpu.vector_load %arg14[%get3A_1736, %get3A_1737] {strides = array<i32>} : memref<16x112xf32, #tpu.memory_space<vmem>>, vector<16xf32>,
      %add3A_1739 = arith.addf %add3A_1734, %get3A_1738 : vector<16xf32>
      %get3A_1740 = arith.constant 13 : i32
      %get3A_1741 = arith.index_cast %get3A_1740 : i32 to index
      %get3A_1742 = arith.constant 48 : index
      %get3A_1743 = tpu.vector_load %arg14[%get3A_1741, %get3A_1742] {strides = array<i32>} : memref<16x112xf32, #tpu.memory_space<vmem>>, vector<16xf32>,
      %add3A_1744 = arith.addf %add3A_1739, %get3A_1743 : vector<16xf32>
      %get3A_1745 = arith.constant 14 : i32
      %get3A_1746 = arith.index_cast %get3A_1745 : i32 to index
      %get3A_1747 = arith.constant 48 : index
      %get3A_1748 = tpu.vector_load %arg14[%get3A_1746, %get3A_1747] {strides = array<i32>} : memref<16x112xf32, #tpu.memory_space<vmem>>, vector<16xf32>,
      %add3A_1749 = arith.addf %add3A_1744, %get3A_1748 : vector<16xf32>
      %get3A_1750 = arith.constant 15 : i32
      %get3A_1751 = arith.index_cast %get3A_1750 : i32 to index
      %get3A_1752 = arith.constant 48 : index
      %get3A_1753 = tpu.vector_load %arg14[%get3A_1751, %get3A_1752] {strides = array<i32>} : memref<16x112xf32, #tpu.memory_space<vmem>>, vector<16xf32>,
      %add3A_1754 = arith.addf %add3A_1749, %get3A_1753 : vector<16xf32>
      %add3A_1755 = arith.constant 48 : i32
      %add3A_1756 = vector.broadcast %add3A_1755 : i32 to vector<16xi32>
      %add3A_1757 = arith.addi %iota3A, %add3A_1756 : vector<16xi32>
      %gather3A_1758 = tpu.vector_load_idx %arg11[%add3A_1757, %broadcast_in_dim3A_1399] : memref<100x128xf32, #tpu.memory_space<vmem>>[vector<16xi32>, vector<16xi32>], vector<16xf32>,
      %swap3A_1759 = arith.constant 48 : index
      %swap3A_1760 = tpu.vector_load %arg17[%swap3A_1759] {strides = array<i32>} : memref<300xf32, #tpu.memory_space<vmem>>, vector<16xf32>,
      tpu.vector_store %arg17[%swap3A_1759], %gather3A_1758 {strides = array<i32>} : memref<300xf32, #tpu.memory_space<vmem>>, vector<16xf32>,
      %mul3A_1761 = arith.mulf %gather3A_1758, %add3A_1754 : vector<16xf32>
      %swap3A_1762 = arith.constant 148 : index
      %swap3A_1763 = tpu.vector_load %arg17[%swap3A_1762] {strides = array<i32>} : memref<300xf32, #tpu.memory_space<vmem>>, vector<16xf32>,
      tpu.vector_store %arg17[%swap3A_1762], %mul3A_1761 {strides = array<i32>} : memref<300xf32, #tpu.memory_space<vmem>>, vector<16xf32>,
      %swap3A_1764 = arith.constant 248 : index
      %swap3A_1765 = tpu.vector_load %arg17[%swap3A_1764] {strides = array<i32>} : memref<300xf32, #tpu.memory_space<vmem>>, vector<16xf32>,
      tpu.vector_store %arg17[%swap3A_1764], %add3A_1754 {strides = array<i32>} : memref<300xf32, #tpu.memory_space<vmem>>, vector<16xf32>,
      %get3A_1766 = arith.constant 0 : i32
      %get3A_1767 = arith.index_cast %get3A_1766 : i32 to index
      %get3A_1768 = arith.constant 64 : index
      %get3A_1769 = tpu.vector_load %arg14[%get3A_1767, %get3A_1768] {strides = array<i32>} : memref<16x112xf32, #tpu.memory_space<vmem>>, vector<16xf32>,
      %add3A_1770 = arith.addf %get3A_1401, %get3A_1769 : vector<16xf32>
      %get3A_1771 = arith.constant 1 : i32
      %get3A_1772 = arith.index_cast %get3A_1771 : i32 to index
      %get3A_1773 = arith.constant 64 : index
      %get3A_1774 = tpu.vector_load %arg14[%get3A_1772, %get3A_1773] {strides = array<i32>} : memref<16x112xf32, #tpu.memory_space<vmem>>, vector<16xf32>,
      %add3A_1775 = arith.addf %add3A_1770, %get3A_1774 : vector<16xf32>
      %get3A_1776 = arith.constant 2 : i32
      %get3A_1777 = arith.index_cast %get3A_1776 : i32 to index
      %get3A_1778 = arith.constant 64 : index
      %get3A_1779 = tpu.vector_load %arg14[%get3A_1777, %get3A_1778] {strides = array<i32>} : memref<16x112xf32, #tpu.memory_space<vmem>>, vector<16xf32>,
      %add3A_1780 = arith.addf %add3A_1775, %get3A_1779 : vector<16xf32>
      %get3A_1781 = arith.constant 3 : i32
      %get3A_1782 = arith.index_cast %get3A_1781 : i32 to index
      %get3A_1783 = arith.constant 64 : index
      %get3A_1784 = tpu.vector_load %arg14[%get3A_1782, %get3A_1783] {strides = array<i32>} : memref<16x112xf32, #tpu.memory_space<vmem>>, vector<16xf32>,
      %add3A_1785 = arith.addf %add3A_1780, %get3A_1784 : vector<16xf32>
      %get3A_1786 = arith.constant 4 : i32
      %get3A_1787 = arith.index_cast %get3A_1786 : i32 to index
      %get3A_1788 = arith.constant 64 : index
      %get3A_1789 = tpu.vector_load %arg14[%get3A_1787, %get3A_1788] {strides = array<i32>} : memref<16x112xf32, #tpu.memory_space<vmem>>, vector<16xf32>,
      %add3A_1790 = arith.addf %add3A_1785, %get3A_1789 : vector<16xf32>
      %get3A_1791 = arith.constant 5 : i32
      %get3A_1792 = arith.index_cast %get3A_1791 : i32 to index
      %get3A_1793 = arith.constant 64 : index
      %get3A_1794 = tpu.vector_load %arg14[%get3A_1792, %get3A_1793] {strides = array<i32>} : memref<16x112xf32, #tpu.memory_space<vmem>>, vector<16xf32>,
      %add3A_1795 = arith.addf %add3A_1790, %get3A_1794 : vector<16xf32>
      %get3A_1796 = arith.constant 6 : i32
      %get3A_1797 = arith.index_cast %get3A_1796 : i32 to index
      %get3A_1798 = arith.constant 64 : index
      %get3A_1799 = tpu.vector_load %arg14[%get3A_1797, %get3A_1798] {strides = array<i32>} : memref<16x112xf32, #tpu.memory_space<vmem>>, vector<16xf32>,
      %add3A_1800 = arith.addf %add3A_1795, %get3A_1799 : vector<16xf32>
      %get3A_1801 = arith.constant 7 : i32
      %get3A_1802 = arith.index_cast %get3A_1801 : i32 to index
      %get3A_1803 = arith.constant 64 : index
      %get3A_1804 = tpu.vector_load %arg14[%get3A_1802, %get3A_1803] {strides = array<i32>} : memref<16x112xf32, #tpu.memory_space<vmem>>, vector<16xf32>,
      %add3A_1805 = arith.addf %add3A_1800, %get3A_1804 : vector<16xf32>
      %get3A_1806 = arith.constant 8 : i32
      %get3A_1807 = arith.index_cast %get3A_1806 : i32 to index
      %get3A_1808 = arith.constant 64 : index
      %get3A_1809 = tpu.vector_load %arg14[%get3A_1807, %get3A_1808] {strides = array<i32>} : memref<16x112xf32, #tpu.memory_space<vmem>>, vector<16xf32>,
      %add3A_1810 = arith.addf %add3A_1805, %get3A_1809 : vector<16xf32>
      %get3A_1811 = arith.constant 9 : i32
      %get3A_1812 = arith.index_cast %get3A_1811 : i32 to index
      %get3A_1813 = arith.constant 64 : index
      %get3A_1814 = tpu.vector_load %arg14[%get3A_1812, %get3A_1813] {strides = array<i32>} : memref<16x112xf32, #tpu.memory_space<vmem>>, vector<16xf32>,
      %add3A_1815 = arith.addf %add3A_1810, %get3A_1814 : vector<16xf32>
      %get3A_1816 = arith.constant 10 : i32
      %get3A_1817 = arith.index_cast %get3A_1816 : i32 to index
      %get3A_1818 = arith.constant 64 : index
      %get3A_1819 = tpu.vector_load %arg14[%get3A_1817, %get3A_1818] {strides = array<i32>} : memref<16x112xf32, #tpu.memory_space<vmem>>, vector<16xf32>,
      %add3A_1820 = arith.addf %add3A_1815, %get3A_1819 : vector<16xf32>
      %get3A_1821 = arith.constant 11 : i32
      %get3A_1822 = arith.index_cast %get3A_1821 : i32 to index
      %get3A_1823 = arith.constant 64 : index
      %get3A_1824 = tpu.vector_load %arg14[%get3A_1822, %get3A_1823] {strides = array<i32>} : memref<16x112xf32, #tpu.memory_space<vmem>>, vector<16xf32>,
      %add3A_1825 = arith.addf %add3A_1820, %get3A_1824 : vector<16xf32>
      %get3A_1826 = arith.constant 12 : i32
      %get3A_1827 = arith.index_cast %get3A_1826 : i32 to index
      %get3A_1828 = arith.constant 64 : index
      %get3A_1829 = tpu.vector_load %arg14[%get3A_1827, %get3A_1828] {strides = array<i32>} : memref<16x112xf32, #tpu.memory_space<vmem>>, vector<16xf32>,
      %add3A_1830 = arith.addf %add3A_1825, %get3A_1829 : vector<16xf32>
      %get3A_1831 = arith.constant 13 : i32
      %get3A_1832 = arith.index_cast %get3A_1831 : i32 to index
      %get3A_1833 = arith.constant 64 : index
      %get3A_1834 = tpu.vector_load %arg14[%get3A_1832, %get3A_1833] {strides = array<i32>} : memref<16x112xf32, #tpu.memory_space<vmem>>, vector<16xf32>,
      %add3A_1835 = arith.addf %add3A_1830, %get3A_1834 : vector<16xf32>
      %get3A_1836 = arith.constant 14 : i32
      %get3A_1837 = arith.index_cast %get3A_1836 : i32 to index
      %get3A_1838 = arith.constant 64 : index
      %get3A_1839 = tpu.vector_load %arg14[%get3A_1837, %get3A_1838] {strides = array<i32>} : memref<16x112xf32, #tpu.memory_space<vmem>>, vector<16xf32>,
      %add3A_1840 = arith.addf %add3A_1835, %get3A_1839 : vector<16xf32>
      %get3A_1841 = arith.constant 15 : i32
      %get3A_1842 = arith.index_cast %get3A_1841 : i32 to index
      %get3A_1843 = arith.constant 64 : index
      %get3A_1844 = tpu.vector_load %arg14[%get3A_1842, %get3A_1843] {strides = array<i32>} : memref<16x112xf32, #tpu.memory_space<vmem>>, vector<16xf32>,
      %add3A_1845 = arith.addf %add3A_1840, %get3A_1844 : vector<16xf32>
      %add3A_1846 = arith.constant 64 : i32
      %add3A_1847 = vector.broadcast %add3A_1846 : i32 to vector<16xi32>
      %add3A_1848 = arith.addi %iota3A, %add3A_1847 : vector<16xi32>
      %gather3A_1849 = tpu.vector_load_idx %arg11[%add3A_1848, %broadcast_in_dim3A_1399] : memref<100x128xf32, #tpu.memory_space<vmem>>[vector<16xi32>, vector<16xi32>], vector<16xf32>,
      %swap3A_1850 = arith.constant 64 : index
      %swap3A_1851 = tpu.vector_load %arg17[%swap3A_1850] {strides = array<i32>} : memref<300xf32, #tpu.memory_space<vmem>>, vector<16xf32>,
      tpu.vector_store %arg17[%swap3A_1850], %gather3A_1849 {strides = array<i32>} : memref<300xf32, #tpu.memory_space<vmem>>, vector<16xf32>,
      %mul3A_1852 = arith.mulf %gather3A_1849, %add3A_1845 : vector<16xf32>
      %swap3A_1853 = arith.constant 164 : index
      %swap3A_1854 = tpu.vector_load %arg17[%swap3A_1853] {strides = array<i32>} : memref<300xf32, #tpu.memory_space<vmem>>, vector<16xf32>,
      tpu.vector_store %arg17[%swap3A_1853], %mul3A_1852 {strides = array<i32>} : memref<300xf32, #tpu.memory_space<vmem>>, vector<16xf32>,
      %swap3A_1855 = arith.constant 264 : index
      %swap3A_1856 = tpu.vector_load %arg17[%swap3A_1855] {strides = array<i32>} : memref<300xf32, #tpu.memory_space<vmem>>, vector<16xf32>,
      tpu.vector_store %arg17[%swap3A_1855], %add3A_1845 {strides = array<i32>} : memref<300xf32, #tpu.memory_space<vmem>>, vector<16xf32>,
      %get3A_1857 = arith.constant 0 : i32
      %get3A_1858 = arith.index_cast %get3A_1857 : i32 to index
      %get3A_1859 = arith.constant 80 : index
      %get3A_1860 = tpu.vector_load %arg14[%get3A_1858, %get3A_1859] {strides = array<i32>} : memref<16x112xf32, #tpu.memory_space<vmem>>, vector<16xf32>,
      %add3A_1861 = arith.addf %get3A_1401, %get3A_1860 : vector<16xf32>
      %get3A_1862 = arith.constant 1 : i32
      %get3A_1863 = arith.index_cast %get3A_1862 : i32 to index
      %get3A_1864 = arith.constant 80 : index
      %get3A_1865 = tpu.vector_load %arg14[%get3A_1863, %get3A_1864] {strides = array<i32>} : memref<16x112xf32, #tpu.memory_space<vmem>>, vector<16xf32>,
      %add3A_1866 = arith.addf %add3A_1861, %get3A_1865 : vector<16xf32>
      %get3A_1867 = arith.constant 2 : i32
      %get3A_1868 = arith.index_cast %get3A_1867 : i32 to index
      %get3A_1869 = arith.constant 80 : index
      %get3A_1870 = tpu.vector_load %arg14[%get3A_1868, %get3A_1869] {strides = array<i32>} : memref<16x112xf32, #tpu.memory_space<vmem>>, vector<16xf32>,
      %add3A_1871 = arith.addf %add3A_1866, %get3A_1870 : vector<16xf32>
      %get3A_1872 = arith.constant 3 : i32
      %get3A_1873 = arith.index_cast %get3A_1872 : i32 to index
      %get3A_1874 = arith.constant 80 : index
      %get3A_1875 = tpu.vector_load %arg14[%get3A_1873, %get3A_1874] {strides = array<i32>} : memref<16x112xf32, #tpu.memory_space<vmem>>, vector<16xf32>,
      %add3A_1876 = arith.addf %add3A_1871, %get3A_1875 : vector<16xf32>
      %get3A_1877 = arith.constant 4 : i32
      %get3A_1878 = arith.index_cast %get3A_1877 : i32 to index
      %get3A_1879 = arith.constant 80 : index
      %get3A_1880 = tpu.vector_load %arg14[%get3A_1878, %get3A_1879] {strides = array<i32>} : memref<16x112xf32, #tpu.memory_space<vmem>>, vector<16xf32>,
      %add3A_1881 = arith.addf %add3A_1876, %get3A_1880 : vector<16xf32>
      %get3A_1882 = arith.constant 5 : i32
      %get3A_1883 = arith.index_cast %get3A_1882 : i32 to index
      %get3A_1884 = arith.constant 80 : index
      %get3A_1885 = tpu.vector_load %arg14[%get3A_1883, %get3A_1884] {strides = array<i32>} : memref<16x112xf32, #tpu.memory_space<vmem>>, vector<16xf32>,
      %add3A_1886 = arith.addf %add3A_1881, %get3A_1885 : vector<16xf32>
      %get3A_1887 = arith.constant 6 : i32
      %get3A_1888 = arith.index_cast %get3A_1887 : i32 to index
      %get3A_1889 = arith.constant 80 : index
      %get3A_1890 = tpu.vector_load %arg14[%get3A_1888, %get3A_1889] {strides = array<i32>} : memref<16x112xf32, #tpu.memory_space<vmem>>, vector<16xf32>,
      %add3A_1891 = arith.addf %add3A_1886, %get3A_1890 : vector<16xf32>
      %get3A_1892 = arith.constant 7 : i32
      %get3A_1893 = arith.index_cast %get3A_1892 : i32 to index
      %get3A_1894 = arith.constant 80 : index
      %get3A_1895 = tpu.vector_load %arg14[%get3A_1893, %get3A_1894] {strides = array<i32>} : memref<16x112xf32, #tpu.memory_space<vmem>>, vector<16xf32>,
      %add3A_1896 = arith.addf %add3A_1891, %get3A_1895 : vector<16xf32>
      %get3A_1897 = arith.constant 8 : i32
      %get3A_1898 = arith.index_cast %get3A_1897 : i32 to index
      %get3A_1899 = arith.constant 80 : index
      %get3A_1900 = tpu.vector_load %arg14[%get3A_1898, %get3A_1899] {strides = array<i32>} : memref<16x112xf32, #tpu.memory_space<vmem>>, vector<16xf32>,
      %add3A_1901 = arith.addf %add3A_1896, %get3A_1900 : vector<16xf32>
      %get3A_1902 = arith.constant 9 : i32
      %get3A_1903 = arith.index_cast %get3A_1902 : i32 to index
      %get3A_1904 = arith.constant 80 : index
      %get3A_1905 = tpu.vector_load %arg14[%get3A_1903, %get3A_1904] {strides = array<i32>} : memref<16x112xf32, #tpu.memory_space<vmem>>, vector<16xf32>,
      %add3A_1906 = arith.addf %add3A_1901, %get3A_1905 : vector<16xf32>
      %get3A_1907 = arith.constant 10 : i32
      %get3A_1908 = arith.index_cast %get3A_1907 : i32 to index
      %get3A_1909 = arith.constant 80 : index
      %get3A_1910 = tpu.vector_load %arg14[%get3A_1908, %get3A_1909] {strides = array<i32>} : memref<16x112xf32, #tpu.memory_space<vmem>>, vector<16xf32>,
      %add3A_1911 = arith.addf %add3A_1906, %get3A_1910 : vector<16xf32>
      %get3A_1912 = arith.constant 11 : i32
      %get3A_1913 = arith.index_cast %get3A_1912 : i32 to index
      %get3A_1914 = arith.constant 80 : index
      %get3A_1915 = tpu.vector_load %arg14[%get3A_1913, %get3A_1914] {strides = array<i32>} : memref<16x112xf32, #tpu.memory_space<vmem>>, vector<16xf32>,
      %add3A_1916 = arith.addf %add3A_1911, %get3A_1915 : vector<16xf32>
      %get3A_1917 = arith.constant 12 : i32
      %get3A_1918 = arith.index_cast %get3A_1917 : i32 to index
      %get3A_1919 = arith.constant 80 : index
      %get3A_1920 = tpu.vector_load %arg14[%get3A_1918, %get3A_1919] {strides = array<i32>} : memref<16x112xf32, #tpu.memory_space<vmem>>, vector<16xf32>,
      %add3A_1921 = arith.addf %add3A_1916, %get3A_1920 : vector<16xf32>
      %get3A_1922 = arith.constant 13 : i32
      %get3A_1923 = arith.index_cast %get3A_1922 : i32 to index
      %get3A_1924 = arith.constant 80 : index
      %get3A_1925 = tpu.vector_load %arg14[%get3A_1923, %get3A_1924] {strides = array<i32>} : memref<16x112xf32, #tpu.memory_space<vmem>>, vector<16xf32>,
      %add3A_1926 = arith.addf %add3A_1921, %get3A_1925 : vector<16xf32>
      %get3A_1927 = arith.constant 14 : i32
      %get3A_1928 = arith.index_cast %get3A_1927 : i32 to index
      %get3A_1929 = arith.constant 80 : index
      %get3A_1930 = tpu.vector_load %arg14[%get3A_1928, %get3A_1929] {strides = array<i32>} : memref<16x112xf32, #tpu.memory_space<vmem>>, vector<16xf32>,
      %add3A_1931 = arith.addf %add3A_1926, %get3A_1930 : vector<16xf32>
      %get3A_1932 = arith.constant 15 : i32
      %get3A_1933 = arith.index_cast %get3A_1932 : i32 to index
      %get3A_1934 = arith.constant 80 : index
      %get3A_1935 = tpu.vector_load %arg14[%get3A_1933, %get3A_1934] {strides = array<i32>} : memref<16x112xf32, #tpu.memory_space<vmem>>, vector<16xf32>,
      %add3A_1936 = arith.addf %add3A_1931, %get3A_1935 : vector<16xf32>
      %add3A_1937 = arith.constant 80 : i32
      %add3A_1938 = vector.broadcast %add3A_1937 : i32 to vector<16xi32>
      %add3A_1939 = arith.addi %iota3A, %add3A_1938 : vector<16xi32>
      %gather3A_1940 = tpu.vector_load_idx %arg11[%add3A_1939, %broadcast_in_dim3A_1399] : memref<100x128xf32, #tpu.memory_space<vmem>>[vector<16xi32>, vector<16xi32>], vector<16xf32>,
      %swap3A_1941 = arith.constant 80 : index
      %swap3A_1942 = tpu.vector_load %arg17[%swap3A_1941] {strides = array<i32>} : memref<300xf32, #tpu.memory_space<vmem>>, vector<16xf32>,
      tpu.vector_store %arg17[%swap3A_1941], %gather3A_1940 {strides = array<i32>} : memref<300xf32, #tpu.memory_space<vmem>>, vector<16xf32>,
      %mul3A_1943 = arith.mulf %gather3A_1940, %add3A_1936 : vector<16xf32>
      %swap3A_1944 = arith.constant 180 : index
      %swap3A_1945 = tpu.vector_load %arg17[%swap3A_1944] {strides = array<i32>} : memref<300xf32, #tpu.memory_space<vmem>>, vector<16xf32>,
      tpu.vector_store %arg17[%swap3A_1944], %mul3A_1943 {strides = array<i32>} : memref<300xf32, #tpu.memory_space<vmem>>, vector<16xf32>,
      %swap3A_1946 = arith.constant 280 : index
      %swap3A_1947 = tpu.vector_load %arg17[%swap3A_1946] {strides = array<i32>} : memref<300xf32, #tpu.memory_space<vmem>>, vector<16xf32>,
      tpu.vector_store %arg17[%swap3A_1946], %add3A_1936 {strides = array<i32>} : memref<300xf32, #tpu.memory_space<vmem>>, vector<16xf32>,
      %get3A_1948 = arith.constant 0 : i32
      %get3A_1949 = arith.index_cast %get3A_1948 : i32 to index
      %get3A_1950 = arith.constant 96 : index
      %get3A_1951 = tpu.vector_load %arg14[%get3A_1949, %get3A_1950] {strides = array<i32>} : memref<16x112xf32, #tpu.memory_space<vmem>>, vector<16xf32>,
      %add3A_1952 = arith.addf %get3A_1401, %get3A_1951 : vector<16xf32>
      %get3A_1953 = arith.constant 1 : i32
      %get3A_1954 = arith.index_cast %get3A_1953 : i32 to index
      %get3A_1955 = arith.constant 96 : index
      %get3A_1956 = tpu.vector_load %arg14[%get3A_1954, %get3A_1955] {strides = array<i32>} : memref<16x112xf32, #tpu.memory_space<vmem>>, vector<16xf32>,
      %add3A_1957 = arith.addf %add3A_1952, %get3A_1956 : vector<16xf32>
      %get3A_1958 = arith.constant 2 : i32
      %get3A_1959 = arith.index_cast %get3A_1958 : i32 to index
      %get3A_1960 = arith.constant 96 : index
      %get3A_1961 = tpu.vector_load %arg14[%get3A_1959, %get3A_1960] {strides = array<i32>} : memref<16x112xf32, #tpu.memory_space<vmem>>, vector<16xf32>,
      %add3A_1962 = arith.addf %add3A_1957, %get3A_1961 : vector<16xf32>
      %get3A_1963 = arith.constant 3 : i32
      %get3A_1964 = arith.index_cast %get3A_1963 : i32 to index
      %get3A_1965 = arith.constant 96 : index
      %get3A_1966 = tpu.vector_load %arg14[%get3A_1964, %get3A_1965] {strides = array<i32>} : memref<16x112xf32, #tpu.memory_space<vmem>>, vector<16xf32>,
      %add3A_1967 = arith.addf %add3A_1962, %get3A_1966 : vector<16xf32>
      %get3A_1968 = arith.constant 4 : i32
      %get3A_1969 = arith.index_cast %get3A_1968 : i32 to index
      %get3A_1970 = arith.constant 96 : index
      %get3A_1971 = tpu.vector_load %arg14[%get3A_1969, %get3A_1970] {strides = array<i32>} : memref<16x112xf32, #tpu.memory_space<vmem>>, vector<16xf32>,
      %add3A_1972 = arith.addf %add3A_1967, %get3A_1971 : vector<16xf32>
      %get3A_1973 = arith.constant 5 : i32
      %get3A_1974 = arith.index_cast %get3A_1973 : i32 to index
      %get3A_1975 = arith.constant 96 : index
      %get3A_1976 = tpu.vector_load %arg14[%get3A_1974, %get3A_1975] {strides = array<i32>} : memref<16x112xf32, #tpu.memory_space<vmem>>, vector<16xf32>,
      %add3A_1977 = arith.addf %add3A_1972, %get3A_1976 : vector<16xf32>
      %get3A_1978 = arith.constant 6 : i32
      %get3A_1979 = arith.index_cast %get3A_1978 : i32 to index
      %get3A_1980 = arith.constant 96 : index
      %get3A_1981 = tpu.vector_load %arg14[%get3A_1979, %get3A_1980] {strides = array<i32>} : memref<16x112xf32, #tpu.memory_space<vmem>>, vector<16xf32>,
      %add3A_1982 = arith.addf %add3A_1977, %get3A_1981 : vector<16xf32>
      %get3A_1983 = arith.constant 7 : i32
      %get3A_1984 = arith.index_cast %get3A_1983 : i32 to index
      %get3A_1985 = arith.constant 96 : index
      %get3A_1986 = tpu.vector_load %arg14[%get3A_1984, %get3A_1985] {strides = array<i32>} : memref<16x112xf32, #tpu.memory_space<vmem>>, vector<16xf32>,
      %add3A_1987 = arith.addf %add3A_1982, %get3A_1986 : vector<16xf32>
      %get3A_1988 = arith.constant 8 : i32
      %get3A_1989 = arith.index_cast %get3A_1988 : i32 to index
      %get3A_1990 = arith.constant 96 : index
      %get3A_1991 = tpu.vector_load %arg14[%get3A_1989, %get3A_1990] {strides = array<i32>} : memref<16x112xf32, #tpu.memory_space<vmem>>, vector<16xf32>,
      %add3A_1992 = arith.addf %add3A_1987, %get3A_1991 : vector<16xf32>
      %get3A_1993 = arith.constant 9 : i32
      %get3A_1994 = arith.index_cast %get3A_1993 : i32 to index
      %get3A_1995 = arith.constant 96 : index
      %get3A_1996 = tpu.vector_load %arg14[%get3A_1994, %get3A_1995] {strides = array<i32>} : memref<16x112xf32, #tpu.memory_space<vmem>>, vector<16xf32>,
      %add3A_1997 = arith.addf %add3A_1992, %get3A_1996 : vector<16xf32>
      %get3A_1998 = arith.constant 10 : i32
      %get3A_1999 = arith.index_cast %get3A_1998 : i32 to index
      %get3A_2000 = arith.constant 96 : index
      %get3A_2001 = tpu.vector_load %arg14[%get3A_1999, %get3A_2000] {strides = array<i32>} : memref<16x112xf32, #tpu.memory_space<vmem>>, vector<16xf32>,
      %add3A_2002 = arith.addf %add3A_1997, %get3A_2001 : vector<16xf32>
      %get3A_2003 = arith.constant 11 : i32
      %get3A_2004 = arith.index_cast %get3A_2003 : i32 to index
      %get3A_2005 = arith.constant 96 : index
      %get3A_2006 = tpu.vector_load %arg14[%get3A_2004, %get3A_2005] {strides = array<i32>} : memref<16x112xf32, #tpu.memory_space<vmem>>, vector<16xf32>,
      %add3A_2007 = arith.addf %add3A_2002, %get3A_2006 : vector<16xf32>
      %get3A_2008 = arith.constant 12 : i32
      %get3A_2009 = arith.index_cast %get3A_2008 : i32 to index
      %get3A_2010 = arith.constant 96 : index
      %get3A_2011 = tpu.vector_load %arg14[%get3A_2009, %get3A_2010] {strides = array<i32>} : memref<16x112xf32, #tpu.memory_space<vmem>>, vector<16xf32>,
      %add3A_2012 = arith.addf %add3A_2007, %get3A_2011 : vector<16xf32>
      %get3A_2013 = arith.constant 13 : i32
      %get3A_2014 = arith.index_cast %get3A_2013 : i32 to index
      %get3A_2015 = arith.constant 96 : index
      %get3A_2016 = tpu.vector_load %arg14[%get3A_2014, %get3A_2015] {strides = array<i32>} : memref<16x112xf32, #tpu.memory_space<vmem>>, vector<16xf32>,
      %add3A_2017 = arith.addf %add3A_2012, %get3A_2016 : vector<16xf32>
      %get3A_2018 = arith.constant 14 : i32
      %get3A_2019 = arith.index_cast %get3A_2018 : i32 to index
      %get3A_2020 = arith.constant 96 : index
      %get3A_2021 = tpu.vector_load %arg14[%get3A_2019, %get3A_2020] {strides = array<i32>} : memref<16x112xf32, #tpu.memory_space<vmem>>, vector<16xf32>,
      %add3A_2022 = arith.addf %add3A_2017, %get3A_2021 : vector<16xf32>
      %get3A_2023 = arith.constant 15 : i32
      %get3A_2024 = arith.index_cast %get3A_2023 : i32 to index
      %get3A_2025 = arith.constant 96 : index
      %get3A_2026 = tpu.vector_load %arg14[%get3A_2024, %get3A_2025] {strides = array<i32>} : memref<16x112xf32, #tpu.memory_space<vmem>>, vector<16xf32>,
      %add3A_2027 = arith.addf %add3A_2022, %get3A_2026 : vector<16xf32>
      %add3A_2028 = arith.constant 84 : i32
      %add3A_2029 = vector.broadcast %add3A_2028 : i32 to vector<16xi32>
      %add3A_2030 = arith.addi %iota3A, %add3A_2029 : vector<16xi32>
      %gather3A_2031 = tpu.vector_load_idx %arg11[%add3A_2030, %broadcast_in_dim3A_1399] : memref<100x128xf32, #tpu.memory_space<vmem>>[vector<16xi32>, vector<16xi32>], vector<16xf32>,
      %swap3A_2032 = arith.constant 84 : index
      %swap3A_2033 = tpu.vector_load %arg17[%swap3A_2032] {strides = array<i32>} : memref<300xf32, #tpu.memory_space<vmem>>, vector<16xf32>,
      tpu.vector_store %arg17[%swap3A_2032], %gather3A_2031 {strides = array<i32>} : memref<300xf32, #tpu.memory_space<vmem>>, vector<16xf32>,
      %mul3A_2034 = arith.mulf %gather3A_2031, %add3A_2027 : vector<16xf32>
      %swap3A_2035 = arith.constant 184 : index
      %swap3A_2036 = tpu.vector_load %arg17[%swap3A_2035] {strides = array<i32>} : memref<300xf32, #tpu.memory_space<vmem>>, vector<16xf32>,
      tpu.vector_store %arg17[%swap3A_2035], %mul3A_2034 {strides = array<i32>} : memref<300xf32, #tpu.memory_space<vmem>>, vector<16xf32>,
      %swap3A_2037 = arith.constant 284 : index
      %swap3A_2038 = tpu.vector_load %arg17[%swap3A_2037] {strides = array<i32>} : memref<300xf32, #tpu.memory_space<vmem>>, vector<16xf32>,
      tpu.vector_store %arg17[%swap3A_2037], %add3A_2027 {strides = array<i32>} : memref<300xf32, #tpu.memory_space<vmem>>, vector<16xf32>,
      %run_scoped3A = arith.constant 0 : i32
      "tpu.region"() ({
        %run_scoped3A_2039 = tpu.sem_alloc : memref<!tpu.dma_semaphore, #tpu.memory_space<semaphore_mem>>
        %dma_start3A_2040 = arith.constant 0 : i32
        %dma_start3A_2041 = tpu.memref_slice %arg8[%run_scoped3A, %dma_start3A_2040] : memref<1x300xf32, #tpu.memory_space<hbm>> -> memref<1x300xf32, #tpu.memory_space<hbm>>
        %dma_start3A_2042 = tpu.memref_squeeze %dma_start3A_2041 : memref<1x300xf32, #tpu.memory_space<hbm>> -> memref<300xf32, #tpu.memory_space<hbm>>
        %dma_start3A_2043 = arith.constant 0 : i32
        %dma_start3A_2044 = tpu.memref_slice %arg8[%run_scoped3A, %dma_start3A_2043] : memref<1x300xf32, #tpu.memory_space<hbm>> -> memref<1x300xf32, #tpu.memory_space<hbm>>
        %dma_start3A_2045 = tpu.memref_squeeze %dma_start3A_2044 : memref<1x300xf32, #tpu.memory_space<hbm>> -> memref<300xf32, #tpu.memory_space<hbm>>
        tpu.enqueue_dma source(%arg17 : memref<300xf32, #tpu.memory_space<vmem>>) target(%dma_start3A_2045 : memref<300xf32, #tpu.memory_space<hbm>>) target_semaphore(%run_scoped3A_2039 : memref<!tpu.dma_semaphore, #tpu.memory_space<semaphore_mem>>)
        %dma_wait3A_2046 = arith.constant 0 : i32
        %dma_wait3A_2047 = tpu.memref_slice %arg8[%run_scoped3A, %dma_wait3A_2046] : memref<1x300xf32, #tpu.memory_space<hbm>> -> memref<1x300xf32, #tpu.memory_space<hbm>>
        %dma_wait3A_2048 = tpu.memref_squeeze %dma_wait3A_2047 : memref<1x300xf32, #tpu.memory_space<hbm>> -> memref<300xf32, #tpu.memory_space<hbm>>
        %dma_wait3A_2049 = arith.constant 0 : i32
        %dma_wait3A_2050 = tpu.memref_slice %arg8[%run_scoped3A, %dma_wait3A_2049] : memref<1x300xf32, #tpu.memory_space<hbm>> -> memref<1x300xf32, #tpu.memory_space<hbm>>
        %dma_wait3A_2051 = tpu.memref_squeeze %dma_wait3A_2050 : memref<1x300xf32, #tpu.memory_space<hbm>> -> memref<300xf32, #tpu.memory_space<hbm>>
        tpu.wait_dma2 semaphore(%run_scoped3A_2039 : memref<!tpu.dma_semaphore, #tpu.memory_space<semaphore_mem>>) src(%arg17 : memref<300xf32, #tpu.memory_space<vmem>>) dst(%dma_wait3A_2051 : memref<300xf32, #tpu.memory_space<hbm>>)
        tpu.yield
      }) : () -> ()
    } else {
    }
    return
  }
}

</mosaic_0001>

<sc_bundles>
// kernel: kernel.3.cloned.1.call-start
scs
__scs_entry_jumppad:
0x0: {  	(pc) =	sbr.rel $0x88, $3  }
0x1: {  	(tag) =	ssettag $0x0;
	lr =	simm.s32 $0x1  }
0x2: {  	[smem:$0x3F9B] =	sst lr;
	_ =	strace $0xD0000000  }
0x3: {  	_ = 	snop  }
0x4: {  	_ = 	snop  }
0x5: {  	_ = 	snop  }
0x6: {  	_ = 	snop  }
0x7: {  	_ = 	snop  }
__scs_overlays_trampoline_lowered:
0x8: {  	[smem:$0x3FAA] =	sst s0  }
0x9: {  	[smem:$0x3FAB] =	sst s1  }
0xa: {  	[smem:$0x3FAC] =	sst s2  }
0xb: {  	[smem:$0x3FAD] =	sst s3  }
0xc: {  	[smem:$0x3FAE] =	sst s4  }
0xd: {  	[smem:$0x3FAF] =	sst s5  }
0xe: {  	[smem:$0x3FB0] =	sst s6  }
0xf: {  	[smem:$0x3FB1] =	sst s7  }
0x10: {  	[smem:$0x3FB2] =	sst s8  }
0x11: {  	[smem:$0x3FB3] =	sst s9;
	s0 =	simm.s32 @!p0 $0x0  }
0x12: {  	s1 =	sld [smem:$0x3F99];
	s0 =	simm.s32 @p0 $0x1  }
0x13: {  	[smem:$0x3FB4] =	sst s0;
	s0 =	simm.s32 @!p1 $0x0  }
0x14: {  	s2 =	sld [smem:$0x3F98];
	s0 =	simm.s32 @p1 $0x1  }
0x15: {  	[smem:$0x3FB5] =	sst s0;
	s0 =	simm.s32 @!p2 $0x0  }
0x16: {  	s3 =	sld [smem:$0x3FDB];
	s0 =	simm.s32 @p2 $0x1  }
0x17: {  	s4 =	simm.s32 $0x1BF5;
	[smem:$0x3FB7] =	sst s0  }
0x18: {  	s0 =	sld [smem:$0x3F9A];
	_ =	swait.ge [sflag:s4], $0x0  }
0x19: {  	s7 =	sld [smem:$0x3F9B]  }
0x1a: {  	s8 =	sadd.s32 $0xFFFFE003, lr  }
0x1b: {  	s9 =	sadd.s32 $0xFFFFFEF7, lr;
	s5 =	simm.s32 $0xFFFFFFFF;
	p2 =	slt.u32 s8, $0xFFFFF086  }
0x1c: {  	p1 =	slt.u32 s9, $0xF7A;
	s5 =	simm.s32 @!p2 $0x0  }
0x1d: {  	s5 =	simm.s32 @p1 $0x1;
	p0 =	seq.s32 s7, s2  }
0x1e: {  	s7 =	smul.u32 @!p0 $0xF7A, s2;
	p2 =	seq.s32 @!p0 s5, $0x0  }
0x1f: {  	s9 =	smul.u32 $0xF7A, s1;
	s8 =	simm.s32 @!p0 $0x1BF5;
	p2 =	por !p2, p0  }
0x20: {  	[sflag:s8] =	ssyncset.s32 @!p0 $0xFFFFF086;
	s6 =	sadd.s32 @!p0 s3, s7;
	s7 =	simm.s32 @!p0 $0x108  }
0x21: {  	s3 =	sadd.s32 s3, s9;
	s6 =	sadd.s32 @!p0 $0x88, s6;
	s7 =	simm.s32 @p2 $0x1082  }
0x22: {  	[simem:s7], [sflag:s8] =	dma.local @!p0 [hbm:s6], $0xF7A  }
0x23: {  	s9 =	sor.u32 $0xD0000000, s2;
	s6 =	simm.s32 $0x108;
	_ =	swait.ge @!p0 [sflag:s8], $0x0  }
0x24: {  	s3 =	sadd.s32 $0x88, s3;
	s6 =	simm.s32 @!p1 $0x1082;
	[sflag:s4] =	ssyncset.s32 $0xFFFFF086  }
0x25: {  	[simem:s6], [sflag:s4] =	dma.local [hbm:s3], $0xF7A  }
0x26: {  	[smem:$0x3F9B] =	sst s1;
	(tag) =	ssettag s2;
	_ =	strace s9  }
0x27: {  	s1 =	sld [smem:$0x3FAB]  }
0x28: {  	s2 =	sld [smem:$0x3FAC]  }
0x29: {  	s4 =	sld [smem:$0x3FAE]  }
0x2a: {  	p0 =	seq.s32 s5, $0x0;
	s5 =	sld [smem:$0x3FAF]  }
0x2b: {  	s6 =	sld [smem:$0x3FB0]  }
0x2c: {  	s7 =	sld [smem:$0x3FB1]  }
0x2d: {  	s3 =	simm.s32 $0x108;
	s8 =	sld [smem:$0x3FB2]  }
0x2e: {  	s3 =	simm.s32 @!p0 $0x1082;
	s9 =	sld [smem:$0x3FB3]  }
0x2f: {  	lr =	sadd.s32 s0, s3;
	s0 =	sld [smem:$0x3FAA]  }
0x30: {  	s3 =	sld [smem:$0x3FAD]  }
0x31: {  	[smem:$0x3FB6] =	sst s10  }
0x32: {  	s10 =	sld [smem:$0x3FB4];
	_ =	sdelay $0x3  }
0x33: {  	p0 =	seq.s32 s10, $0x1;
	s10 =	sld [smem:$0x3FB6];
	_ =	sdelay $0x3  }
0x34: {  	[smem:$0x3FB6] =	sst s10  }
0x35: {  	s10 =	sld [smem:$0x3FB5];
	_ =	sdelay $0x3  }
0x36: {  	p1 =	seq.s32 s10, $0x1;
	s10 =	sld [smem:$0x3FB6];
	_ =	sdelay $0x3  }
0x37: {  	[smem:$0x3FB6] =	sst s10  }
0x38: {  	s10 =	sld [smem:$0x3FB7]  }
0x39: {  	_ = 	snop;
	(pc) =	sbr.ind lr, $3  }
0x3a: {  	_ = 	snop  }
0x3b: {  	_ = 	snop  }
0x3c: {  	p2 =	seq.s32 s10, $0x1;
	s10 =	sld [smem:$0x3FB6]  }
0x3d: {  	_ =	shalt  }
0x3e: {  	_ =	shalt  }
0x3f: {  	_ =	shalt  }
0x40: {  	_ =	shalt  }
0x41: {  	_ =	shalt  }
0x42: {  	_ =	shalt  }
0x43: {  	_ =	shalt  }
0x44: {  	_ =	shalt  }
0x45: {  	_ =	shalt  }
0x46: {  	_ =	shalt  }
0x47: {  	_ =	shalt  }
0x48: {  	_ =	shalt  }
0x49: {  	_ =	shalt  }
0x4a: {  	_ =	shalt  }
0x4b: {  	_ =	shalt  }
0x4c: {  	_ =	shalt  }
0x4d: {  	_ =	shalt  }
0x4e: {  	_ =	shalt  }
0x4f: {  	_ =	shalt  }
0x50: {  	_ =	shalt  }
0x51: {  	_ =	shalt  }
0x52: {  	_ =	shalt  }
0x53: {  	_ =	shalt  }
0x54: {  	_ =	shalt  }
0x55: {  	_ =	shalt  }
0x56: {  	_ =	shalt  }
0x57: {  	_ =	shalt  }
0x58: {  	_ =	shalt  }
0x59: {  	_ =	shalt  }
0x5a: {  	_ =	shalt  }
0x5b: {  	_ =	shalt  }
0x5c: {  	_ =	shalt  }
0x5d: {  	_ =	shalt  }
0x5e: {  	_ =	shalt  }
0x5f: {  	_ =	shalt  }
0x60: {  	_ =	shalt  }
0x61: {  	_ =	shalt  }
0x62: {  	_ =	shalt  }
0x63: {  	_ =	shalt  }
0x64: {  	_ =	shalt  }
0x65: {  	_ =	shalt  }
0x66: {  	_ =	shalt  }
0x67: {  	_ =	shalt  }
0x68: {  	_ =	shalt  }
0x69: {  	_ =	shalt  }
0x6a: {  	_ =	shalt  }
0x6b: {  	_ =	shalt  }
0x6c: {  	_ =	shalt  }
0x6d: {  	_ =	shalt  }
0x6e: {  	_ =	shalt  }
0x6f: {  	_ =	shalt  }
0x70: {  	_ =	shalt  }
0x71: {  	_ =	shalt  }
0x72: {  	_ =	shalt  }
0x73: {  	_ =	shalt  }
0x74: {  	_ =	shalt  }
0x75: {  	_ =	shalt  }
0x76: {  	_ =	shalt  }
0x77: {  	_ =	shalt  }
0x78: {  	_ =	shalt  }
0x79: {  	_ =	shalt  }
0x7a: {  	_ =	shalt  }
0x7b: {  	_ =	shalt  }
0x7c: {  	_ =	shalt  }
0x7d: {  	_ =	shalt  }
0x7e: {  	_ =	shalt  }
0x7f: {  	_ =	shalt  }
0x80: {  	_ =	shalt  }
0x81: {  	_ =	shalt  }
0x82: {  	_ =	shalt  }
0x83: {  	_ =	shalt  }
0x84: {  	_ =	shalt  }
0x85: {  	_ =	shalt  }
0x86: {  	_ =	shalt  }
0x87: {  	_ =	shalt  }
.Lfunc_end0:
.L_simem_size_0:
called_computation_lowered:
.L_overlay_start_0:
0x88: {  	s2 =	sld [smem:$0x3FD9]  }
0x89: {  	s3 =	sld [smem:$0x3FFE];
	_ =	sdelay $0x1  }
0x8a: {  	s1 =	srdreg.scid  }
0x8b: {  	s0 =	sand.u32 $0x1, s1  }
0x8c: {  	s17 =	sshll.u32 s0, $0xA;
	s2 =	sadd.s32 s3, s2  }
0x8d: {  	s2 =	sadd.s32 s2, s17  }
0x8e: {  	[smem:$0x3FC2] =	sst s2  }
0x8f: {  	_ = 	snop  }
0x90: {  	s2 =	sld [smem:$0x3FC7]  }
0x91: {  	s18 =	sld [smem:$0x3FC6]  }
0x92: {  	s4 =	sld [smem:$0x3FD0];
	(tm) =	ssettm $0x1  }
0x93: {  	s5 =	sld [smem:$0x3FFB];
	_ =	sdelay $0x3  }
0x94: {  	_ =	strace s5  }
0x95: {  	s5 =	sld [smem:$0x3FFC];
	_ =	sdelay $0x3  }
0x96: {  	_ =	strace s5  }
0x97: {  	s5 =	sld [smem:$0x3FFD];
	_ =	sdelay $0x3  }
0x98: {  	_ =	strace s5  }
0x99: {  	_ =	strace $0x8FFFFFFF  }
0x9a: {  	s19 =	sld [smem:$0x3FDB];
	_ =	sdelay $0x1  }
0x9b: {  	s6 =	simm.s32 $_scs_section_size  }
0x9c: {  	s7 =	simm.s32 $_size__tile_overlayer_lowered;
	s8 =	simm.s32 $_tile_overlayer_lowered  }
0x9d: {  	s22 =	simm.s32 $0x1BFF;
	s21 =	sshll.u32 s8, $0x1;
	s5 =	sadd.s32 s6, s19  }
0x9e: {  	s9 =	simm.s32 $0x0;
	s20 =	sshll.u32 s7, $0x1;
	s7 =	sadd.s32 s21, s5  }
0x9f: {  	[timem:s9], [sflag:s22] =	dma.local [hbm:s7], s20  }
0xa0: {  	_ =	swait.ge [sflag:s22], s20  }
0xa1: {  	s6 =	ssub.s32 $0x0, s20;
	[sflag:s22] =	ssyncset.done $0x0  }
0xa2: {  	[sflag:s22] =	ssyncadd.s32 s6;
	_ =	sdelay $0x1  }
0xa3: {  	s23 =	simm.s32 $0x1B8B  }
0xa4: {  	_ =	swait.ge [sflag:s23], $0x1  }
0xa5: {  	[sflag:s23] =	ssyncset.done $0x0  }
0xa6: {  	s25 =	simm.s32 $0x1B8E;
	s24 =	sld [smem:$0x3FFE];
	[sflag:s23] =	ssyncadd.s32 $0xFFFFFFFF  }
0xa7: {  	s26 =	simm.s32 $execute0_lowered;
	[smem:$0x3FD2] =	sst s25  }
0xa8: {  	s7 =	sshll.u32 s26, $0x1;
	_ =	strace $0x80000046;
	[dreg:$0x1] =	wrdreg $0xFFFFFFFF  }
0xa9: {  	s28 =	simm.s32 $_size_execute0_lowered;
	s5 =	sadd.s32 s5, s7;
	[dreg:$0x0] =	wrdreg $0x0  }
0xaa: {  	s7 =	sshll.u32 s28, $0x1;
	[dreg:$0x2] =	wrdreg s5  }
0xab: {  	[dreg:$0x3] =	wrdreg s7  }
0xac: {  	[dreg:$0x4] =	wrdreg $0xC0  }
0xad: {  	_ =	task [dreg:s9], $0x5FFFF  }
0xae: {  	[dreg:$0x1] =	wrdreg $0xFFFFFFFF  }
0xaf: {  	[dreg:$0x0] =	wrdreg $0x60  }
0xb0: {  	[dreg:$0x2] =	wrdreg s2  }
0xb1: {  	[dreg:$0x3] =	wrdreg s18  }
0xb2: {  	[dreg:$0x4] =	wrdreg s24  }
0xb3: {  	[dreg:$0x5] =	wrdreg s4  }
0xb4: {  	[dreg:$0x6] =	wrdreg $0x7B800  }
0xb5: {  	[dreg:$0x7] =	wrdreg $0x9  }
0xb6: {  	_ =	task.clear_ibuf [dreg:s9], $0x8FFFF;
	_ =	strace $0x90000046  }
0xb7: {  	s29 =	simm.s32 $0x9;
	_ =	strace $0x80000048  }
0xb8: {  	_ =	swait.ge [sflag:s29], $0x1  }
0xb9: {  	[sflag:s29] =	ssyncadd.s32 $0xFFFFFFFF  }
0xba: {  	_ =	strace $0x90000048  }
0xbb: {  	_ =	sfence  }
0xbc: {  	s30 =	sld [smem:$0x0];
	_ =	sdelay $0x2  }
0xbd: {  	s31 =	sshll.u32 s1, $0xD;
	s1 =	sshrl.u32 s1, $0x2  }
0xbe: {  	s3 =	sand.u32 $0x4000, s31;
	s1 =	sadd.s32 s1, s30  }
0xbf: {  	s0 =	sor.u32 s3, s0;
	s1 =	sshll.u32 s1, $0x11  }
0xc0: {  	s0 =	sor.u32 s1, s0  }
0xc1: {  	s0 =	sadd.s32 $0x8F2B, s0  }
0xc2: {  	[sflag:s0] =	ssyncadd.remote.s32 $0x1  }
0xc3: {  	_ =	sfence.sel $0xFFFF  }
0xc4: {  	[dreg:$0x0] =	wrdreg $0xFFFFFFFF;
	(pc) =	sbr.abs _section_cstart, $3  }
0xc5: {  	[dreg:$0x1] =	wrdreg $0xFFFFFFFF  }
0xc6: {  	_ =	task.clear_ibuf [dreg:s9], $0x2FFFF;
	_ =	strace $0x9FFFFFFF  }
0xc7: {  	(tm) =	ssettm $0x7FFFFFFF  }
tec
execute0_lowered:
.L_overlay_start_1:
0x0: {  	(tag) =	ssettag $0x1  }
0x1: {  	s1 =	rddreg [dreg:$0x0]  }
0x2: {  	s2 =	rddreg [dreg:$0x1]  }
0x3: {  	s7 =	rddreg [dreg:$0x2]  }
0x4: {  	s3 =	rddreg [dreg:$0x3]  }
0x5: {  	s4 =	rddreg [dreg:$0x4];
	s5 =	simm.s32 $0x0  }
0x6: {  	s6 =	srdreg.scid;
	s12 =	stileid.u32;
	s13 =	simm.s32 $0x80  }
0x7: {  	s14 =	simm.s32 $0x1;
	s15 =	simm.s32 $0x400;
	s16 =	simm.s32 $0x7A1400  }
0x8: {  	s17 =	simm.s32 $0x880;
	s18 =	simm.s32 $0x3880;
	s19 =	simm.s32 $0x3C80  }
0x9: {  	s20 =	simm.s32 $0x6C80;
	s21 =	simm.s32 $0x2;
	s22 =	simm.s32 $0x7080  }
0xa: {  	s23 =	simm.s32 $0x7900;
	s24 =	simm.s32 $0x7980;
	s25 =	simm.s32 $0x7100  }
0xb: {  	s26 =	simm.s32 $0x7A00;
	[smem:$0x7FF] =	sst s5;
	s6 =	sand.u32 $0x1, s6  }
0xc: {  	s8 =	sshll.u32 s12, $0x1;
	s9 =	sshll.u32 s12, $0x8;
	s31 =	sshll.u32 s12, $0x7  }
.Ltmp0:
0xd: {  	v0 =	vlaneseq.u32;
	p0 =	sne.s32 s12, $0x0;
	s12 =	simm.s32 $0x3;
	(pc) =	sbr.rel .LBB2_1-.Ltmp0, $4  }
0xe: {  	v0 =	vmul.u32 $0x80, v0;
	_ =	strace $0x80000047;
	s10 =	ssub.s32 $0x2, s6;
	s8 =	sadd.s32 s8, s7  }
0xf: {  	s9 =	sadd.s32 s9, s7;
	s6 =	sadd.s32 $0x600, s7;
	s11 =	sshrl.u32 s10, $0x1  }
0x10: {  	s7 =	sadd.s32 $0x800, s7;
	s8 =	sadd.s32 $0x400, s8;
	v56 =	vor.u32 $0x800, v0;
	v2 =	vor.u32 $0x1000, v0;
	v3 =	vor.u32 $0x1800, v0;
	s11 =	ssub.s32 s10, s11  }
0x11: {  	s9 =	sadd.s32 $0xA00, s9;
	v4 =	vor.u32 $0x2000, v0;
	v5 =	vor.u32 $0x2800, v0;
	v6 =	vadd.s32 $0x2A00, v0;
	s10 =	sadd.s32 s31, s4;
	s11 =	smax.u32 s11, $0x1  }
.LBB2_3:
0x12: {  	s11 =	sadd.s32 $0xFFFFFFFF, s11  }
0x13: {  	p1 =	sne.s32 s11, $0x0  }
.Ltmp1:
0x14: {  	_ = 	snop;
	(pc) =	sbr.rel @!p1 .LBB2_4-.Ltmp1, $1  }
0x15: {  	_ =	sdelay $0x3  }
.LBB2_1:
0x16: {  	[tilespmem:s5], [sflag:$0x3] =	stream.linear.gather [hbm4b:s8+s5], $0x10, $0x38;
	[tilespmem:$0x7BF0] =	vst v63  }
0x17: {  	_ =	swait.ge [sflag:s12], $0x10  }
0x18: {  	[sflag:s12] =	ssyncset.done $0x0  }
0x19: {  	[sflag:s12] =	ssyncadd.s32 $0xFFFFFFF0  }
0x1a: {  	[tilespmem:s13], [sflag:$0x3] =	stream.linear.gather [hbm4b:s9+s5], $0x800, $0x38;
	[tilespmem:$0x7BF0] =	vst v63  }
0x1b: {  	_ =	swait.ge [sflag:s12], $0x800  }
0x1c: {  	[sflag:s12] =	ssyncset.done $0x0  }
0x1d: {  	[sflag:s12] =	ssyncadd.s32 $0xFFFFF800  }
0x1e: {  	v10 =	vld [tilespmem:$0x0];
	_ =	sdelay $0x4  }
0x1f: {  	(v2sf) =	vpush v10, $0x0;
	_ =	sdelay $0xe  }
0x20: {  	s28 =	spop (v2sf)  }
0x21: {  	s29 =	sand.u32 $0x7F, s28  }
0x22: {  	s30 =	sshra.s32 s28, $0x1F;
	p1 =	slt.s32 s28, $0x1;
	p2 =	sne.s32 s29, $0x0  }
0x23: {  	s31 =	sshrl.u32 s30, $0x19;
	p1 =	por !p1, !p2  }
0x24: {  	s30 =	simm.s32 $0x1;
	s29 =	sadd.s32 s31, s28;
	p1 =	por !p1, !p1  }
0x25: {  	s29 =	sshrl.u32 s29, $0x7;
	s30 =	simm.s32 @!p1 $0x0  }
0x26: {  	s29 =	ssub.s32 s29, s30  }
0x27: {  	s29 =	sshll.u32 s29, $0x7  }
0x28: {  	s0 =	sand.u32 $0x1FFFFF80, s29  }
0x29: {  	s30 =	sadd.s32 s2, s0  }
0x2a: {  	[tilespmem:s17], [sflag:$0x1] =	stream.strided.gather [hbm4b:s30+s15], $0x3000, s16, s15, $0x38;
	[tilespmem:$0x7BF0] =	vst v63  }
0x2b: {  	s30 =	sadd.s32 $0xB71E00, s30  }
0x2c: {  	[tilespmem:s18], [sflag:$0x1] =	stream.linear.gather [hbm4b:s30+s5], $0x200, $0x38;
	[tilespmem:$0x7BF0] =	vst v63  }
0x2d: {  	_ =	swait.ge [sflag:s14], $0x3200  }
0x2e: {  	(v2sf) =	vpush v10, $0x1;
	_ =	sdelay $0xe  }
0x2f: {  	s30 =	spop (v2sf)  }
0x30: {  	s31 =	sand.u32 $0x7F, s30  }
0x31: {  	s0 =	sshra.s32 s30, $0x1F;
	p5 =	slt.s32 s30, $0x1;
	p6 =	sne.s32 s31, $0x0  }
0x32: {  	s0 =	sshrl.u32 s0, $0x19;
	p1 =	por !p5, !p6  }
0x33: {  	s31 =	simm.s32 $0x1;
	s0 =	sadd.s32 s0, s30;
	p1 =	por !p1, !p1  }
0x34: {  	s0 =	sshrl.u32 s0, $0x7;
	s31 =	simm.s32 @!p1 $0x0  }
0x35: {  	s0 =	ssub.s32 s0, s31  }
0x36: {  	s28 =	ssub.s32 s28, s29;
	s0 =	sshll.u32 s0, $0x7  }
0x37: {  	v1 =	vadd.s32 s28, v0;
	[sflag:s14] =	ssyncset.done $0x0;
	s31 =	sand.u32 $0x1FFFFF80, s0  }
0x38: {  	v8 =	vadd.s32 s28, v2;
	[sflag:s14] =	ssyncadd.s32 $0xFFFFCE00;
	s29 =	sadd.s32 s2, s31  }
0x39: {  	v7 =	vadd.s32 s28, v56;
	[tilespmem:s19], [sflag:$0x2] =	stream.strided.gather [hbm4b:s29+s15], $0x3000, s16, s15, $0x38;
	[tilespmem:$0x7BF0] =	vst v63  }
0x3a: {  	s29 =	sadd.s32 $0xB71E00, s29  }
0x3b: {  	[tilespmem:s20], [sflag:$0x2] =	stream.linear.gather [hbm4b:s29+s5], $0x200, $0x38;
	[tilespmem:$0x7BF0] =	vst v63  }
0x3c: {  	v1 =	vld.idx.msk [tilespmem:v1+s17+$0x0], $0xffff  }
0x3d: {  	v9 =	vadd.s32 s28, v3;
	v8 =	vld.idx.msk [tilespmem:v8+s17+$0x0], $0xffff  }
0x3e: {  	v7 =	vld.idx.msk [tilespmem:v7+s17+$0x0], $0xffff;
	_ =	sdelay $0x2  }
0x3f: {  	v11 =	vadd.s32 s28, v4;
	[tilespmem:$0x1FEC0] =	vst v1  }
0x40: {  	v1 =	vadd.s32 s28, v5;
	[tilespmem:$0x1FDD0] =	vst v8;
	v8 =	vld.idx.msk [tilespmem:v9+s17+$0x0], $0xffff  }
0x41: {  	[tilespmem:$0x1FEB0] =	vst v7;
	v7 =	vadd.s32 s28, v6;
	_ =	sdelay $0x1  }
0x42: {  	v12 =	vld [tilespmem:$0x80]  }
0x43: {  	v59 =	vld.idx.msk [tilespmem:v11+s17+$0x0], $0xffff  }
0x44: {  	[tilespmem:$0x1FDB0] =	vst v8;
	v62 =	vld.idx.msk [tilespmem:v1+s17+$0x0], $0xffff  }
0x45: {  	v60 =	vld.idx.msk [tilespmem:v7+s17+$0x0], $0xffff;
	_ =	swait.ge [sflag:s21], $0x3200  }
0x46: {  	(v2sf) =	vpush v10, $0x2;
	_ =	sdelay $0xe  }
0x47: {  	s28 =	spop (v2sf)  }
0x48: {  	s29 =	sand.u32 $0x7F, s28  }
0x49: {  	s31 =	sshra.s32 s28, $0x1F;
	p3 =	slt.s32 s28, $0x1;
	p4 =	sne.s32 s29, $0x0  }
0x4a: {  	s31 =	sshrl.u32 s31, $0x19;
	p1 =	por !p3, !p4  }
0x4b: {  	s29 =	sadd.s32 s31, s28;
	s31 =	simm.s32 $0x1;
	p1 =	por !p1, !p1  }
0x4c: {  	s29 =	sshrl.u32 s29, $0x7;
	s31 =	simm.s32 @!p1 $0x0  }
0x4d: {  	s29 =	ssub.s32 s29, s31  }
0x4e: {  	s0 =	ssub.s32 s30, s0;
	s29 =	sshll.u32 s29, $0x7  }
0x4f: {  	v1 =	vadd.s32 s0, v0;
	[sflag:s21] =	ssyncset.done $0x0;
	s31 =	sand.u32 $0x1FFFFF80, s29  }
0x50: {  	[sflag:s21] =	ssyncadd.s32 $0xFFFFCE00;
	s30 =	sadd.s32 s2, s31  }
0x51: {  	[tilespmem:s17], [sflag:$0x1] =	stream.strided.gather [hbm4b:s30+s15], $0x3000, s16, s15, $0x38;
	[tilespmem:$0x7BF0] =	vst v63  }
0x52: {  	s30 =	sadd.s32 $0xB71E00, s30  }
0x53: {  	v8 =	vadd.s32 s0, v2;
	[tilespmem:s18], [sflag:$0x1] =	stream.linear.gather [hbm4b:s30+s5], $0x200, $0x38;
	[tilespmem:$0x7BF0] =	vst v63  }
0x54: {  	v7 =	vadd.s32 s0, v56;
	v1 =	vld.idx.msk [tilespmem:v1+s19+$0x0], $0xffff;
	_ =	sdelay $0x3  }
0x55: {  	v58 =	vadd.s32 s0, v3;
	v8 =	vld.idx.msk [tilespmem:v8+s19+$0x0], $0xffff  }
0x56: {  	v7 =	vld.idx.msk [tilespmem:v7+s19+$0x0], $0xffff;
	[tilespmem:$0x1FEE0] =	vst v1;
	v1 =	vadd.s32 s0, v5;
	_ =	sdelay $0x3  }
0x57: {  	v13 =	vadd.s32 s0, v4;
	[tilespmem:$0x1FDF0] =	vst v8;
	v8 =	vld.idx.msk [tilespmem:v58+s19+$0x0], $0xffff  }
0x58: {  	[tilespmem:$0x1FED0] =	vst v7;
	v7 =	vadd.s32 s0, v6;
	v1 =	vld.idx.msk [tilespmem:v1+s19+$0x0], $0xffff;
	_ =	sdelay $0x3  }
0x59: {  	[tilespmem:$0x1FDC0] =	vst v8;
	v8 =	vld.idx.msk [tilespmem:v13+s19+$0x0], $0xffff  }
0x5a: {  	[tilespmem:$0x1FD20] =	vst v1;
	v1 =	vld.idx.msk [tilespmem:v7+s19+$0x0], $0xffff;
	_ =	sdelay $0x3  }
0x5b: {  	[tilespmem:$0x1FD50] =	vst v8  }
0x5c: {  	[tilespmem:$0x1FCF0] =	vst v1  }
0x5d: {  	v11 =	vld [tilespmem:$0x100];
	_ =	swait.ge [sflag:s14], $0x3200  }
0x5e: {  	(v2sf) =	vpush v10, $0x3;
	_ =	sdelay $0xe  }
0x5f: {  	s0 =	spop (v2sf)  }
0x60: {  	s30 =	sand.u32 $0x7F, s0  }
0x61: {  	s31 =	sshra.s32 s0, $0x1F;
	p5 =	slt.s32 s0, $0x1;
	p6 =	sne.s32 s30, $0x0  }
0x62: {  	s31 =	sshrl.u32 s31, $0x19;
	p1 =	por !p5, !p6  }
0x63: {  	s30 =	sadd.s32 s31, s0;
	s31 =	simm.s32 $0x1;
	p1 =	por !p1, !p1  }
0x64: {  	s30 =	sshrl.u32 s30, $0x7;
	s31 =	simm.s32 @!p1 $0x0  }
0x65: {  	s30 =	ssub.s32 s30, s31  }
0x66: {  	s28 =	ssub.s32 s28, s29;
	s30 =	sshll.u32 s30, $0x7  }
0x67: {  	v1 =	vadd.s32 s28, v0;
	[sflag:s14] =	ssyncset.done $0x0;
	s31 =	sand.u32 $0x1FFFFF80, s30  }
0x68: {  	[sflag:s14] =	ssyncadd.s32 $0xFFFFCE00;
	s29 =	sadd.s32 s2, s31  }
0x69: {  	[tilespmem:s19], [sflag:$0x2] =	stream.strided.gather [hbm4b:s29+s15], $0x3000, s16, s15, $0x38;
	[tilespmem:$0x7BF0] =	vst v63  }
0x6a: {  	s29 =	sadd.s32 $0xB71E00, s29  }
0x6b: {  	v8 =	vadd.s32 s28, v2;
	[tilespmem:s20], [sflag:$0x2] =	stream.linear.gather [hbm4b:s29+s5], $0x200, $0x38;
	[tilespmem:$0x7BF0] =	vst v63  }
0x6c: {  	v7 =	vadd.s32 s28, v56;
	v1 =	vld.idx.msk [tilespmem:v1+s17+$0x0], $0xffff;
	_ =	sdelay $0x3  }
0x6d: {  	v61 =	vadd.s32 s28, v3;
	v8 =	vld.idx.msk [tilespmem:v8+s17+$0x0], $0xffff  }
0x6e: {  	v7 =	vld.idx.msk [tilespmem:v7+s17+$0x0], $0xffff;
	[tilespmem:$0x1FF00] =	vst v1;
	v1 =	vadd.s32 s28, v5;
	_ =	sdelay $0x3  }
0x6f: {  	v63 =	vadd.s32 s28, v4;
	[tilespmem:$0x1FE10] =	vst v8;
	v8 =	vld.idx.msk [tilespmem:v61+s17+$0x0], $0xffff  }
0x70: {  	[tilespmem:$0x1FEF0] =	vst v7;
	v7 =	vadd.s32 s28, v6;
	v1 =	vld.idx.msk [tilespmem:v1+s17+$0x0], $0xffff;
	_ =	sdelay $0x3  }
0x71: {  	[tilespmem:$0x1FDE0] =	vst v8;
	v8 =	vld.idx.msk [tilespmem:v63+s17+$0x0], $0xffff  }
0x72: {  	[tilespmem:$0x1FD30] =	vst v1;
	v1 =	vld.idx.msk [tilespmem:v7+s17+$0x0], $0xffff;
	_ =	sdelay $0x3  }
0x73: {  	[tilespmem:$0x1FD70] =	vst v8  }
0x74: {  	[tilespmem:$0x1FD00] =	vst v1  }
0x75: {  	v16 =	vld [tilespmem:$0x180];
	_ =	swait.ge [sflag:s21], $0x3200  }
0x76: {  	(v2sf) =	vpush v10, $0x4;
	_ =	sdelay $0xe  }
0x77: {  	s28 =	spop (v2sf)  }
0x78: {  	s29 =	sand.u32 $0x7F, s28  }
0x79: {  	s31 =	sshra.s32 s28, $0x1F;
	p3 =	slt.s32 s28, $0x1;
	p4 =	sne.s32 s29, $0x0  }
0x7a: {  	s31 =	sshrl.u32 s31, $0x19;
	p1 =	por !p3, !p4  }
0x7b: {  	s29 =	sadd.s32 s31, s28;
	s31 =	simm.s32 $0x1;
	p1 =	por !p1, !p1  }
0x7c: {  	s29 =	sshrl.u32 s29, $0x7;
	s31 =	simm.s32 @!p1 $0x0  }
0x7d: {  	s29 =	ssub.s32 s29, s31  }
0x7e: {  	s0 =	ssub.s32 s0, s30;
	s29 =	sshll.u32 s29, $0x7  }
0x7f: {  	v1 =	vadd.s32 s0, v0;
	[sflag:s21] =	ssyncset.done $0x0;
	s31 =	sand.u32 $0x1FFFFF80, s29  }
0x80: {  	[sflag:s21] =	ssyncadd.s32 $0xFFFFCE00;
	s30 =	sadd.s32 s2, s31  }
0x81: {  	[tilespmem:s17], [sflag:$0x1] =	stream.strided.gather [hbm4b:s30+s15], $0x3000, s16, s15, $0x38;
	[tilespmem:$0x7BF0] =	vst v63  }
0x82: {  	s30 =	sadd.s32 $0xB71E00, s30  }
0x83: {  	v8 =	vadd.s32 s0, v2;
	[tilespmem:s18], [sflag:$0x1] =	stream.linear.gather [hbm4b:s30+s5], $0x200, $0x38;
	[tilespmem:$0x7BF0] =	vst v63  }
0x84: {  	v7 =	vadd.s32 s0, v56;
	v1 =	vld.idx.msk [tilespmem:v1+s19+$0x0], $0xffff;
	_ =	sdelay $0x3  }
0x85: {  	v17 =	vadd.s32 s0, v3;
	v8 =	vld.idx.msk [tilespmem:v8+s19+$0x0], $0xffff  }
0x86: {  	v7 =	vld.idx.msk [tilespmem:v7+s19+$0x0], $0xffff;
	[tilespmem:$0x1FF20] =	vst v1;
	v1 =	vadd.s32 s0, v5;
	_ =	sdelay $0x3  }
0x87: {  	v22 =	vadd.s32 s0, v4;
	[tilespmem:$0x1FE30] =	vst v8;
	v8 =	vld.idx.msk [tilespmem:v17+s19+$0x0], $0xffff  }
0x88: {  	[tilespmem:$0x1FF10] =	vst v7;
	v7 =	vadd.s32 s0, v6;
	v1 =	vld.idx.msk [tilespmem:v1+s19+$0x0], $0xffff;
	_ =	sdelay $0x3  }
0x89: {  	[tilespmem:$0x1FE00] =	vst v8;
	v8 =	vld.idx.msk [tilespmem:v22+s19+$0x0], $0xffff  }
0x8a: {  	[tilespmem:$0x1FD40] =	vst v1;
	v1 =	vld.idx.msk [tilespmem:v7+s19+$0x0], $0xffff;
	_ =	sdelay $0x3  }
0x8b: {  	[tilespmem:$0x1FD80] =	vst v8  }
0x8c: {  	[tilespmem:$0x1FD10] =	vst v1  }
0x8d: {  	v20 =	vld [tilespmem:$0x200];
	_ =	swait.ge [sflag:s14], $0x3200  }
0x8e: {  	(v2sf) =	vpush v10, $0x5;
	_ =	sdelay $0xe  }
0x8f: {  	s0 =	spop (v2sf)  }
0x90: {  	s30 =	sand.u32 $0x7F, s0  }
0x91: {  	s31 =	sshra.s32 s0, $0x1F;
	p5 =	slt.s32 s0, $0x1;
	p6 =	sne.s32 s30, $0x0  }
0x92: {  	s31 =	sshrl.u32 s31, $0x19;
	p1 =	por !p5, !p6  }
0x93: {  	s30 =	sadd.s32 s31, s0;
	s31 =	simm.s32 $0x1;
	p1 =	por !p1, !p1  }
0x94: {  	s30 =	sshrl.u32 s30, $0x7;
	s31 =	simm.s32 @!p1 $0x0  }
0x95: {  	s30 =	ssub.s32 s30, s31  }
0x96: {  	s28 =	ssub.s32 s28, s29;
	s30 =	sshll.u32 s30, $0x7  }
0x97: {  	v8 =	vadd.s32 s28, v2;
	[sflag:s14] =	ssyncset.done $0x0;
	s31 =	sand.u32 $0x1FFFFF80, s30  }
0x98: {  	v1 =	vadd.s32 s28, v0;
	[sflag:s14] =	ssyncadd.s32 $0xFFFFCE00;
	s29 =	sadd.s32 s2, s31  }
0x99: {  	[tilespmem:s19], [sflag:$0x2] =	stream.strided.gather [hbm4b:s29+s15], $0x3000, s16, s15, $0x38;
	[tilespmem:$0x7BF0] =	vst v63  }
0x9a: {  	s29 =	sadd.s32 $0xB71E00, s29  }
0x9b: {  	[tilespmem:s20], [sflag:$0x2] =	stream.linear.gather [hbm4b:s29+s5], $0x200, $0x38;
	[tilespmem:$0x7BF0] =	vst v63  }
0x9c: {  	v23 =	vadd.s32 s28, v3;
	v8 =	vld.idx.msk [tilespmem:v8+s17+$0x0], $0xffff  }
0x9d: {  	v1 =	vld.idx.msk [tilespmem:v1+s17+$0x0], $0xffff  }
0x9e: {  	v7 =	vadd.s32 s28, v56;
	_ =	sdelay $0x2  }
0x9f: {  	v26 =	vadd.s32 s28, v4;
	[tilespmem:$0x1FE50] =	vst v8;
	v8 =	vld.idx.msk [tilespmem:v23+s17+$0x0], $0xffff  }
0xa0: {  	[tilespmem:$0x1FF40] =	vst v1;
	v1 =	vadd.s32 s28, v5  }
0xa1: {  	v7 =	vld.idx.msk [tilespmem:v7+s17+$0x0], $0xffff;
	_ =	sdelay $0x2  }
0xa2: {  	[tilespmem:$0x1FE20] =	vst v8;
	v8 =	vld.idx.msk [tilespmem:v26+s17+$0x0], $0xffff  }
0xa3: {  	v1 =	vld.idx.msk [tilespmem:v1+s17+$0x0], $0xffff  }
0xa4: {  	[tilespmem:$0x1FF30] =	vst v7;
	v7 =	vadd.s32 s28, v6;
	_ =	sdelay $0x2  }
0xa5: {  	[tilespmem:$0x1FD90] =	vst v8  }
0xa6: {  	v25 =	vld [tilespmem:$0x280];
	[tilespmem:$0x1FD60] =	vst v1  }
0xa7: {  	v52 =	vld.idx.msk [tilespmem:v7+s17+$0x0], $0xffff;
	_ =	swait.ge [sflag:s21], $0x3200  }
0xa8: {  	(v2sf) =	vpush v10, $0x6;
	_ =	sdelay $0xe  }
0xa9: {  	s28 =	spop (v2sf)  }
0xaa: {  	s29 =	sand.u32 $0x7F, s28  }
0xab: {  	s31 =	sshra.s32 s28, $0x1F;
	p3 =	slt.s32 s28, $0x1;
	p4 =	sne.s32 s29, $0x0  }
0xac: {  	s31 =	sshrl.u32 s31, $0x19;
	p1 =	por !p3, !p4  }
0xad: {  	s29 =	sadd.s32 s31, s28;
	s31 =	simm.s32 $0x1;
	p1 =	por !p1, !p1  }
0xae: {  	s29 =	sshrl.u32 s29, $0x7;
	s31 =	simm.s32 @!p1 $0x0  }
0xaf: {  	s29 =	ssub.s32 s29, s31  }
0xb0: {  	s0 =	ssub.s32 s0, s30;
	s29 =	sshll.u32 s29, $0x7  }
0xb1: {  	v8 =	vadd.s32 s0, v2;
	[sflag:s21] =	ssyncset.done $0x0;
	s31 =	sand.u32 $0x1FFFFF80, s29  }
0xb2: {  	[sflag:s21] =	ssyncadd.s32 $0xFFFFCE00;
	s30 =	sadd.s32 s2, s31  }
0xb3: {  	[tilespmem:s17], [sflag:$0x1] =	stream.strided.gather [hbm4b:s30+s15], $0x3000, s16, s15, $0x38;
	[tilespmem:$0x7BF0] =	vst v63  }
0xb4: {  	s30 =	sadd.s32 $0xB71E00, s30  }
0xb5: {  	v1 =	vadd.s32 s0, v0;
	[tilespmem:s18], [sflag:$0x1] =	stream.linear.gather [hbm4b:s30+s5], $0x200, $0x38;
	[tilespmem:$0x7BF0] =	vst v63  }
0xb6: {  	v27 =	vadd.s32 s0, v3;
	v8 =	vld.idx.msk [tilespmem:v8+s19+$0x0], $0xffff  }
0xb7: {  	v7 =	vadd.s32 s0, v56;
	_ =	sdelay $0x2  }
0xb8: {  	v1 =	vld.idx.msk [tilespmem:v1+s19+$0x0], $0xffff  }
0xb9: {  	v28 =	vadd.s32 s0, v4;
	[tilespmem:$0x1FE70] =	vst v8;
	v8 =	vld.idx.msk [tilespmem:v27+s19+$0x0], $0xffff  }
0xba: {  	v7 =	vld.idx.msk [tilespmem:v7+s19+$0x0], $0xffff;
	_ =	sdelay $0x2  }
0xbb: {  	[tilespmem:$0x1FF60] =	vst v1  }
0xbc: {  	v1 =	vadd.s32 s0, v5;
	[tilespmem:$0x1FE40] =	vst v8;
	v8 =	vld.idx.msk [tilespmem:v28+s19+$0x0], $0xffff  }
0xbd: {  	[tilespmem:$0x1FF50] =	vst v7;
	v7 =	vadd.s32 s0, v6;
	_ =	sdelay $0x2  }
0xbe: {  	v30 =	vld [tilespmem:$0x300]  }
0xbf: {  	v57 =	vld.idx.msk [tilespmem:v1+s19+$0x0], $0xffff;
	[tilespmem:$0x1FDA0] =	vst v8  }
0xc0: {  	v32 =	vld.idx.msk [tilespmem:v7+s19+$0x0], $0xffff;
	_ =	swait.ge [sflag:s14], $0x3200  }
0xc1: {  	(v2sf) =	vpush v10, $0x7;
	_ =	sdelay $0xe  }
0xc2: {  	s0 =	spop (v2sf)  }
0xc3: {  	s30 =	sand.u32 $0x7F, s0  }
0xc4: {  	s31 =	sshra.s32 s0, $0x1F;
	p5 =	slt.s32 s0, $0x1;
	p6 =	sne.s32 s30, $0x0  }
0xc5: {  	s31 =	sshrl.u32 s31, $0x19;
	p1 =	por !p5, !p6  }
0xc6: {  	s30 =	sadd.s32 s31, s0;
	s31 =	simm.s32 $0x1;
	p1 =	por !p1, !p1  }
0xc7: {  	s30 =	sshrl.u32 s30, $0x7;
	s31 =	simm.s32 @!p1 $0x0  }
0xc8: {  	s30 =	ssub.s32 s30, s31  }
0xc9: {  	s28 =	ssub.s32 s28, s29;
	s30 =	sshll.u32 s30, $0x7  }
0xca: {  	v1 =	vadd.s32 s28, v0;
	[sflag:s14] =	ssyncset.done $0x0;
	s31 =	sand.u32 $0x1FFFFF80, s30  }
0xcb: {  	v8 =	vadd.s32 s28, v2;
	[sflag:s14] =	ssyncadd.s32 $0xFFFFCE00;
	s29 =	sadd.s32 s2, s31  }
0xcc: {  	v7 =	vadd.s32 s28, v56;
	[tilespmem:s19], [sflag:$0x2] =	stream.strided.gather [hbm4b:s29+s15], $0x3000, s16, s15, $0x38;
	[tilespmem:$0x7BF0] =	vst v63  }
0xcd: {  	s29 =	sadd.s32 $0xB71E00, s29  }
0xce: {  	[tilespmem:s20], [sflag:$0x2] =	stream.linear.gather [hbm4b:s29+s5], $0x200, $0x38;
	[tilespmem:$0x7BF0] =	vst v63  }
0xcf: {  	v1 =	vld.idx.msk [tilespmem:v1+s17+$0x0], $0xffff  }
0xd0: {  	v29 =	vadd.s32 s28, v3;
	v8 =	vld.idx.msk [tilespmem:v8+s17+$0x0], $0xffff  }
0xd1: {  	v7 =	vld.idx.msk [tilespmem:v7+s17+$0x0], $0xffff;
	_ =	sdelay $0x2  }
0xd2: {  	v31 =	vadd.s32 s28, v4;
	[tilespmem:$0x1FF80] =	vst v1  }
0xd3: {  	v1 =	vadd.s32 s28, v5;
	[tilespmem:$0x1FE90] =	vst v8;
	v8 =	vld.idx.msk [tilespmem:v29+s17+$0x0], $0xffff  }
0xd4: {  	[tilespmem:$0x1FF70] =	vst v7;
	v7 =	vadd.s32 s28, v6;
	_ =	sdelay $0x1  }
0xd5: {  	v38 =	vld [tilespmem:$0x380]  }
0xd6: {  	v54 =	vld.idx.msk [tilespmem:v31+s17+$0x0], $0xffff  }
0xd7: {  	[tilespmem:$0x1FE60] =	vst v8;
	v50 =	vld.idx.msk [tilespmem:v1+s17+$0x0], $0xffff  }
0xd8: {  	v27 =	vld.idx.msk [tilespmem:v7+s17+$0x0], $0xffff;
	_ =	swait.ge [sflag:s21], $0x3200  }
0xd9: {  	(v2sf) =	vpush v10, $0x8;
	_ =	sdelay $0xe  }
0xda: {  	s28 =	spop (v2sf)  }
0xdb: {  	s29 =	sand.u32 $0x7F, s28  }
0xdc: {  	s31 =	sshra.s32 s28, $0x1F;
	p3 =	slt.s32 s28, $0x1;
	p4 =	sne.s32 s29, $0x0  }
0xdd: {  	s31 =	sshrl.u32 s31, $0x19;
	p1 =	por !p3, !p4  }
0xde: {  	s29 =	sadd.s32 s31, s28;
	s31 =	simm.s32 $0x1;
	p1 =	por !p1, !p1  }
0xdf: {  	s29 =	sshrl.u32 s29, $0x7;
	s31 =	simm.s32 @!p1 $0x0  }
0xe0: {  	s29 =	ssub.s32 s29, s31  }
0xe1: {  	s0 =	ssub.s32 s0, s30;
	s29 =	sshll.u32 s29, $0x7  }
0xe2: {  	v1 =	vadd.s32 s0, v0;
	[sflag:s21] =	ssyncset.done $0x0;
	s31 =	sand.u32 $0x1FFFFF80, s29  }
0xe3: {  	v8 =	vadd.s32 s0, v2;
	[sflag:s21] =	ssyncadd.s32 $0xFFFFCE00;
	s30 =	sadd.s32 s2, s31  }
0xe4: {  	v7 =	vadd.s32 s0, v56;
	[tilespmem:s17], [sflag:$0x1] =	stream.strided.gather [hbm4b:s30+s15], $0x3000, s16, s15, $0x38;
	[tilespmem:$0x7BF0] =	vst v63  }
0xe5: {  	s30 =	sadd.s32 $0xB71E00, s30  }
0xe6: {  	[tilespmem:s18], [sflag:$0x1] =	stream.linear.gather [hbm4b:s30+s5], $0x200, $0x38;
	[tilespmem:$0x7BF0] =	vst v63  }
0xe7: {  	v1 =	vld.idx.msk [tilespmem:v1+s19+$0x0], $0xffff  }
0xe8: {  	v33 =	vadd.s32 s0, v3;
	v8 =	vld.idx.msk [tilespmem:v8+s19+$0x0], $0xffff  }
0xe9: {  	v7 =	vld.idx.msk [tilespmem:v7+s19+$0x0], $0xffff;
	_ =	sdelay $0x1  }
0xea: {  	v34 =	vadd.s32 s0, v4  }
0xeb: {  	[tilespmem:$0x1FFA0] =	vst v1  }
0xec: {  	v1 =	vadd.s32 s0, v5;
	[tilespmem:$0x1FEA0] =	vst v8;
	v8 =	vld.idx.msk [tilespmem:v33+s19+$0x0], $0xffff  }
0xed: {  	[tilespmem:$0x1FF90] =	vst v7;
	v7 =	vadd.s32 s0, v6;
	_ =	sdelay $0x1  }
0xee: {  	v45 =	vld.idx.msk [tilespmem:v34+s19+$0x0], $0xffff  }
0xef: {  	v49 =	vld [tilespmem:$0x400]  }
0xf0: {  	[tilespmem:$0x1FE80] =	vst v8;
	v29 =	vld.idx.msk [tilespmem:v1+s19+$0x0], $0xffff  }
0xf1: {  	v24 =	vld.idx.msk [tilespmem:v7+s19+$0x0], $0xffff;
	_ =	swait.ge [sflag:s14], $0x3200  }
0xf2: {  	(v2sf) =	vpush v10, $0x9;
	_ =	sdelay $0xe  }
0xf3: {  	s0 =	spop (v2sf)  }
0xf4: {  	s30 =	sand.u32 $0x7F, s0  }
0xf5: {  	s31 =	sshra.s32 s0, $0x1F;
	p5 =	slt.s32 s0, $0x1;
	p6 =	sne.s32 s30, $0x0  }
0xf6: {  	s31 =	sshrl.u32 s31, $0x19;
	p1 =	por !p5, !p6  }
0xf7: {  	s30 =	sadd.s32 s31, s0;
	s31 =	simm.s32 $0x1;
	p1 =	por !p1, !p1  }
0xf8: {  	s30 =	sshrl.u32 s30, $0x7;
	s31 =	simm.s32 @!p1 $0x0  }
0xf9: {  	s30 =	ssub.s32 s30, s31  }
0xfa: {  	s28 =	ssub.s32 s28, s29;
	s29 =	sshll.u32 s30, $0x7  }
0xfb: {  	v1 =	vadd.s32 s28, v0;
	[sflag:s14] =	ssyncset.done $0x0;
	s30 =	sand.u32 $0x1FFFFF80, s29  }
0xfc: {  	v7 =	vadd.s32 s28, v56;
	[sflag:s14] =	ssyncadd.s32 $0xFFFFCE00;
	s30 =	sadd.s32 s2, s30  }
0xfd: {  	[tilespmem:s19], [sflag:$0x2] =	stream.strided.gather [hbm4b:s30+s15], $0x3000, s16, s15, $0x38;
	[tilespmem:$0x7BF0] =	vst v63  }
0xfe: {  	s30 =	sadd.s32 $0xB71E00, s30  }
0xff: {  	[tilespmem:s20], [sflag:$0x2] =	stream.linear.gather [hbm4b:s30+s5], $0x200, $0x38;
	[tilespmem:$0x7BF0] =	vst v63  }
0x100: {  	v1 =	vld.idx.msk [tilespmem:v1+s17+$0x0], $0xffff  }
0x101: {  	v8 =	vadd.s32 s28, v2;
	v7 =	vld.idx.msk [tilespmem:v7+s17+$0x0], $0xffff  }
0x102: {  	v35 =	vadd.s32 s28, v3  }
0x103: {  	v36 =	vadd.s32 s28, v4;
	_ =	sdelay $0x1  }
0x104: {  	[tilespmem:$0x1FFC0] =	vst v1;
	v1 =	vadd.s32 s28, v5  }
0x105: {  	v53 =	vld.idx.msk [tilespmem:v8+s17+$0x0], $0xffff;
	[tilespmem:$0x1FFB0] =	vst v7;
	v7 =	vadd.s32 s28, v6  }
0x106: {  	v51 =	vld.idx.msk [tilespmem:v35+s17+$0x0], $0xffff  }
0x107: {  	v36 =	vld.idx.msk [tilespmem:v36+s17+$0x0], $0xffff  }
0x108: {  	v58 =	vld [tilespmem:$0x480]  }
0x109: {  	v34 =	vld.idx.msk [tilespmem:v1+s17+$0x0], $0xffff  }
0x10a: {  	v18 =	vld.idx.msk [tilespmem:v7+s17+$0x0], $0xffff;
	_ =	swait.ge [sflag:s21], $0x3200  }
0x10b: {  	(v2sf) =	vpush v10, $0xA;
	_ =	sdelay $0xe  }
0x10c: {  	s28 =	spop (v2sf)  }
0x10d: {  	s30 =	sand.u32 $0x7F, s28  }
0x10e: {  	s31 =	sshra.s32 s28, $0x1F;
	p3 =	slt.s32 s28, $0x1;
	p4 =	sne.s32 s30, $0x0  }
0x10f: {  	s31 =	sshrl.u32 s31, $0x19;
	p1 =	por !p3, !p4  }
0x110: {  	s30 =	sadd.s32 s31, s28;
	s31 =	simm.s32 $0x1;
	p1 =	por !p1, !p1  }
0x111: {  	s30 =	sshrl.u32 s30, $0x7;
	s31 =	simm.s32 @!p1 $0x0  }
0x112: {  	s30 =	ssub.s32 s30, s31  }
0x113: {  	s0 =	ssub.s32 s0, s29;
	s29 =	sshll.u32 s30, $0x7  }
0x114: {  	v1 =	vadd.s32 s0, v0;
	[sflag:s21] =	ssyncset.done $0x0;
	s30 =	sand.u32 $0x1FFFFF80, s29  }
0x115: {  	v7 =	vadd.s32 s0, v56;
	[sflag:s21] =	ssyncadd.s32 $0xFFFFCE00;
	s30 =	sadd.s32 s2, s30  }
0x116: {  	[tilespmem:s17], [sflag:$0x1] =	stream.strided.gather [hbm4b:s30+s15], $0x3000, s16, s15, $0x38;
	[tilespmem:$0x7BF0] =	vst v63  }
0x117: {  	s30 =	sadd.s32 $0xB71E00, s30  }
0x118: {  	[tilespmem:s18], [sflag:$0x1] =	stream.linear.gather [hbm4b:s30+s5], $0x200, $0x38;
	[tilespmem:$0x7BF0] =	vst v63  }
0x119: {  	v1 =	vld.idx.msk [tilespmem:v1+s19+$0x0], $0xffff  }
0x11a: {  	v7 =	vld.idx.msk [tilespmem:v7+s19+$0x0], $0xffff  }
0x11b: {  	v8 =	vadd.s32 s0, v2  }
0x11c: {  	v37 =	vadd.s32 s0, v3  }
0x11d: {  	v39 =	vadd.s32 s0, v4  }
0x11e: {  	[tilespmem:$0x1FFE0] =	vst v1;
	v1 =	vadd.s32 s0, v5  }
0x11f: {  	[tilespmem:$0x1FFD0] =	vst v7;
	v7 =	vadd.s32 s0, v6  }
0x120: {  	v47 =	vld.idx.msk [tilespmem:v8+s19+$0x0], $0xffff  }
0x121: {  	v42 =	vld.idx.msk [tilespmem:v37+s19+$0x0], $0xffff  }
0x122: {  	v26 =	vld.idx.msk [tilespmem:v39+s19+$0x0], $0xffff  }
0x123: {  	v23 =	vld.idx.msk [tilespmem:v1+s19+$0x0], $0xffff  }
0x124: {  	v15 =	vld.idx.msk [tilespmem:v7+s19+$0x0], $0xffff  }
0x125: {  	v1 =	vld [tilespmem:$0x500];
	_ =	swait.ge [sflag:s14], $0x3200  }
0x126: {  	(v2sf) =	vpush v10, $0xB;
	_ =	sdelay $0xe  }
0x127: {  	s0 =	spop (v2sf)  }
0x128: {  	s30 =	sand.u32 $0x7F, s0  }
0x129: {  	s31 =	sshra.s32 s0, $0x1F;
	p5 =	slt.s32 s0, $0x1;
	p6 =	sne.s32 s30, $0x0  }
0x12a: {  	s31 =	sshrl.u32 s31, $0x19;
	p1 =	por !p5, !p6  }
0x12b: {  	s30 =	sadd.s32 s31, s0;
	s31 =	simm.s32 $0x1;
	p1 =	por !p1, !p1  }
0x12c: {  	s30 =	sshrl.u32 s30, $0x7;
	s31 =	simm.s32 @!p1 $0x0  }
0x12d: {  	s30 =	ssub.s32 s30, s31  }
0x12e: {  	s28 =	ssub.s32 s28, s29;
	s29 =	sshll.u32 s30, $0x7  }
0x12f: {  	v7 =	vadd.s32 s28, v0;
	[sflag:s14] =	ssyncset.done $0x0;
	s30 =	sand.u32 $0x1FFFFF80, s29  }
0x130: {  	[sflag:s14] =	ssyncadd.s32 $0xFFFFCE00;
	s30 =	sadd.s32 s2, s30  }
0x131: {  	[tilespmem:s19], [sflag:$0x2] =	stream.strided.gather [hbm4b:s30+s15], $0x3000, s16, s15, $0x38;
	[tilespmem:$0x7BF0] =	vst v63  }
0x132: {  	s30 =	sadd.s32 $0xB71E00, s30  }
0x133: {  	v8 =	vadd.s32 s28, v56;
	[tilespmem:s20], [sflag:$0x2] =	stream.linear.gather [hbm4b:s30+s5], $0x200, $0x38;
	[tilespmem:$0x7BF0] =	vst v63  }
0x134: {  	v46 =	vadd.s32 s28, v2;
	v7 =	vld.idx.msk [tilespmem:v7+s17+$0x0], $0xffff  }
0x135: {  	v48 =	vadd.s32 s28, v3  }
0x136: {  	v14 =	vadd.s32 s28, v4;
	_ =	sdelay $0x1  }
0x137: {  	v55 =	vld.idx.msk [tilespmem:v8+s17+$0x0], $0xffff;
	v8 =	vadd.s32 s28, v6  }
0x138: {  	v43 =	vld.idx.msk [tilespmem:v46+s17+$0x0], $0xffff;
	[tilespmem:$0x1FFF0] =	vst v7;
	v7 =	vadd.s32 s28, v5  }
0x139: {  	v35 =	vld.idx.msk [tilespmem:v48+s17+$0x0], $0xffff  }
0x13a: {  	v22 =	vld.idx.msk [tilespmem:v14+s17+$0x0], $0xffff  }
0x13b: {  	v9 =	vld [tilespmem:$0x580]  }
0x13c: {  	v13 =	vld.idx.msk [tilespmem:v8+s17+$0x0], $0xffff  }
0x13d: {  	v21 =	vld.idx.msk [tilespmem:v7+s17+$0x0], $0xffff;
	_ =	swait.ge [sflag:s21], $0x3200  }
0x13e: {  	(v2sf) =	vpush v10, $0xC;
	_ =	sdelay $0xe  }
0x13f: {  	s28 =	spop (v2sf)  }
0x140: {  	s30 =	sand.u32 $0x7F, s28  }
0x141: {  	s31 =	sshra.s32 s28, $0x1F;
	p3 =	slt.s32 s28, $0x1;
	p4 =	sne.s32 s30, $0x0  }
0x142: {  	s31 =	sshrl.u32 s31, $0x19;
	p1 =	por !p3, !p4  }
0x143: {  	s30 =	sadd.s32 s31, s28;
	s31 =	simm.s32 $0x1;
	p1 =	por !p1, !p1  }
0x144: {  	s30 =	sshrl.u32 s30, $0x7;
	s31 =	simm.s32 @!p1 $0x0  }
0x145: {  	s30 =	ssub.s32 s30, s31  }
0x146: {  	s0 =	ssub.s32 s0, s29;
	s30 =	sshll.u32 s30, $0x7  }
0x147: {  	v7 =	vadd.s32 s0, v0;
	[sflag:s21] =	ssyncset.done $0x0;
	s31 =	sand.u32 $0x1FFFFF80, s30  }
0x148: {  	v8 =	vadd.s32 s0, v56;
	[sflag:s21] =	ssyncadd.s32 $0xFFFFCE00;
	s29 =	sadd.s32 s2, s31  }
0x149: {  	v61 =	vadd.s32 s0, v2;
	[tilespmem:s17], [sflag:$0x1] =	stream.strided.gather [hbm4b:s29+s15], $0x3000, s16, s15, $0x38;
	[tilespmem:$0x7BF0] =	vst v63  }
0x14a: {  	v17 =	vadd.s32 s0, v3;
	s29 =	sadd.s32 $0xB71E00, s29  }
0x14b: {  	v19 =	vadd.s32 s0, v4;
	[tilespmem:s18], [sflag:$0x1] =	stream.linear.gather [hbm4b:s29+s5], $0x200, $0x38;
	[tilespmem:$0x7BF0] =	vst v63  }
0x14c: {  	v48 =	vld.idx.msk [tilespmem:v7+s19+$0x0], $0xffff  }
0x14d: {  	v7 =	vadd.s32 s0, v5;
	v46 =	vld.idx.msk [tilespmem:v8+s19+$0x0], $0xffff  }
0x14e: {  	v8 =	vadd.s32 s0, v6;
	v44 =	vld.idx.msk [tilespmem:v61+s19+$0x0], $0xffff  }
0x14f: {  	v28 =	vld.idx.msk [tilespmem:v17+s19+$0x0], $0xffff  }
0x150: {  	v17 =	vld.idx.msk [tilespmem:v19+s19+$0x0], $0xffff  }
0x151: {  	v19 =	vld [tilespmem:$0x600]  }
0x152: {  	v14 =	vld.idx.msk [tilespmem:v7+s19+$0x0], $0xffff  }
0x153: {  	v41 =	vld.idx.msk [tilespmem:v8+s19+$0x0], $0xffff;
	_ =	swait.ge [sflag:s14], $0x3200  }
0x154: {  	(v2sf) =	vpush v10, $0xD;
	_ =	sdelay $0xe  }
0x155: {  	s29 =	spop (v2sf)  }
0x156: {  	s0 =	sand.u32 $0x7F, s29  }
0x157: {  	s31 =	sshra.s32 s29, $0x1F;
	p5 =	slt.s32 s29, $0x1;
	p6 =	sne.s32 s0, $0x0  }
0x158: {  	s31 =	sshrl.u32 s31, $0x19;
	p1 =	por !p5, !p6  }
0x159: {  	s0 =	sadd.s32 s31, s29;
	s31 =	simm.s32 $0x1;
	p1 =	por !p1, !p1  }
0x15a: {  	s0 =	sshrl.u32 s0, $0x7;
	s31 =	simm.s32 @!p1 $0x0  }
0x15b: {  	s0 =	ssub.s32 s0, s31  }
0x15c: {  	s28 =	ssub.s32 s28, s30;
	s30 =	sshll.u32 s0, $0x7  }
0x15d: {  	v7 =	vadd.s32 s28, v0;
	[sflag:s14] =	ssyncset.done $0x0;
	s0 =	sand.u32 $0x1FFFFF80, s30  }
0x15e: {  	v8 =	vadd.s32 s28, v56;
	[sflag:s14] =	ssyncadd.s32 $0xFFFFCE00;
	s0 =	sadd.s32 s2, s0  }
0x15f: {  	v31 =	vadd.s32 s28, v2;
	[tilespmem:s19], [sflag:$0x2] =	stream.strided.gather [hbm4b:s0+s15], $0x3000, s16, s15, $0x38;
	[tilespmem:$0x7BF0] =	vst v63  }
0x160: {  	v33 =	vadd.s32 s28, v3;
	s0 =	sadd.s32 $0xB71E00, s0  }
0x161: {  	v63 =	vadd.s32 s28, v4;
	[tilespmem:s20], [sflag:$0x2] =	stream.linear.gather [hbm4b:s0+s5], $0x200, $0x38;
	[tilespmem:$0x7BF0] =	vst v63  }
0x162: {  	v40 =	vld.idx.msk [tilespmem:v7+s17+$0x0], $0xffff  }
0x163: {  	v7 =	vadd.s32 s28, v5;
	v39 =	vld.idx.msk [tilespmem:v8+s17+$0x0], $0xffff  }
0x164: {  	v8 =	vadd.s32 s28, v6;
	v37 =	vld.idx.msk [tilespmem:v31+s17+$0x0], $0xffff  }
0x165: {  	v33 =	vld.idx.msk [tilespmem:v33+s17+$0x0], $0xffff  }
0x166: {  	v63 =	vld.idx.msk [tilespmem:v63+s17+$0x0], $0xffff  }
0x167: {  	v31 =	vld [tilespmem:$0x680]  }
0x168: {  	v7 =	vld.idx.msk [tilespmem:v7+s17+$0x0], $0xffff  }
0x169: {  	v8 =	vld.idx.msk [tilespmem:v8+s17+$0x0], $0xffff;
	_ =	swait.ge [sflag:s21], $0x3200  }
0x16a: {  	v61 =	vmul.f32 v60, v12;
	v60 =	vld [tilespmem:$0x1FCF0];
	_ =	sdelay $0x4  }
0x16b: {  	v61 =	vadd.f32 $0.0e+00, v61;
	v60 =	vmul.f32 v60, v11;
	_ =	sdelay $0x1  }
0x16c: {  	v60 =	vadd.f32 v60, v61;
	v61 =	vld [tilespmem:$0x1FD00];
	_ =	sdelay $0x4  }
0x16d: {  	v61 =	vmul.f32 v61, v16;
	_ =	sdelay $0x1  }
0x16e: {  	v60 =	vadd.f32 v61, v60;
	v61 =	vld [tilespmem:$0x1FD10];
	_ =	sdelay $0x4  }
0x16f: {  	v61 =	vmul.f32 v61, v20;
	_ =	sdelay $0x1  }
0x170: {  	v52 =	vmul.f32 v52, v25;
	(v2sf) =	vpush v10, $0xE;
	v60 =	vadd.f32 v61, v60;
	_ =	sdelay $0x1  }
0x171: {  	v32 =	vmul.f32 v32, v30;
	v52 =	vadd.f32 v52, v60;
	v60 =	vmul.f32 v62, v12;
	_ =	sdelay $0x1  }
0x172: {  	v32 =	vadd.f32 v32, v52;
	v52 =	vadd.f32 $0.0e+00, v60;
	v60 =	vld [tilespmem:$0x1FD20];
	_ =	sdelay $0x1  }
0x173: {  	v62 =	vld [tilespmem:$0x1FD30];
	_ =	sdelay $0x2  }
0x174: {  	v27 =	vmul.f32 v27, v38;
	v60 =	vmul.f32 v60, v11  }
0x175: {  	v61 =	vld [tilespmem:$0x1FD40]  }
0x176: {  	v27 =	vadd.f32 v27, v32;
	v32 =	vadd.f32 v60, v52;
	v52 =	vmul.f32 v62, v16;
	v62 =	vld [tilespmem:$0x1FD50];
	_ =	sdelay $0x1  }
0x177: {  	v24 =	vmul.f32 v24, v49  }
0x178: {  	v59 =	vmul.f32 v59, v12  }
0x179: {  	v18 =	vmul.f32 v18, v58;
	s28 =	spop (v2sf);
	v24 =	vadd.f32 v24, v27;
	v27 =	vadd.f32 v52, v32  }
0x17a: {  	s0 =	sand.u32 $0x7F, s28;
	v32 =	vmul.f32 v61, v20;
	v52 =	vadd.f32 $0.0e+00, v59;
	v59 =	vmul.f32 v62, v11  }
0x17b: {  	s31 =	sshra.s32 s28, $0x1F;
	p3 =	slt.s32 s28, $0x1;
	p4 =	sne.s32 s0, $0x0;
	v18 =	vadd.f32 v18, v24;
	v60 =	vld [tilespmem:$0x1FD70]  }
0x17c: {  	s31 =	sshrl.u32 s31, $0x19;
	p1 =	por !p3, !p4;
	v24 =	vadd.f32 v32, v27;
	v27 =	vadd.f32 v59, v52;
	v59 =	vld [tilespmem:$0x1FD60]  }
0x17d: {  	s0 =	sadd.s32 s31, s28;
	s31 =	simm.s32 $0x1;
	p1 =	por !p1, !p1  }
0x17e: {  	s0 =	sshrl.u32 s0, $0x7;
	s31 =	simm.s32 @!p1 $0x0;
	v61 =	vld [tilespmem:$0x1FD80]  }
0x17f: {  	s0 =	ssub.s32 s0, s31  }
0x180: {  	s30 =	ssub.s32 s29, s30;
	s29 =	sshll.u32 s0, $0x7;
	v62 =	vld [tilespmem:$0x1FD90]  }
0x181: {  	[sflag:s21] =	ssyncset.done $0x0;
	s0 =	sand.u32 $0x1FFFFF80, s29;
	v52 =	vmul.f32 v60, v16;
	v60 =	vadd.s32 s30, v0;
	v32 =	vmul.f32 v59, v25  }
0x182: {  	v15 =	vmul.f32 v15, v1;
	[sflag:s21] =	ssyncadd.s32 $0xFFFFCE00;
	s0 =	sadd.s32 s2, s0  }
0x183: {  	[tilespmem:s17], [sflag:$0x1] =	stream.strided.gather [hbm4b:s0+s15], $0x3000, s16, s15, $0x38;
	v27 =	vadd.f32 v52, v27;
	v24 =	vadd.f32 v32, v24;
	v32 =	vmul.f32 v61, v20;
	[tilespmem:$0x7BF0] =	vst v63  }
0x184: {  	v13 =	vmul.f32 v13, v9;
	s0 =	sadd.s32 $0xB71E00, s0;
	v15 =	vadd.f32 v15, v18;
	v52 =	vmul.f32 v57, v30  }
0x185: {  	[tilespmem:s18], [sflag:$0x1] =	stream.linear.gather [hbm4b:s0+s5], $0x200, $0x38;
	v59 =	vmul.f32 v62, v25;
	v32 =	vadd.f32 v32, v27;
	[tilespmem:$0x7BF0] =	vst v63  }
0x186: {  	v18 =	vadd.s32 s30, v6;
	v13 =	vadd.f32 v13, v15;
	v15 =	vadd.f32 v52, v24;
	v24 =	vld.idx.msk [tilespmem:v60+s19+$0x0], $0xffff  }
0x187: {  	v60 =	vadd.f32 v59, v32;
	v59 =	vld [tilespmem:$0x1FDA0];
	_ =	sdelay $0x1  }
0x188: {  	v57 =	vadd.s32 s30, v56  }
0x189: {  	v27 =	vadd.s32 s30, v2  }
0x18a: {  	v41 =	vmul.f32 v41, v19;
	v61 =	vld.idx.msk [tilespmem:v18+s19+$0x0], $0xffff;
	v52 =	vadd.s32 s30, v3;
	v32 =	vmul.f32 v50, v38  }
0x18b: {  	v18 =	vld [tilespmem:$0x700];
	v50 =	vadd.s32 s30, v4;
	v62 =	vmul.f32 v59, v30  }
0x18c: {  	v13 =	vadd.f32 v41, v13;
	v15 =	vadd.f32 v32, v15;
	v59 =	vadd.s32 s30, v5  }
0x18d: {  	v32 =	vld.idx.msk [tilespmem:v57+s19+$0x0], $0xffff;
	v57 =	vmul.f32 v29, v49;
	v41 =	vadd.f32 v62, v60;
	v60 =	vmul.f32 v54, v38  }
0x18e: {  	v45 =	vmul.f32 v45, v49;
	v8 =	vmul.f32 v8, v31;
	v29 =	vld.idx.msk [tilespmem:v27+s19+$0x0], $0xffff  }
0x18f: {  	v34 =	vmul.f32 v34, v58;
	v62 =	vadd.f32 v57, v15;
	v15 =	vld.idx.msk [tilespmem:v52+s19+$0x0], $0xffff;
	v27 =	vadd.f32 v60, v41  }
0x190: {  	v8 =	vadd.f32 v8, v13;
	v41 =	vld.idx.msk [tilespmem:v50+s19+$0x0], $0xffff;
	v60 =	vmul.f32 v61, v18  }
0x191: {  	v36 =	vmul.f32 v36, v58;
	v57 =	vadd.f32 v34, v62;
	v34 =	vld.idx.msk [tilespmem:v59+s19+$0x0], $0xffff;
	_ =	swait.ge [sflag:s14], $0x3200;
	v27 =	vadd.f32 v45, v27  }
0x192: {  	(v2sf) =	vpush v10, $0xF;
	v10 =	vadd.f32 v60, v8;
	v8 =	vld [tilespmem:$0x1FDB0]  }
0x193: {  	v61 =	vadd.f32 v36, v27;
	v36 =	vld [tilespmem:$0x1FDD0]  }
0x194: {  	v62 =	vld [tilespmem:$0x1FDC0]  }
0x195: {  	v23 =	vmul.f32 v23, v1;
	v52 =	vld [tilespmem:$0x1FDF0]  }
0x196: {  	v26 =	vmul.f32 v26, v1;
	v45 =	vld [tilespmem:$0x1FDE0]  }
0x197: {  	v22 =	vmul.f32 v22, v9;
	v21 =	vmul.f32 v21, v9;
	v13 =	vadd.f32 v23, v57;
	v57 =	vld [tilespmem:$0x1FE10]  }
0x198: {  	v59 =	vld [tilespmem:$0x1FE20];
	v23 =	vadd.f32 v26, v61;
	v8 =	vmul.f32 v8, v12;
	v26 =	vmul.f32 v36, v12  }
0x199: {  	v14 =	vmul.f32 v14, v19;
	v54 =	vld [tilespmem:$0x1FE00];
	v27 =	vmul.f32 v62, v11  }
0x19a: {  	v8 =	vadd.f32 $0.0e+00, v8;
	v50 =	vadd.f32 $0.0e+00, v26;
	v26 =	vmul.f32 v52, v11  }
0x19b: {  	v13 =	vadd.f32 v21, v13;
	v61 =	vld [tilespmem:$0x1FE30];
	v21 =	vmul.f32 v45, v16;
	v22 =	vadd.f32 v22, v23  }
0x19c: {  	v62 =	vld [tilespmem:$0x1FE40];
	v8 =	vadd.f32 v27, v8;
	v23 =	vadd.f32 v26, v50;
	v26 =	vmul.f32 v57, v16  }
0x19d: {  	v17 =	vmul.f32 v17, v19;
	v13 =	vadd.f32 v14, v13;
	v14 =	vmul.f32 v59, v25;
	v59 =	vld [tilespmem:$0x1FE90]  }
0x19e: {  	v8 =	vadd.f32 v21, v8;
	v21 =	vmul.f32 v54, v20;
	v60 =	vadd.f32 v26, v23;
	v26 =	vld [tilespmem:$0x1FE50]  }
0x19f: {  	v63 =	vmul.f32 v63, v31;
	v17 =	vadd.f32 v17, v22;
	v27 =	vld [tilespmem:$0x1FE60]  }
0x1a0: {  	v54 =	vld [tilespmem:$0x1FE80];
	v8 =	vadd.f32 v21, v8  }
0x1a1: {  	v7 =	vmul.f32 v7, v31;
	v22 =	vmul.f32 v61, v20;
	v36 =	vadd.f32 v63, v17;
	v50 =	vld [tilespmem:$0x1FE70]  }
0x1a2: {  	v63 =	vmul.f32 v42, v1;
	v42 =	vld [tilespmem:$0x1FEE0];
	v8 =	vadd.f32 v14, v8;
	v14 =	vmul.f32 v62, v30  }
0x1a3: {  	v7 =	vadd.f32 v7, v13;
	v52 =	vmul.f32 v34, v18;
	v23 =	vmul.f32 v26, v25;
	v26 =	vld [tilespmem:$0x1FEB0]  }
0x1a4: {  	v13 =	vmul.f32 v27, v38;
	v27 =	vld [tilespmem:$0x1FEC0];
	v21 =	vadd.f32 v22, v60;
	v8 =	vadd.f32 v14, v8  }
0x1a5: {  	v57 =	vmul.f32 v41, v18;
	v62 =	vld [tilespmem:$0x1FEA0];
	v22 =	vmul.f32 v54, v49  }
0x1a6: {  	v41 =	vld [tilespmem:$0x1FED0];
	v8 =	vadd.f32 v13, v8;
	v45 =	vadd.f32 v23, v21;
	v21 =	vmul.f32 v50, v30  }
0x1a7: {  	v7 =	vadd.f32 v52, v7;
	v52 =	vld [tilespmem:$0x1FF00];
	v60 =	vmul.f32 v51, v58;
	v23 =	vmul.f32 v59, v38  }
0x1a8: {  	v51 =	vld [tilespmem:$0x1FEF0];
	v8 =	vadd.f32 v22, v8;
	v17 =	vadd.f32 v21, v45;
	v22 =	vmul.f32 v26, v12  }
0x1a9: {  	v54 =	vld [tilespmem:$0x1FF10];
	v13 =	vadd.f32 v57, v36;
	v12 =	vmul.f32 v27, v12  }
0x1aa: {  	v57 =	vld [tilespmem:$0x1FF20];
	v61 =	vadd.f32 v23, v17;
	v17 =	vmul.f32 v62, v49;
	v36 =	vadd.f32 $0.0e+00, v22  }
0x1ab: {  	v62 =	vld [tilespmem:$0x1FF40];
	v22 =	vmul.f32 v41, v11;
	v11 =	vmul.f32 v42, v11;
	v12 =	vadd.f32 $0.0e+00, v12  }
0x1ac: {  	v14 =	vadd.f32 v17, v61;
	v61 =	vld [tilespmem:$0x1FF30]  }
0x1ad: {  	v11 =	vadd.f32 v11, v12;
	v12 =	vmul.f32 v52, v16;
	_ =	sdelay $0x1  }
0x1ae: {  	v11 =	vadd.f32 v12, v11;
	v12 =	vmul.f32 v57, v20  }
0x1af: {  	s30 =	spop (v2sf);
	v21 =	vmul.f32 v54, v20;
	v26 =	vld [tilespmem:$0x1FF60];
	v45 =	vadd.f32 v22, v36;
	v22 =	vmul.f32 v51, v16  }
0x1b0: {  	s0 =	sand.u32 $0x7F, s30;
	v20 =	vmul.f32 v61, v25;
	v11 =	vadd.f32 v12, v11;
	v12 =	vmul.f32 v62, v25;
	v25 =	vld [tilespmem:$0x1FF50]  }
0x1b1: {  	s31 =	sshra.s32 s30, $0x1F;
	p5 =	slt.s32 s30, $0x1;
	p6 =	sne.s32 s0, $0x0  }
0x1b2: {  	v24 =	vmul.f32 v24, v18;
	s31 =	sshrl.u32 s31, $0x19;
	p1 =	por !p5, !p6;
	v17 =	vadd.f32 v22, v45  }
0x1b3: {  	v29 =	vmul.f32 v29, v18;
	v15 =	vmul.f32 v15, v18;
	s0 =	sadd.s32 s31, s30;
	s31 =	simm.s32 $0x1;
	p1 =	por !p1, !p1  }
0x1b4: {  	v34 =	vmul.f32 v53, v58;
	s0 =	sshrl.u32 s0, $0x7;
	s31 =	simm.s32 @!p1 $0x0;
	v8 =	vadd.f32 v60, v8;
	v27 =	vld [tilespmem:$0x1FF70];
	v59 =	vadd.f32 v21, v17  }
0x1b5: {  	s0 =	ssub.s32 s0, s31;
	v11 =	vadd.f32 v12, v11;
	v12 =	vmul.f32 v26, v30;
	v17 =	vmul.f32 v25, v30;
	v30 =	vld [tilespmem:$0x1FF80]  }
0x1b6: {  	s28 =	ssub.s32 s28, s29;
	v53 =	vmul.f32 v47, v1;
	v50 =	vmul.f32 v35, v9;
	v35 =	vld [tilespmem:$0x1FF90];
	s0 =	sshll.u32 s0, $0x7  }
0x1b7: {  	[sflag:s14] =	ssyncset.done $0x0;
	v54 =	vmul.f32 v55, v9;
	v55 =	vld [tilespmem:$0x1FFF0];
	s31 =	sand.u32 $0x1FFFFF80, s0;
	v8 =	vadd.f32 v63, v8;
	v41 =	vadd.s32 s28, v3  }
0x1b8: {  	[sflag:s14] =	ssyncadd.s32 $0xFFFFCE00;
	s29 =	sadd.s32 s2, s31;
	v63 =	vmul.f32 v43, v9;
	v42 =	vld [tilespmem:$0x1FFB0];
	v43 =	vadd.s32 s28, v4;
	v16 =	vadd.f32 v20, v59  }
0x1b9: {  	v47 =	vadd.s32 s28, v5;
	v18 =	vmul.f32 v32, v18;
	[tilespmem:s19], [sflag:$0x2] =	stream.strided.gather [hbm4b:s29+s15], $0x3000, s16, s15, $0x38;
	v51 =	vld [tilespmem:$0x1FFE0];
	v11 =	vadd.f32 v12, v11  }
0x1ba: {  	s29 =	sadd.s32 $0xB71E00, s29;
	v16 =	vadd.f32 v17, v16;
	v17 =	vmul.f32 v27, v38;
	v12 =	vmul.f32 v30, v38;
	v38 =	vld [tilespmem:$0x1FFA0]  }
0x1bb: {  	v60 =	vmul.f32 v28, v19;
	v8 =	vadd.f32 v50, v8;
	v36 =	vadd.s32 s28, v2;
	[tilespmem:s20], [sflag:$0x2] =	stream.linear.gather [hbm4b:s29+s5], $0x200, $0x38;
	v45 =	vld [tilespmem:$0x1FFC0]  }
0x1bc: {  	v28 =	vadd.s32 s28, v0;
	v50 =	vadd.s32 s28, v6;
	v14 =	vadd.f32 v34, v14;
	v23 =	vld.idx.msk [tilespmem:v41+s17+$0x0], $0xffff  }
0x1bd: {  	v52 =	vmul.f32 v33, v31;
	v9 =	vmul.f32 v55, v9;
	v8 =	vadd.f32 v60, v8;
	v57 =	vld.idx.msk [tilespmem:v43+s17+$0x0], $0xffff  }
0x1be: {  	v34 =	vadd.s32 s28, v56;
	v14 =	vadd.f32 v53, v14;
	v61 =	vld.idx.msk [tilespmem:v47+s17+$0x0], $0xffff;
	v16 =	vadd.f32 v17, v16  }
0x1bf: {  	s0 =	ssub.s32 s30, s0;
	v17 =	vmul.f32 v35, v49;
	v11 =	vadd.f32 v12, v11;
	v12 =	vmul.f32 v38, v49;
	v49 =	vld [tilespmem:$0x1FFD0]  }
0x1c0: {  	v60 =	vmul.f32 v46, v19;
	v46 =	vadd.s32 s0, v6;
	v53 =	vmul.f32 v44, v19;
	v22 =	vld.idx.msk [tilespmem:v36+s17+$0x0], $0xffff  }
0x1c1: {  	v14 =	vadd.f32 v63, v14;
	v63 =	vld.idx.msk [tilespmem:v50+s17+$0x0], $0xffff;
	v16 =	vadd.f32 v17, v16;
	v17 =	vmul.f32 v42, v58  }
0x1c2: {  	v41 =	vmul.f32 v40, v31;
	v20 =	vld.idx.msk [tilespmem:v28+s17+$0x0], $0xffff;
	v11 =	vadd.f32 v12, v11;
	v12 =	vmul.f32 v45, v58  }
0x1c3: {  	v44 =	vadd.s32 s0, v4;
	v21 =	vld.idx.msk [tilespmem:v34+s17+$0x0], $0xffff;
	v42 =	vadd.s32 s0, v3;
	v16 =	vadd.f32 v17, v16  }
0x1c4: {  	v25 =	vld [tilespmem:$0x780];
	_ =	swait.ge [sflag:s21], $0x3200;
	v11 =	vadd.f32 v12, v11;
	v17 =	vmul.f32 v49, v1;
	v1 =	vmul.f32 v51, v1  }
0x1c5: {  	v8 =	vadd.f32 v52, v8;
	v62 =	vmul.f32 v48, v19;
	v36 =	vmul.f32 v37, v31;
	[sflag:s21] =	ssyncset.done $0x0  }
0x1c6: {  	v37 =	vadd.s32 s0, v56;
	v35 =	vadd.s32 s0, v0;
	[sflag:s21] =	ssyncadd.s32 $0xFFFFCE00;
	v1 =	vadd.f32 v1, v11  }
0x1c7: {  	v38 =	vmul.f32 v39, v31;
	v39 =	vadd.s32 s0, v2;
	v58 =	vadd.f32 v53, v14;
	v43 =	vld [tilespmem:$0x800]  }
0x1c8: {  	v45 =	vadd.s32 s0, v5;
	v49 =	vld.idx.msk [tilespmem:v42+s19+$0x0], $0xffff;
	v16 =	vadd.f32 v17, v16;
	v1 =	vadd.f32 v9, v1  }
0x1c9: {  	v8 =	vadd.f32 v15, v8;
	v47 =	vmul.f32 v20, v25;
	v12 =	vadd.f32 v36, v58  }
0x1ca: {  	v11 =	vmul.f32 v57, v25;
	v57 =	vld.idx.msk [tilespmem:v46+s19+$0x0], $0xffff;
	v59 =	vadd.f32 v54, v16;
	v1 =	vadd.f32 v62, v1  }
0x1cb: {  	v48 =	vmul.f32 v21, v25;
	v26 =	vld.idx.msk [tilespmem:v35+s19+$0x0], $0xffff;
	v51 =	vmul.f32 v23, v25;
	v12 =	vadd.f32 v29, v12  }
0x1cc: {  	v9 =	vld.idx.msk [tilespmem:v39+s19+$0x0], $0xffff;
	v14 =	vadd.f32 v60, v59;
	v59 =	vmul.f32 v61, v25;
	v1 =	vadd.f32 v41, v1  }
0x1cd: {  	v8 =	vadd.f32 v51, v8;
	v54 =	vld.idx.msk [tilespmem:v45+s19+$0x0], $0xffff;
	v60 =	vmul.f32 v49, v43;
	v61 =	vmul.f32 v63, v25  }
0x1ce: {  	v50 =	vmul.f32 v22, v25;
	v16 =	vld.idx.msk [tilespmem:v37+s19+$0x0], $0xffff;
	v14 =	vadd.f32 v38, v14;
	v1 =	vadd.f32 v24, v1  }
0x1cf: {  	v52 =	vld.idx.msk [tilespmem:v44+s19+$0x0], $0xffff;
	v63 =	vmul.f32 v57, v43;
	v8 =	vadd.f32 v60, v8;
	v10 =	vadd.f32 v61, v10  }
0x1d0: {  	v53 =	vmul.f32 v26, v43;
	v12 =	vadd.f32 v50, v12;
	v1 =	vadd.f32 v47, v1  }
0x1d1: {  	v9 =	vmul.f32 v9, v43;
	v14 =	vadd.f32 v18, v14;
	[tilespmem:$0x70B0] =	vst v8;
	v8 =	vadd.f32 v63, v10  }
0x1d2: {  	v7 =	vadd.f32 v59, v7;
	v62 =	vmul.f32 v54, v43;
	v1 =	vadd.f32 v53, v1  }
0x1d3: {  	v55 =	vmul.f32 v16, v43;
	v9 =	vadd.f32 v9, v12;
	v14 =	vadd.f32 v48, v14;
	[tilespmem:$0x70E0] =	vst v8  }
0x1d4: {  	v11 =	vadd.f32 v11, v13;
	v7 =	vadd.f32 v62, v7;
	[tilespmem:$0x7080] =	vst v1;
	v1 =	vmul.f32 v52, v43  }
0x1d5: {  	[tilespmem:$0x70A0] =	vst v9;
	v58 =	vadd.f32 v55, v14  }
0x1d6: {  	[tilespmem:$0x70D0] =	vst v7;
	v1 =	vadd.f32 v1, v11  }
0x1d7: {  	[tilespmem:$0x7090] =	vst v58  }
0x1d8: {  	[tilespmem:$0x70C0] =	vst v1  }
0x1d9: {  	[spmem:s10] =	stream.linear.scatter [tilespmem:s22], [sflag:$0x3], $0x80, $0x38;
	[tilespmem:$0x7BF0] =	vst v63  }
.Ltmp2:
0x1da: {  	_ =	swait.ge [sflag:s12], $0x80;
	(pc) =	sbr.rel @p0 .LBB2_3-.Ltmp2, $3  }
0x1db: {  	[sflag:s12] =	ssyncset.done $0x0  }
0x1dc: {  	[sflag:s12] =	ssyncadd.s32 $0xFFFFFF80  }
0x1dd: {  	[bflag:$0x0] =	sbarrier.arrive $0xFFFF;
	_ =	sdelay $0x1  }
0x1de: {  	[tilespmem:s23], [sflag:$0x3] =	stream.linear.gather [hbm4b:s6+s5], $0x80, $0x38;
	[tilespmem:$0x7BF0] =	vst v63  }
0x1df: {  	_ =	swait.ge [sflag:s12], $0x80  }
0x1e0: {  	[sflag:s12] =	ssyncset.done $0x0  }
0x1e1: {  	[sflag:s12] =	ssyncadd.s32 $0xFFFFFF80  }
0x1e2: {  	v1 =	vld [tilespmem:$0x7900];
	_ =	sdelay $0x4  }
0x1e3: {  	(v2sf) =	vpush v1, $0x0;
	_ =	sdelay $0xe  }
0x1e4: {  	s0 =	spop (v2sf)  }
0x1e5: {  	s28 =	sand.u32 $0x7F, s0  }
0x1e6: {  	s29 =	sshra.s32 s0, $0x1F;
	p1 =	slt.s32 s0, $0x1;
	p2 =	sne.s32 s28, $0x0  }
0x1e7: {  	s30 =	sshrl.u32 s29, $0x19;
	p1 =	por !p1, !p2  }
0x1e8: {  	s29 =	simm.s32 $0x1;
	s28 =	sadd.s32 s30, s0;
	p1 =	por !p1, !p1  }
0x1e9: {  	s28 =	sshrl.u32 s28, $0x7;
	s29 =	simm.s32 @!p1 $0x0  }
0x1ea: {  	s28 =	ssub.s32 s28, s29  }
0x1eb: {  	s28 =	sshll.u32 s28, $0x7  }
0x1ec: {  	s31 =	sand.u32 $0x1FFFFF80, s28  }
0x1ed: {  	s29 =	sadd.s32 s1, s31  }
0x1ee: {  	[tilespmem:s17], [sflag:$0x1] =	stream.strided.gather [hbm4b:s29+s15], $0x3000, s16, s15, $0x38;
	[tilespmem:$0x7BF0] =	vst v63  }
0x1ef: {  	s29 =	sadd.s32 $0xB71E00, s29  }
0x1f0: {  	[tilespmem:s18], [sflag:$0x1] =	stream.linear.gather [hbm4b:s29+s5], $0x200, $0x38;
	[tilespmem:$0x7BF0] =	vst v63  }
0x1f1: {  	_ = 	snop  }
0x1f2: {  	[tilespmem:s24], [sflag:$0x3] =	stream.linear.gather [hbm4b:s7+s5], $0x80, $0x38;
	[tilespmem:$0x7BF0] =	vst v63  }
0x1f3: {  	_ =	swait.ge [sflag:s12], $0x80  }
0x1f4: {  	[sflag:s12] =	ssyncset.done $0x0  }
0x1f5: {  	[sflag:s12] =	ssyncadd.s32 $0xFFFFFF80  }
0x1f6: {  	[tilespmem:s25], [sflag:$0x3] =	stream.linear.gather [spmem:s4], $0x800, $0x38;
	[tilespmem:$0x7BF0] =	vst v63  }
0x1f7: {  	_ =	swait.ge [sflag:s12], $0x800  }
0x1f8: {  	[sflag:s12] =	ssyncset.done $0x0  }
0x1f9: {  	[sflag:s12] =	ssyncadd.s32 $0xFFFFF800  }
0x1fa: {  	_ =	swait.ge [sflag:s14], $0x3200  }
0x1fb: {  	[sflag:s14] =	ssyncset.done $0x0  }
0x1fc: {  	[sflag:s14] =	ssyncadd.s32 $0xFFFFCE00  }
0x1fd: {  	v1 =	vld [tilespmem:$0x7980]  }
0x1fe: {  	v7 =	vld [tilespmem:$0x7100]  }
0x1ff: {  	v8 =	vld [tilespmem:$0x7180]  }
0x200: {  	v9 =	vld [tilespmem:$0x7200]  }
0x201: {  	v10 =	vld [tilespmem:$0x7280]  }
0x202: {  	v11 =	vld [tilespmem:$0x7300]  }
0x203: {  	v12 =	vld [tilespmem:$0x7380]  }
0x204: {  	v13 =	vld [tilespmem:$0x7400]  }
0x205: {  	v14 =	vld [tilespmem:$0x7500]  }
0x206: {  	v39 =	vld [tilespmem:$0x7580];
	v7 =	vadd.f32 v7, v1  }
0x207: {  	v15 =	vld [tilespmem:$0x7600]  }
0x208: {  	v40 =	vld [tilespmem:$0x7680];
	v7 =	vadd.f32 v8, v7  }
0x209: {  	v16 =	vld [tilespmem:$0x7700]  }
0x20a: {  	v41 =	vld [tilespmem:$0x7110];
	v7 =	vadd.f32 v9, v7  }
0x20b: {  	v17 =	vld [tilespmem:$0x7780]  }
0x20c: {  	v18 =	vld [tilespmem:$0x7190];
	v7 =	vadd.f32 v10, v7  }
0x20d: {  	v19 =	vld [tilespmem:$0x7800]  }
0x20e: {  	v43 =	vld [tilespmem:$0x7210];
	v7 =	vadd.f32 v11, v7  }
0x20f: {  	v8 =	vld [tilespmem:$0x7480]  }
0x210: {  	v20 =	vld [tilespmem:$0x7880];
	v7 =	vadd.f32 v12, v7  }
0x211: {  	v44 =	vld [tilespmem:$0x7310]  }
0x212: {  	v45 =	vld [tilespmem:$0x7390];
	v7 =	vadd.f32 v13, v7  }
0x213: {  	v46 =	vld [tilespmem:$0x7410];
	v11 =	vadd.f32 v41, v1  }
0x214: {  	v7 =	vadd.f32 v8, v7;
	v8 =	vld [tilespmem:$0x7290]  }
0x215: {  	v47 =	vld [tilespmem:$0x7490];
	v11 =	vadd.f32 v18, v11  }
0x216: {  	v48 =	vld [tilespmem:$0x7510]  }
0x217: {  	v49 =	vld [tilespmem:$0x7120];
	v11 =	vadd.f32 v43, v11  }
0x218: {  	v50 =	vld [tilespmem:$0x7590]  }
0x219: {  	v51 =	vld [tilespmem:$0x71A0];
	v7 =	vadd.f32 v14, v7;
	v8 =	vadd.f32 v8, v11  }
0x21a: {  	v52 =	vld [tilespmem:$0x7610]  }
0x21b: {  	v53 =	vld [tilespmem:$0x7220];
	v7 =	vadd.f32 v39, v7;
	v8 =	vadd.f32 v44, v8  }
0x21c: {  	v54 =	vld [tilespmem:$0x7690]  }
0x21d: {  	v55 =	vld [tilespmem:$0x72A0];
	v7 =	vadd.f32 v15, v7;
	v8 =	vadd.f32 v45, v8  }
0x21e: {  	s28 =	ssub.s32 s0, s28;
	v57 =	vld [tilespmem:$0x7710]  }
0x21f: {  	v42 =	vadd.s32 s28, v0;
	v58 =	vld [tilespmem:$0x7320];
	v7 =	vadd.f32 v40, v7;
	v8 =	vadd.f32 v46, v8  }
0x220: {  	v59 =	vld [tilespmem:$0x7790];
	v14 =	vadd.f32 v49, v1  }
0x221: {  	v61 =	vld [tilespmem:$0x73A0];
	v7 =	vadd.f32 v16, v7;
	v8 =	vadd.f32 v47, v8  }
0x222: {  	v63 =	vld [tilespmem:$0x7810];
	v13 =	vadd.f32 v51, v14  }
0x223: {  	v21 =	vld [tilespmem:$0x7420];
	v7 =	vadd.f32 v17, v7;
	v8 =	vadd.f32 v48, v8  }
0x224: {  	v12 =	vld.idx.msk [tilespmem:v42+s17+$0x0], $0xffff;
	v9 =	vadd.f32 v53, v13  }
0x225: {  	v22 =	vld [tilespmem:$0x7890];
	v7 =	vadd.f32 v19, v7;
	v8 =	vadd.f32 v50, v8  }
0x226: {  	v23 =	vld [tilespmem:$0x7520];
	v9 =	vadd.f32 v55, v9  }
0x227: {  	v24 =	vld [tilespmem:$0x75A0];
	v7 =	vadd.f32 v20, v7;
	v8 =	vadd.f32 v52, v8  }
0x228: {  	v25 =	vld [tilespmem:$0x7620];
	v9 =	vadd.f32 v58, v9  }
0x229: {  	v62 =	vmul.f32 v7, v12;
	[tilespmem:$0x7AC8] =	vst v7;
	v7 =	vadd.f32 v54, v8;
	v8 =	vld [tilespmem:$0x74A0]  }
0x22a: {  	v26 =	vld [tilespmem:$0x76A0];
	v9 =	vadd.f32 v61, v9  }
0x22b: {  	v27 =	vld [tilespmem:$0x7720]  }
0x22c: {  	v60 =	vadd.s32 s28, v56;
	v28 =	vld [tilespmem:$0x7130];
	v9 =	vadd.f32 v21, v9  }
0x22d: {  	v29 =	vld [tilespmem:$0x77A0]  }
0x22e: {  	v31 =	vld [tilespmem:$0x71B0];
	v7 =	vadd.f32 v57, v7;
	v8 =	vadd.f32 v8, v9  }
0x22f: {  	v33 =	vld [tilespmem:$0x7820];
	[tilespmem:$0x7A00] =	vst v12  }
0x230: {  	v34 =	vld [tilespmem:$0x7230];
	[tilespmem:$0x7A64] =	vst v62;
	v7 =	vadd.f32 v59, v7;
	v8 =	vadd.f32 v23, v8  }
0x231: {  	v10 =	vld.idx.msk [tilespmem:v60+s17+$0x0], $0xffff  }
0x232: {  	v35 =	vld [tilespmem:$0x78A0];
	v7 =	vadd.f32 v63, v7;
	v8 =	vadd.f32 v24, v8  }
0x233: {  	v38 =	vld [tilespmem:$0x7330]  }
0x234: {  	v41 =	vld [tilespmem:$0x74B0];
	v7 =	vadd.f32 v22, v7;
	v8 =	vadd.f32 v25, v8  }
0x235: {  	v42 =	vld [tilespmem:$0x7530];
	v13 =	vadd.f32 v28, v1  }
0x236: {  	v32 =	vmul.f32 v7, v10;
	[tilespmem:$0x7AD8] =	vst v7;
	v7 =	vadd.f32 v26, v8;
	v8 =	vld [tilespmem:$0x72B0]  }
0x237: {  	v43 =	vld [tilespmem:$0x75B0];
	v37 =	vadd.f32 v31, v13  }
0x238: {  	v49 =	vld [tilespmem:$0x77B0]  }
0x239: {  	v30 =	vadd.s32 s28, v2;
	v39 =	vld [tilespmem:$0x73B0];
	[tilespmem:$0x7A10] =	vst v10;
	v10 =	vadd.f32 v34, v37  }
0x23a: {  	v53 =	vld [tilespmem:$0x71C0]  }
0x23b: {  	v28 =	vld [tilespmem:$0x7740];
	v7 =	vadd.f32 v27, v7;
	v8 =	vadd.f32 v8, v10  }
0x23c: {  	v40 =	vld [tilespmem:$0x7430]  }
0x23d: {  	v44 =	vld [tilespmem:$0x7630];
	[tilespmem:$0x7A74] =	vst v32;
	v7 =	vadd.f32 v29, v7;
	v8 =	vadd.f32 v38, v8  }
0x23e: {  	v36 =	vld.idx.msk [tilespmem:v30+s17+$0x0], $0xffff  }
0x23f: {  	v55 =	vld [tilespmem:$0x72C0];
	v7 =	vadd.f32 v33, v7;
	v8 =	vadd.f32 v39, v8  }
0x240: {  	v45 =	vld [tilespmem:$0x76B0]  }
0x241: {  	v58 =	vld [tilespmem:$0x73C0];
	v7 =	vadd.f32 v35, v7;
	v8 =	vadd.f32 v40, v8  }
0x242: {  	v61 =	vld [tilespmem:$0x7540]  }
0x243: {  	v21 =	vld [tilespmem:$0x75C0];
	v47 =	vmul.f32 v7, v36;
	[tilespmem:$0x7AE8] =	vst v7;
	v7 =	vadd.f32 v41, v8  }
0x244: {  	v48 =	vld [tilespmem:$0x7730]  }
0x245: {  	v50 =	vld [tilespmem:$0x7830];
	v7 =	vadd.f32 v42, v7  }
0x246: {  	v52 =	vld [tilespmem:$0x7140]  }
0x247: {  	v62 =	vld [tilespmem:$0x7640];
	v7 =	vadd.f32 v43, v7  }
0x248: {  	v54 =	vld [tilespmem:$0x7240]  }
0x249: {  	v60 =	vld [tilespmem:$0x74C0];
	v7 =	vadd.f32 v44, v7  }
0x24a: {  	v57 =	vld [tilespmem:$0x7340]  }
0x24b: {  	v46 =	vadd.s32 s28, v3;
	v15 =	vadd.f32 v52, v1;
	v59 =	vld [tilespmem:$0x7440];
	v7 =	vadd.f32 v45, v7  }
0x24c: {  	v63 =	vld [tilespmem:$0x76C0]  }
0x24d: {  	v15 =	vadd.f32 v53, v15;
	v22 =	vld [tilespmem:$0x71D0];
	v7 =	vadd.f32 v48, v7  }
0x24e: {  	[tilespmem:$0x7A20] =	vst v36;
	v8 =	vld [tilespmem:$0x78B0]  }
0x24f: {  	v13 =	vadd.f32 v54, v15;
	v29 =	vld [tilespmem:$0x7150];
	[tilespmem:$0x7A84] =	vst v47;
	v7 =	vadd.f32 v49, v7  }
0x250: {  	v51 =	vld.idx.msk [tilespmem:v46+s17+$0x0], $0xffff  }
0x251: {  	v13 =	vadd.f32 v55, v13;
	v24 =	vld [tilespmem:$0x7840];
	v7 =	vadd.f32 v50, v7  }
0x252: {  	v34 =	vld [tilespmem:$0x72D0]  }
0x253: {  	v31 =	vadd.f32 v57, v13;
	v32 =	vld [tilespmem:$0x7250];
	v7 =	vadd.f32 v8, v7  }
0x254: {  	v37 =	vld [tilespmem:$0x73D0];
	v15 =	vadd.f32 v29, v1  }
0x255: {  	v33 =	vld [tilespmem:$0x78C0];
	v23 =	vmul.f32 v7, v51;
	[tilespmem:$0x7AF8] =	vst v7;
	v7 =	vadd.f32 v58, v31  }
0x256: {  	v38 =	vld [tilespmem:$0x71E0];
	v15 =	vadd.f32 v22, v15  }
0x257: {  	v35 =	vld [tilespmem:$0x7350];
	v7 =	vadd.f32 v59, v7  }
0x258: {  	v36 =	vld [tilespmem:$0x7160];
	v13 =	vadd.f32 v32, v15  }
0x259: {  	v39 =	vld [tilespmem:$0x7450];
	v7 =	vadd.f32 v60, v7  }
0x25a: {  	v40 =	vld [tilespmem:$0x7260];
	v10 =	vadd.f32 v34, v13  }
0x25b: {  	v47 =	vld [tilespmem:$0x7650];
	v7 =	vadd.f32 v61, v7  }
0x25c: {  	v41 =	vld [tilespmem:$0x74D0];
	v10 =	vadd.f32 v35, v10  }
0x25d: {  	v1 =	vadd.f32 v36, v1;
	v42 =	vld [tilespmem:$0x72E0];
	v7 =	vadd.f32 v21, v7  }
0x25e: {  	v43 =	vld [tilespmem:$0x7550];
	v10 =	vadd.f32 v37, v10  }
0x25f: {  	v1 =	vadd.f32 v38, v1;
	v44 =	vld [tilespmem:$0x7360];
	v7 =	vadd.f32 v62, v7  }
0x260: {  	v10 =	vadd.f32 v39, v10;
	v8 =	vld [tilespmem:$0x77C0]  }
0x261: {  	v1 =	vadd.f32 v40, v1;
	v45 =	vld [tilespmem:$0x75D0];
	v7 =	vadd.f32 v63, v7  }
0x262: {  	v46 =	vld [tilespmem:$0x73E0];
	v10 =	vadd.f32 v41, v10  }
0x263: {  	v30 =	vadd.s32 s28, v4;
	v1 =	vadd.f32 v42, v1;
	v48 =	vld [tilespmem:$0x7460];
	v7 =	vadd.f32 v28, v7  }
0x264: {  	v9 =	vadd.f32 v43, v10;
	v49 =	vld [tilespmem:$0x74E0]  }
0x265: {  	v1 =	vadd.f32 v44, v1;
	v7 =	vadd.f32 v8, v7;
	v8 =	vld [tilespmem:$0x76D0]  }
0x266: {  	[tilespmem:$0x7A30] =	vst v51;
	v9 =	vadd.f32 v45, v9;
	v50 =	vld [tilespmem:$0x7750]  }
0x267: {  	v1 =	vadd.f32 v46, v1;
	v51 =	vld [tilespmem:$0x7560];
	[tilespmem:$0x7A94] =	vst v23  }
0x268: {  	v9 =	vadd.f32 v47, v9;
	v17 =	vld.idx.msk [tilespmem:v30+s17+$0x0], $0xffff  }
0x269: {  	v52 =	vld [tilespmem:$0x77D0];
	v1 =	vadd.f32 v48, v1;
	v7 =	vadd.f32 v24, v7  }
0x26a: {  	v54 =	vld [tilespmem:$0x75E0];
	v8 =	vadd.f32 v8, v9  }
0x26b: {  	v53 =	vadd.s32 s28, v5;
	v57 =	vld [tilespmem:$0x7850];
	v1 =	vadd.f32 v49, v1;
	v7 =	vadd.f32 v33, v7  }
0x26c: {  	v58 =	vld [tilespmem:$0x7660];
	v8 =	vadd.f32 v50, v8  }
0x26d: {  	v59 =	vld [tilespmem:$0x78D0];
	v1 =	vadd.f32 v51, v1;
	[tilespmem:$0x7A40] =	vst v17;
	v55 =	vmul.f32 v7, v17  }
0x26e: {  	[tilespmem:$0x7B08] =	vst v7;
	v7 =	vadd.f32 v52, v8;
	v8 =	vld [tilespmem:$0x76E0]  }
0x26f: {  	v60 =	vld [tilespmem:$0x7760];
	v1 =	vadd.f32 v54, v1;
	[tilespmem:$0x7AA4] =	vst v55  }
0x270: {  	v9 =	vld.idx.msk [tilespmem:v53+s17+$0x0], $0xffff  }
0x271: {  	v1 =	vadd.f32 v58, v1;
	v7 =	vadd.f32 v57, v7  }
0x272: {  	v61 =	vld [tilespmem:$0x77E0]  }
0x273: {  	v7 =	vadd.f32 v59, v7;
	v1 =	vadd.f32 v8, v1;
	v8 =	vadd.s32 s28, v6  }
0x274: {  	v62 =	vld [tilespmem:$0x7860]  }
0x275: {  	[tilespmem:$0x7A50] =	vst v9;
	v12 =	vmul.f32 v7, v9;
	v1 =	vadd.f32 v60, v1  }
0x276: {  	v63 =	vld [tilespmem:$0x78E0];
	[tilespmem:$0x7B18] =	vst v7  }
0x277: {  	[tilespmem:$0x7AB4] =	vst v12;
	v1 =	vadd.f32 v61, v1  }
0x278: {  	v7 =	vld.idx.msk [tilespmem:v8+s17+$0x0], $0xffff  }
0x279: {  	v1 =	vadd.f32 v62, v1;
	_ =	sdelay $0x1  }
0x27a: {  	v1 =	vadd.f32 v63, v1;
	_ =	sdelay $0x1  }
0x27b: {  	v8 =	vmul.f32 v1, v7;
	[tilespmem:$0x7A54] =	vst v7  }
0x27c: {  	[tilespmem:$0x7B1C] =	vst v1  }
.Ltmp3:
0x27d: {  	[tilespmem:$0x7AB8] =	vst v8;
	(pc) =	sbr.rel .LBB2_3-.Ltmp3, $4  }
0x27e: {  	[hbm4b:s3+s5] =	stream.linear.scatter [tilespmem:s26], [sflag:$0x3], $0x180, $0x38;
	[tilespmem:$0x7BF0] =	vst v63  }
0x27f: {  	_ =	swait.ge [sflag:s12], $0x180  }
0x280: {  	[sflag:s12] =	ssyncset.done $0x0  }
0x281: {  	[sflag:s12] =	ssyncadd.s32 $0xFFFFFE80  }
.LBB2_4:
0x282: {  	_ =	sfence.sel $0x180000  }
0x283: {  	[bflag:$0x0] =	sbarrier.arrive $0xFFFF  }
0x284: {  	_ =	strace $0x90000047  }
0x285: {  	[bflag:$0x2] =	sbarrier.arrive $0xFFFF  }
0x286: {  	s0 =	rddreg [dreg:$0x5]  }
0x287: {  	s0 =	sadd.s32 @!p0 $0x100000, s0  }
0x288: {  	[sflag:s0] =	ssyncadd.tile.s32 @!p0 $0x1;
	_ =	shalt  }
.Lfunc_end2:
_tile_overlayer_lowered:
.L_overlay_start_2:
0x289: {  	(tag) =	ssettag $0x2  }
0x28a: {  	s0 =	rddreg [dreg:$0x0];
	s2 =	stileid.u32  }
0x28b: {  	s1 =	rddreg [dreg:$0x1];
	p0 =	sne.s32 s2, $0x0  }
0x28c: {  	s3 =	rddreg [dreg:$0x2];
	[bflag:$0x3] =	sbarrier.arrive $0xFFFF;
	s2 =	simm.s32 @!p0 $0x1C03  }
0x28d: {  	[timem:s3], [sflag:s2] =	dma.local @!p0 [hbm:s0], s1  }
0x28e: {  	s0 =	simm.s32 @!p0 $0x3  }
0x28f: {  	_ =	swait.ge @!p0 [sflag:s0], s1  }
0x290: {  	s1 =	ssub.s32 @!p0 $0x0, s1;
	[sflag:s0] =	ssyncset.done @!p0 $0x0  }
0x291: {  	[sflag:s0] =	ssyncadd.s32 @!p0 s1  }
0x292: {  	[bflag:$0x3] =	sbarrier.arrive $0xFFFF  }
0x293: {  	_ =	shalt  }

</sc_bundles>
